<compile_context>
chip_gen: v7x
topology: tpu7x:2x2x1
jax: 0.10.2.dev20260603
libtpu: 0.0.44.dev20260713+nightly
codegen_flags: <defaults>
</compile_context>

<pallas_src>
import jax
import jax.numpy as jnp
from jax import lax
from jax.experimental import pallas as pl
from jax.experimental.pallas import tpu as pltpu
from jax.experimental.pallas import tpu_sc as plsc

N_NODES = 10000
N_EDGES = 160000
D = 256
H = 128
L = 16
NC = 2
NS = 16
CHUNK = 80
NCHUNK = N_EDGES // CHUNK
TRIPS = NCHUNK // NS
ZCH = 80
NZCH = N_NODES // ZCH
ZTRIPS = (NZCH + NS - 1) // NS
GARBAGE = N_NODES
ACC_ROWS = N_NODES + 8


def _sc_body(xr_hbm, src_hbm, dst_hbm, out0_hbm, out1_hbm, cnt0_hbm, cnt1_hbm,
             sraw0, sraw1, sraw2, draw0, draw1, draw2,
             gidx0, gidx1, gidx2, didx0, didx1, didx2,
             rows0, rows1, rows2, ones_v, zc_v, acc, cntacc,
             sem_i0, sem_i1, sem_i2, sem_g0, sem_g1, sem_g2,
             sem_s0, sem_s1, sem_s2, sem_c0, sem_c1, sem_c2):
    c = lax.axis_index("c")
    s = lax.axis_index("s")

    sraw = (sraw0, sraw1, sraw2)
    draw = (draw0, draw1, draw2)
    gidx = (gidx0, gidx1, gidx2)
    didx = (didx0, didx1, didx2)
    rows = (rows0, rows1, rows2)
    sem_i = (sem_i0, sem_i1, sem_i2)
    sem_g = (sem_g0, sem_g1, sem_g2)
    sem_s = (sem_s0, sem_s1, sem_s2)
    sem_c = (sem_c0, sem_c1, sem_c2)

    zero16 = jnp.zeros((L,), jnp.float32)
    one16 = jnp.ones((L,), jnp.float32)

    @pl.loop(0, CHUNK)
    def _zr(r):
        for j in range(H // L):
            rows0[r, pl.ds(j * L, L)] = zero16
        ones_v[r, :] = one16
        zc_v[r, :] = zero16

    @pl.loop(0, ZTRIPS)
    def _za(i):
        ch = i * NS + s

        @pl.when(ch < NZCH)
        def _():
            r0 = ch * ZCH
            pltpu.sync_copy(rows0.at[0:ZCH], acc.at[pl.ds(r0, ZCH)])
            pltpu.sync_copy(zc_v, cntacc.at[pl.ds(r0, ZCH)])

    plsc.subcore_barrier()

    def _chunk_row(i):
        return s * TRIPS + jnp.minimum(i, TRIPS - 1)

    def _start_idx(b, i):
        r = _chunk_row(i)
        pltpu.async_copy(src_hbm.at[r], sraw[b], sem_i[b])
        pltpu.async_copy(dst_hbm.at[r], draw[b], sem_i[b])

    def _wait_idx(b, i):
        r = _chunk_row(i)
        pltpu.make_async_copy(src_hbm.at[r], sraw[b], sem_i[b]).wait()
        pltpu.make_async_copy(dst_hbm.at[r], draw[b], sem_i[b]).wait()

    def _compute(b):
        for j in range(CHUNK // L):
            sv = sraw[b][pl.ds(j * L, L)]
            dv = draw[b][pl.ds(j * L, L)]
            gidx[b][pl.ds(j * L, L)] = sv * 2 + c
            didx[b][pl.ds(j * L, L)] = jnp.where(
                sv == dv, jnp.int32(GARBAGE), dv)

    def _start_gather(b):
        pltpu.async_copy(xr_hbm.at[gidx[b]], rows[b], sem_g[b])

    def _wait_gather(b):
        pltpu.make_async_copy(xr_hbm.at[gidx[b]], rows[b], sem_g[b]).wait()

    def _counts_here(i):
        return ((s * TRIPS + i) & 1) == c

    def _start_scatter(b, i):
        pltpu.async_copy(rows[b], acc.at[didx[b]], sem_s[b], add=True)

        @pl.when(_counts_here(i))
        def _():
            pltpu.async_copy(ones_v, cntacc.at[didx[b]], sem_c[b], add=True)

    def _wait_scatter(b, i):
        pltpu.make_async_copy(rows[b], acc.at[didx[b]], sem_s[b]).wait()

        @pl.when(_counts_here(i))
        def _():
            pltpu.make_async_copy(ones_v, cntacc.at[didx[b]], sem_c[b]).wait()

    _start_idx(0, 0)
    _start_idx(1, 1)
    _start_idx(2, 2)
    _wait_idx(0, 0)
    _compute(0)
    _start_gather(0)
    _start_idx(0, 3)
    _wait_idx(1, 1)
    _compute(1)
    _start_gather(1)
    _start_idx(1, 4)
    _wait_gather(0)
    _start_scatter(0, 0)
    _wait_idx(2, 2)
    _compute(2)
    _start_gather(2)
    _start_idx(2, 5)
    _wait_gather(1)
    _start_scatter(1, 1)

    def _slot(b, i):
        bp = (b + 2) % 3
        _wait_scatter(b, i - 3)
        _wait_idx(b, i)
        _compute(b)
        _start_gather(b)
        _start_idx(b, i + 3)
        _wait_gather(bp)
        _start_scatter(bp, i - 1)

    @pl.loop(0, (TRIPS - 5) // 3)
    def _edges(j):
        i0 = 3 * j + 3
        _slot(0, i0)
        _slot(1, i0 + 1)
        _slot(2, i0 + 2)

    _wait_scatter(0, TRIPS - 5)
    _wait_idx(0, TRIPS - 2)
    _compute(0)
    _start_gather(0)
    _wait_gather(2)
    _start_scatter(2, TRIPS - 3)
    _wait_scatter(1, TRIPS - 4)
    _wait_idx(1, TRIPS - 1)
    _compute(1)
    _start_gather(1)
    _wait_gather(0)
    _start_scatter(0, TRIPS - 2)
    _wait_gather(1)
    _start_scatter(1, TRIPS - 1)
    _wait_scatter(2, TRIPS - 3)
    _wait_scatter(0, TRIPS - 2)
    _wait_scatter(1, TRIPS - 1)
    _wait_idx(2, TRIPS - 1)

    plsc.subcore_barrier()

    @pl.loop(0, ZTRIPS)
    def _out(i):
        ch = i * NS + s

        @pl.when(ch < NZCH)
        def _():
            r0 = ch * ZCH
            pltpu.sync_copy(acc.at[pl.ds(r0, ZCH)], rows0.at[0:ZCH])
            pltpu.sync_copy(cntacc.at[pl.ds(r0, ZCH)], zc_v)

            @pl.when(c == 0)
            def _():
                pltpu.sync_copy(rows0.at[0:ZCH], out0_hbm.at[pl.ds(r0, ZCH)])
                pltpu.sync_copy(zc_v, cnt0_hbm.at[pl.ds(r0, ZCH)])

            @pl.when(c == 1)
            def _():
                pltpu.sync_copy(rows0.at[0:ZCH], out1_hbm.at[pl.ds(r0, ZCH)])
                pltpu.sync_copy(zc_v, cnt1_hbm.at[pl.ds(r0, ZCH)])


def _make_sc_aggregate():
    mesh = plsc.VectorSubcoreMesh(core_axis_name="c", subcore_axis_name="s",
                                  num_cores=NC, num_subcores=NS)
    return pl.kernel(
        _sc_body,
        compiler_params=pltpu.CompilerParams(use_tc_tiling_on_sc=False),
        out_type=(
            jax.ShapeDtypeStruct((N_NODES, H), jnp.float32),
            jax.ShapeDtypeStruct((N_NODES, H), jnp.float32),
            jax.ShapeDtypeStruct((N_NODES, L), jnp.float32),
            jax.ShapeDtypeStruct((N_NODES, L), jnp.float32),
        ),
        mesh=mesh,
        scratch_types=(
            pltpu.VMEM((CHUNK,), jnp.int32),
            pltpu.VMEM((CHUNK,), jnp.int32),
            pltpu.VMEM((CHUNK,), jnp.int32),
            pltpu.VMEM((CHUNK,), jnp.int32),
            pltpu.VMEM((CHUNK,), jnp.int32),
            pltpu.VMEM((CHUNK,), jnp.int32),
            pltpu.VMEM((CHUNK,), jnp.int32),
            pltpu.VMEM((CHUNK,), jnp.int32),
            pltpu.VMEM((CHUNK,), jnp.int32),
            pltpu.VMEM((CHUNK,), jnp.int32),
            pltpu.VMEM((CHUNK,), jnp.int32),
            pltpu.VMEM((CHUNK,), jnp.int32),
            pltpu.VMEM((CHUNK, H), jnp.float32),
            pltpu.VMEM((CHUNK, H), jnp.float32),
            pltpu.VMEM((CHUNK, H), jnp.float32),
            pltpu.VMEM((CHUNK, L), jnp.float32),
            pltpu.VMEM((ZCH, L), jnp.float32),
            pltpu.VMEM_SHARED((ACC_ROWS, H), jnp.float32),
            pltpu.VMEM_SHARED((ACC_ROWS, L), jnp.float32),
            pltpu.SemaphoreType.DMA,
            pltpu.SemaphoreType.DMA,
            pltpu.SemaphoreType.DMA,
            pltpu.SemaphoreType.DMA,
            pltpu.SemaphoreType.DMA,
            pltpu.SemaphoreType.DMA,
            pltpu.SemaphoreType.DMA,
            pltpu.SemaphoreType.DMA,
            pltpu.SemaphoreType.DMA,
            pltpu.SemaphoreType.DMA,
            pltpu.SemaphoreType.DMA,
            pltpu.SemaphoreType.DMA,
        ),
    )


def _mlp_body(x_ref, a0_ref, a1_ref, c0_ref, c1_ref, w1_ref, b1_ref, w2_ref,
              b2_ref, o_ref):
    cnt = c0_ref[:, 0:1] + c1_ref[:, 0:1]
    inv = 1.0 / jnp.maximum(cnt, 1.0)
    m = jnp.concatenate([a0_ref[...], a1_ref[...]], axis=1) * inv
    h = x_ref[...] + m
    h = jnp.dot(h, w1_ref[...], preferred_element_type=jnp.float32) + b1_ref[...]
    h = jnp.where(h >= 0, h, 0.01 * h)
    h = jnp.dot(h, w2_ref[...], preferred_element_type=jnp.float32) + b2_ref[...]
    o_ref[...] = jnp.where(h >= 0, h, 0.01 * h)


_BLK = 1000


def _mlp(x, a0, a1, cnt0, cnt1, W1, b1, W2, b2):
    grid = (N_NODES // _BLK,)
    return pl.pallas_call(
        _mlp_body,
        grid=grid,
        in_specs=[
            pl.BlockSpec((_BLK, D), lambda i: (i, 0)),
            pl.BlockSpec((_BLK, H), lambda i: (i, 0)),
            pl.BlockSpec((_BLK, H), lambda i: (i, 0)),
            pl.BlockSpec((_BLK, L), lambda i: (i, 0)),
            pl.BlockSpec((_BLK, L), lambda i: (i, 0)),
            pl.BlockSpec((D, D), lambda i: (0, 0)),
            pl.BlockSpec((1, D), lambda i: (0, 0)),
            pl.BlockSpec((D, D), lambda i: (0, 0)),
            pl.BlockSpec((1, D), lambda i: (0, 0)),
        ],
        out_specs=pl.BlockSpec((_BLK, D), lambda i: (i, 0)),
        out_shape=jax.ShapeDtypeStruct((N_NODES, D), jnp.float32),
    )(x, a0, a1, cnt0, cnt1, W1, b1, W2, b2)


def kernel(x, edge_index, W1, b1, W2, b2):
    src = edge_index[0].reshape(NCHUNK, CHUNK)
    dst = edge_index[1].reshape(NCHUNK, CHUNK)
    xr = x.reshape(2 * N_NODES, H)
    sc = _make_sc_aggregate()
    summed0, summed1, cnt0, cnt1 = sc(xr, src, dst)
    return _mlp(x, summed0, summed1, cnt0, cnt1, W1, b1.reshape(1, D),
                W2, b2.reshape(1, D))

# --- scband reference (transcript-rebuilt; emitter-appended) ---
"""Pipeline reference for scband-my-mean-ginconv-72086731096481 (READ-ONLY COPY).

The authoritative reference and input builder live on the scoring server;
editing this copy changes nothing except your own understanding.
"""

import jax, jax.numpy as jnp
import numpy as np

N_NODES = 10000
N_EDGES = 160000
D_IN = 256
D_OUT = 256


def _leaky_relu(v):
    return jnp.where(v >= 0, v, 0.01 * v)


def setup_inputs(seed: int = 0) -> dict:
    key = jax.random.key(seed)
    k1, k2, k3, k4, k5, k6 = jax.random.split(key, 6)
    x = jax.random.normal(k1, (N_NODES, D_IN), dtype=jnp.float32)
    edge_index = jax.random.randint(k2, (2, N_EDGES), 0, N_NODES, dtype=jnp.int32)
    # MLP from cal_size_list(256, 256, 2) -> [256, 256, 256]: two Linear layers with bias,
    # each followed by LeakyReLU (last_activation is also LeakyReLU).
    bound1 = 1.0 / np.sqrt(D_IN)
    W1 = jax.random.uniform(k3, (D_IN, D_IN), minval=-bound1, maxval=bound1, dtype=jnp.float32)
    b1 = jax.random.uniform(k4, (D_IN,), minval=-bound1, maxval=bound1, dtype=jnp.float32)
    bound2 = 1.0 / np.sqrt(D_IN)
    W2 = jax.random.uniform(k5, (D_IN, D_OUT), minval=-bound2, maxval=bound2, dtype=jnp.float32)
    b2 = jax.random.uniform(k6, (D_OUT,), minval=-bound2, maxval=bound2, dtype=jnp.float32)
    return {"x": x, "edge_index": edge_index, "W1": W1, "b1": b1, "W2": W2, "b2": b2}


def reference(x, edge_index, W1, b1, W2, b2):
    eps = 0.0  # buffer, initial_eps=0, train_eps=False
    n = x.shape[0]
    src = edge_index[0]
    dst = edge_index[1]
    # remove_self_loops: mask out edges where src == dst
    mask = (src != dst)
    maskf = mask.astype(x.dtype)
    # message: x_j = x[src]; aggr='mean' at dst
    msg = jnp.take(x, src, axis=0) * maskf[:, None]
    summed = jax.ops.segment_sum(msg, dst, num_segments=n)
    cnt = jax.ops.segment_sum(maskf, dst, num_segments=n)
    mean_agg = summed / jnp.maximum(cnt, 1.0)[:, None]
    h = (1.0 + eps) * x + mean_agg
    h = _leaky_relu(h @ W1 + b1)
    h = _leaky_relu(h @ W2 + b2)
    return h

if __name__ == "__main__":
    import jax
    _d = setup_inputs()
    print(jax.jit(kernel)(*tuple(_d.values())))

</pallas_src>

<mosaic_0001>
#map = affine_map<(d0, d1) -> (0, 0)>
module attributes {stable_mosaic.version = 14 : i64} {
  func.func @_sc_body(%arg0: i32, %arg1: i32, %arg2: memref<20000x128xf32, #tpu.memory_space<hbm>>, %arg3: memref<2000x80xi32, #tpu.memory_space<hbm>>, %arg4: memref<2000x80xi32, #tpu.memory_space<hbm>>, %arg5: memref<10000x128xf32, #tpu.memory_space<hbm>>, %arg6: memref<10000x128xf32, #tpu.memory_space<hbm>>, %arg7: memref<10000x16xf32, #tpu.memory_space<hbm>>, %arg8: memref<10000x16xf32, #tpu.memory_space<hbm>>, %arg9: memref<80xi32, #tpu.memory_space<vmem>>, %arg10: memref<80xi32, #tpu.memory_space<vmem>>, %arg11: memref<80xi32, #tpu.memory_space<vmem>>, %arg12: memref<80xi32, #tpu.memory_space<vmem>>, %arg13: memref<80xi32, #tpu.memory_space<vmem>>, %arg14: memref<80xi32, #tpu.memory_space<vmem>>, %arg15: memref<80xi32, #tpu.memory_space<vmem>>, %arg16: memref<80xi32, #tpu.memory_space<vmem>>, %arg17: memref<80xi32, #tpu.memory_space<vmem>>, %arg18: memref<80xi32, #tpu.memory_space<vmem>>, %arg19: memref<80xi32, #tpu.memory_space<vmem>>, %arg20: memref<80xi32, #tpu.memory_space<vmem>>, %arg21: memref<80x128xf32, #tpu.memory_space<vmem>>, %arg22: memref<80x128xf32, #tpu.memory_space<vmem>>, %arg23: memref<80x128xf32, #tpu.memory_space<vmem>>, %arg24: memref<80x16xf32, #tpu.memory_space<vmem>>, %arg25: memref<80x16xf32, #tpu.memory_space<vmem>>, %arg26: memref<10008x128xf32, #tpu.memory_space<vmem_shared>>, %arg27: memref<10008x16xf32, #tpu.memory_space<vmem_shared>>, %arg28: memref<!tpu.dma_semaphore, #tpu.memory_space<semaphore_mem>>, %arg29: memref<!tpu.dma_semaphore, #tpu.memory_space<semaphore_mem>>, %arg30: memref<!tpu.dma_semaphore, #tpu.memory_space<semaphore_mem>>, %arg31: memref<!tpu.dma_semaphore, #tpu.memory_space<semaphore_mem>>, %arg32: memref<!tpu.dma_semaphore, #tpu.memory_space<semaphore_mem>>, %arg33: memref<!tpu.dma_semaphore, #tpu.memory_space<semaphore_mem>>, %arg34: memref<!tpu.dma_semaphore, #tpu.memory_space<semaphore_mem>>, %arg35: memref<!tpu.dma_semaphore, #tpu.memory_space<semaphore_mem>>, %arg36: memref<!tpu.dma_semaphore, #tpu.memory_space<semaphore_mem>>, %arg37: memref<!tpu.dma_semaphore, #tpu.memory_space<semaphore_mem>>, %arg38: memref<!tpu.dma_semaphore, #tpu.memory_space<semaphore_mem>>, %arg39: memref<!tpu.dma_semaphore, #tpu.memory_space<semaphore_mem>>) attributes {dimension_semantics = [#tpu.dimension_semantics<core_parallel>, #tpu.dimension_semantics<subcore_parallel>], iteration_bounds = array<i64: 2, 16>, scalar_prefetch = 0 : i64, scratch_operands = 31 : i64, tpu.core_type = #tpu.core_type<sc_vector_subcore>, window_params = [{transform_indices = #map}, {transform_indices = #map}, {transform_indices = #map}, {transform_indices = #map}, {transform_indices = #map}, {transform_indices = #map}, {transform_indices = #map}]} {
    %broadcast_in_dim3A = arith.constant 0.000000e+00 : f32
    %broadcast_in_dim3A_0 = vector.broadcast %broadcast_in_dim3A : f32 to vector<16xf32>
    %broadcast_in_dim3A_1 = arith.constant 1.000000e+00 : f32
    %broadcast_in_dim3A_2 = vector.broadcast %broadcast_in_dim3A_1 : f32 to vector<16xf32>
    %scan3A = arith.constant 0 : i32
    %scan3A_3 = arith.constant 80 : i32
    %scan3A_4 = arith.addi %scan3A, %scan3A_3 : i32
    %scan3A_5 = arith.constant 1 : i32
    scf.for %scan3A_961 = %scan3A to %scan3A_4 step %scan3A_5  : i32 {
      %mul3A_962 = arith.constant 1 : i32
      %mul3A_963 = arith.muli %scan3A_961, %mul3A_962 : i32
      %add3A_964 = arith.constant 0 : i32
      %add3A_965 = arith.addi %add3A_964, %mul3A_963 : i32
      %swap3A_966 = arith.index_cast %add3A_965 : i32 to index
      %swap3A_967 = arith.constant 0 : index
      %swap3A_968 = tpu.vector_load %arg21[%swap3A_966, %swap3A_967] {strides = array<i32>} : memref<80x128xf32, #tpu.memory_space<vmem>>, vector<1x16xf32>,
      %swap3A_969 = vector.shape_cast %swap3A_968 : vector<1x16xf32> to vector<16xf32>
      %swap3A_970 = vector.shape_cast %broadcast_in_dim3A_0 : vector<16xf32> to vector<1x16xf32>
      tpu.vector_store %arg21[%swap3A_966, %swap3A_967], %swap3A_970 {strides = array<i32>} : memref<80x128xf32, #tpu.memory_space<vmem>>, vector<1x16xf32>,
      %swap3A_971 = arith.index_cast %add3A_965 : i32 to index
      %swap3A_972 = arith.constant 16 : index
      %swap3A_973 = tpu.vector_load %arg21[%swap3A_971, %swap3A_972] {strides = array<i32>} : memref<80x128xf32, #tpu.memory_space<vmem>>, vector<1x16xf32>,
      %swap3A_974 = vector.shape_cast %swap3A_973 : vector<1x16xf32> to vector<16xf32>
      %swap3A_975 = vector.shape_cast %broadcast_in_dim3A_0 : vector<16xf32> to vector<1x16xf32>
      tpu.vector_store %arg21[%swap3A_971, %swap3A_972], %swap3A_975 {strides = array<i32>} : memref<80x128xf32, #tpu.memory_space<vmem>>, vector<1x16xf32>,
      %swap3A_976 = arith.index_cast %add3A_965 : i32 to index
      %swap3A_977 = arith.constant 32 : index
      %swap3A_978 = tpu.vector_load %arg21[%swap3A_976, %swap3A_977] {strides = array<i32>} : memref<80x128xf32, #tpu.memory_space<vmem>>, vector<1x16xf32>,
      %swap3A_979 = vector.shape_cast %swap3A_978 : vector<1x16xf32> to vector<16xf32>
      %swap3A_980 = vector.shape_cast %broadcast_in_dim3A_0 : vector<16xf32> to vector<1x16xf32>
      tpu.vector_store %arg21[%swap3A_976, %swap3A_977], %swap3A_980 {strides = array<i32>} : memref<80x128xf32, #tpu.memory_space<vmem>>, vector<1x16xf32>,
      %swap3A_981 = arith.index_cast %add3A_965 : i32 to index
      %swap3A_982 = arith.constant 48 : index
      %swap3A_983 = tpu.vector_load %arg21[%swap3A_981, %swap3A_982] {strides = array<i32>} : memref<80x128xf32, #tpu.memory_space<vmem>>, vector<1x16xf32>,
      %swap3A_984 = vector.shape_cast %swap3A_983 : vector<1x16xf32> to vector<16xf32>
      %swap3A_985 = vector.shape_cast %broadcast_in_dim3A_0 : vector<16xf32> to vector<1x16xf32>
      tpu.vector_store %arg21[%swap3A_981, %swap3A_982], %swap3A_985 {strides = array<i32>} : memref<80x128xf32, #tpu.memory_space<vmem>>, vector<1x16xf32>,
      %swap3A_986 = arith.index_cast %add3A_965 : i32 to index
      %swap3A_987 = arith.constant 64 : index
      %swap3A_988 = tpu.vector_load %arg21[%swap3A_986, %swap3A_987] {strides = array<i32>} : memref<80x128xf32, #tpu.memory_space<vmem>>, vector<1x16xf32>,
      %swap3A_989 = vector.shape_cast %swap3A_988 : vector<1x16xf32> to vector<16xf32>
      %swap3A_990 = vector.shape_cast %broadcast_in_dim3A_0 : vector<16xf32> to vector<1x16xf32>
      tpu.vector_store %arg21[%swap3A_986, %swap3A_987], %swap3A_990 {strides = array<i32>} : memref<80x128xf32, #tpu.memory_space<vmem>>, vector<1x16xf32>,
      %swap3A_991 = arith.index_cast %add3A_965 : i32 to index
      %swap3A_992 = arith.constant 80 : index
      %swap3A_993 = tpu.vector_load %arg21[%swap3A_991, %swap3A_992] {strides = array<i32>} : memref<80x128xf32, #tpu.memory_space<vmem>>, vector<1x16xf32>,
      %swap3A_994 = vector.shape_cast %swap3A_993 : vector<1x16xf32> to vector<16xf32>
      %swap3A_995 = vector.shape_cast %broadcast_in_dim3A_0 : vector<16xf32> to vector<1x16xf32>
      tpu.vector_store %arg21[%swap3A_991, %swap3A_992], %swap3A_995 {strides = array<i32>} : memref<80x128xf32, #tpu.memory_space<vmem>>, vector<1x16xf32>,
      %swap3A_996 = arith.index_cast %add3A_965 : i32 to index
      %swap3A_997 = arith.constant 96 : index
      %swap3A_998 = tpu.vector_load %arg21[%swap3A_996, %swap3A_997] {strides = array<i32>} : memref<80x128xf32, #tpu.memory_space<vmem>>, vector<1x16xf32>,
      %swap3A_999 = vector.shape_cast %swap3A_998 : vector<1x16xf32> to vector<16xf32>
      %swap3A_1000 = vector.shape_cast %broadcast_in_dim3A_0 : vector<16xf32> to vector<1x16xf32>
      tpu.vector_store %arg21[%swap3A_996, %swap3A_997], %swap3A_1000 {strides = array<i32>} : memref<80x128xf32, #tpu.memory_space<vmem>>, vector<1x16xf32>,
      %swap3A_1001 = arith.index_cast %add3A_965 : i32 to index
      %swap3A_1002 = arith.constant 112 : index
      %swap3A_1003 = tpu.vector_load %arg21[%swap3A_1001, %swap3A_1002] {strides = array<i32>} : memref<80x128xf32, #tpu.memory_space<vmem>>, vector<1x16xf32>,
      %swap3A_1004 = vector.shape_cast %swap3A_1003 : vector<1x16xf32> to vector<16xf32>
      %swap3A_1005 = vector.shape_cast %broadcast_in_dim3A_0 : vector<16xf32> to vector<1x16xf32>
      tpu.vector_store %arg21[%swap3A_1001, %swap3A_1002], %swap3A_1005 {strides = array<i32>} : memref<80x128xf32, #tpu.memory_space<vmem>>, vector<1x16xf32>,
      %swap3A_1006 = arith.index_cast %add3A_965 : i32 to index
      %swap3A_1007 = arith.constant 0 : index
      %swap3A_1008 = tpu.vector_load %arg24[%swap3A_1006, %swap3A_1007] {strides = array<i32>} : memref<80x16xf32, #tpu.memory_space<vmem>>, vector<1x16xf32>,
      %swap3A_1009 = vector.shape_cast %swap3A_1008 : vector<1x16xf32> to vector<16xf32>
      %swap3A_1010 = vector.shape_cast %broadcast_in_dim3A_2 : vector<16xf32> to vector<1x16xf32>
      tpu.vector_store %arg24[%swap3A_1006, %swap3A_1007], %swap3A_1010 {strides = array<i32>} : memref<80x16xf32, #tpu.memory_space<vmem>>, vector<1x16xf32>,
      %swap3A_1011 = arith.index_cast %add3A_965 : i32 to index
      %swap3A_1012 = arith.constant 0 : index
      %swap3A_1013 = tpu.vector_load %arg25[%swap3A_1011, %swap3A_1012] {strides = array<i32>} : memref<80x16xf32, #tpu.memory_space<vmem>>, vector<1x16xf32>,
      %swap3A_1014 = vector.shape_cast %swap3A_1013 : vector<1x16xf32> to vector<16xf32>
      %swap3A_1015 = vector.shape_cast %broadcast_in_dim3A_0 : vector<16xf32> to vector<1x16xf32>
      tpu.vector_store %arg25[%swap3A_1011, %swap3A_1012], %swap3A_1015 {strides = array<i32>} : memref<80x16xf32, #tpu.memory_space<vmem>>, vector<1x16xf32>,
    }
    %scan3A_6 = arith.constant 80 : i32
    %scan3A_7 = arith.constant 0 : i32
    %scan3A_8 = arith.constant 8 : i32
    %scan3A_9 = arith.addi %scan3A_7, %scan3A_8 : i32
    %scan3A_10 = arith.constant 1 : i32
    scf.for %scan3A_961 = %scan3A_7 to %scan3A_9 step %scan3A_10  : i32 {
      %mul3A_962 = arith.constant 1 : i32
      %mul3A_963 = arith.muli %scan3A_961, %mul3A_962 : i32
      %add3A_964 = arith.constant 0 : i32
      %add3A_965 = arith.addi %add3A_964, %mul3A_963 : i32
      %mul3A_966 = arith.constant 16 : i32
      %mul3A_967 = arith.muli %add3A_965, %mul3A_966 : i32
      %add3A_968 = arith.addi %mul3A_967, %arg1 : i32
      %lt3A = arith.constant 125 : i32
      %lt3A_969 = arith.cmpi slt, %add3A_968, %lt3A : i32
      %convert_element_type3A_970 = arith.extui %lt3A_969 : i1 to i32
      %cond3A_971 = arith.constant 0 : i32
      %cond3A_972 = arith.cmpi ne, %convert_element_type3A_970, %cond3A_971 : i32
      scf.if %cond3A_972 {
        %mul3A_973 = arith.constant 80 : i32
        %mul3A_974 = arith.muli %add3A_968, %mul3A_973 : i32
        "tpu.region"() ({
          %run_scoped3A = tpu.sem_alloc : memref<!tpu.dma_semaphore, #tpu.memory_space<semaphore_mem>>
          %dma_start3A_975 = arith.constant 0 : i32
          %dma_start3A_976 = arith.constant 0 : i32
          %dma_start3A_977 = tpu.memref_slice %arg21[%dma_start3A_975, %dma_start3A_976] : memref<80x128xf32, #tpu.memory_space<vmem>> -> memref<80x128xf32, #tpu.memory_space<vmem>>
          %dma_start3A_978 = arith.constant 0 : i32
          %dma_start3A_979 = tpu.memref_slice %arg26[%mul3A_974, %dma_start3A_978] : memref<10008x128xf32, #tpu.memory_space<vmem_shared>> -> memref<80x128xf32, #tpu.memory_space<vmem_shared>>
          %dma_start3A_980 = arith.constant 0 : i32
          %dma_start3A_981 = tpu.memref_slice %arg26[%mul3A_974, %dma_start3A_980] : memref<10008x128xf32, #tpu.memory_space<vmem_shared>> -> memref<80x128xf32, #tpu.memory_space<vmem_shared>>
          %dma_start3A_982 = arith.constant 0 : i32
          %dma_start3A_983 = arith.constant 0 : i32
          %dma_start3A_984 = tpu.memref_slice %arg21[%dma_start3A_982, %dma_start3A_983] : memref<80x128xf32, #tpu.memory_space<vmem>> -> memref<80x128xf32, #tpu.memory_space<vmem>>
          tpu.enqueue_dma source(%dma_start3A_984 : memref<80x128xf32, #tpu.memory_space<vmem>>) target(%dma_start3A_981 : memref<80x128xf32, #tpu.memory_space<vmem_shared>>) target_semaphore(%run_scoped3A : memref<!tpu.dma_semaphore, #tpu.memory_space<semaphore_mem>>)
          %dma_wait3A_985 = arith.constant 0 : i32
          %dma_wait3A_986 = arith.constant 0 : i32
          %dma_wait3A_987 = tpu.memref_slice %arg21[%dma_wait3A_985, %dma_wait3A_986] : memref<80x128xf32, #tpu.memory_space<vmem>> -> memref<80x128xf32, #tpu.memory_space<vmem>>
          %dma_wait3A_988 = arith.constant 0 : i32
          %dma_wait3A_989 = tpu.memref_slice %arg26[%mul3A_974, %dma_wait3A_988] : memref<10008x128xf32, #tpu.memory_space<vmem_shared>> -> memref<80x128xf32, #tpu.memory_space<vmem_shared>>
          %dma_wait3A_990 = arith.constant 0 : i32
          %dma_wait3A_991 = tpu.memref_slice %arg26[%mul3A_974, %dma_wait3A_990] : memref<10008x128xf32, #tpu.memory_space<vmem_shared>> -> memref<80x128xf32, #tpu.memory_space<vmem_shared>>
          %dma_wait3A_992 = arith.constant 0 : i32
          %dma_wait3A_993 = arith.constant 0 : i32
          %dma_wait3A_994 = tpu.memref_slice %arg21[%dma_wait3A_992, %dma_wait3A_993] : memref<80x128xf32, #tpu.memory_space<vmem>> -> memref<80x128xf32, #tpu.memory_space<vmem>>
          tpu.wait_dma2 semaphore(%run_scoped3A : memref<!tpu.dma_semaphore, #tpu.memory_space<semaphore_mem>>) src(%dma_wait3A_994 : memref<80x128xf32, #tpu.memory_space<vmem>>) dst(%dma_wait3A_991 : memref<80x128xf32, #tpu.memory_space<vmem_shared>>)
          tpu.yield
        }) : () -> ()
        "tpu.region"() ({
          %run_scoped3A = tpu.sem_alloc : memref<!tpu.dma_semaphore, #tpu.memory_space<semaphore_mem>>
          %dma_start3A_975 = arith.constant 0 : i32
          %dma_start3A_976 = tpu.memref_slice %arg27[%mul3A_974, %dma_start3A_975] : memref<10008x16xf32, #tpu.memory_space<vmem_shared>> -> memref<80x16xf32, #tpu.memory_space<vmem_shared>>
          %dma_start3A_977 = arith.constant 0 : i32
          %dma_start3A_978 = tpu.memref_slice %arg27[%mul3A_974, %dma_start3A_977] : memref<10008x16xf32, #tpu.memory_space<vmem_shared>> -> memref<80x16xf32, #tpu.memory_space<vmem_shared>>
          tpu.enqueue_dma source(%arg25 : memref<80x16xf32, #tpu.memory_space<vmem>>) target(%dma_start3A_978 : memref<80x16xf32, #tpu.memory_space<vmem_shared>>) target_semaphore(%run_scoped3A : memref<!tpu.dma_semaphore, #tpu.memory_space<semaphore_mem>>)
          %dma_wait3A_979 = arith.constant 0 : i32
          %dma_wait3A_980 = tpu.memref_slice %arg27[%mul3A_974, %dma_wait3A_979] : memref<10008x16xf32, #tpu.memory_space<vmem_shared>> -> memref<80x16xf32, #tpu.memory_space<vmem_shared>>
          %dma_wait3A_981 = arith.constant 0 : i32
          %dma_wait3A_982 = tpu.memref_slice %arg27[%mul3A_974, %dma_wait3A_981] : memref<10008x16xf32, #tpu.memory_space<vmem_shared>> -> memref<80x16xf32, #tpu.memory_space<vmem_shared>>
          tpu.wait_dma2 semaphore(%run_scoped3A : memref<!tpu.dma_semaphore, #tpu.memory_space<semaphore_mem>>) src(%arg25 : memref<80x16xf32, #tpu.memory_space<vmem>>) dst(%dma_wait3A_982 : memref<80x16xf32, #tpu.memory_space<vmem_shared>>)
          tpu.yield
        }) : () -> ()
      } else {
      }
    }
    %scan3A_11 = arith.constant 8 : i32
    %barrier3A = arith.constant 0 : index
    tpu.barrier barrier_id(%barrier3A)
    %mul3A = arith.constant 125 : i32
    %mul3A_12 = arith.muli %arg1, %mul3A : i32
    %min3A = arith.constant 0 : i32
    %min3A_13 = arith.constant 124 : i32
    %min3A_14 = arith.minsi %min3A, %min3A_13 : i32
    %add3A = arith.addi %mul3A_12, %min3A_14 : i32
    %dma_start3A = arith.constant 0 : i32
    %dma_start3A_15 = tpu.memref_slice %arg3[%add3A, %dma_start3A] : memref<2000x80xi32, #tpu.memory_space<hbm>> -> memref<1x80xi32, #tpu.memory_space<hbm>>
    %dma_start3A_16 = tpu.memref_squeeze %dma_start3A_15 : memref<1x80xi32, #tpu.memory_space<hbm>> -> memref<80xi32, #tpu.memory_space<hbm>>
    %dma_start3A_17 = arith.constant 0 : i32
    %dma_start3A_18 = tpu.memref_slice %arg3[%add3A, %dma_start3A_17] : memref<2000x80xi32, #tpu.memory_space<hbm>> -> memref<1x80xi32, #tpu.memory_space<hbm>>
    %dma_start3A_19 = tpu.memref_squeeze %dma_start3A_18 : memref<1x80xi32, #tpu.memory_space<hbm>> -> memref<80xi32, #tpu.memory_space<hbm>>
    tpu.enqueue_dma source(%dma_start3A_19 : memref<80xi32, #tpu.memory_space<hbm>>) target(%arg9 : memref<80xi32, #tpu.memory_space<vmem>>) target_semaphore(%arg28 : memref<!tpu.dma_semaphore, #tpu.memory_space<semaphore_mem>>)
    %dma_start3A_20 = arith.constant 0 : i32
    %dma_start3A_21 = tpu.memref_slice %arg4[%add3A, %dma_start3A_20] : memref<2000x80xi32, #tpu.memory_space<hbm>> -> memref<1x80xi32, #tpu.memory_space<hbm>>
    %dma_start3A_22 = tpu.memref_squeeze %dma_start3A_21 : memref<1x80xi32, #tpu.memory_space<hbm>> -> memref<80xi32, #tpu.memory_space<hbm>>
    %dma_start3A_23 = arith.constant 0 : i32
    %dma_start3A_24 = tpu.memref_slice %arg4[%add3A, %dma_start3A_23] : memref<2000x80xi32, #tpu.memory_space<hbm>> -> memref<1x80xi32, #tpu.memory_space<hbm>>
    %dma_start3A_25 = tpu.memref_squeeze %dma_start3A_24 : memref<1x80xi32, #tpu.memory_space<hbm>> -> memref<80xi32, #tpu.memory_space<hbm>>
    tpu.enqueue_dma source(%dma_start3A_25 : memref<80xi32, #tpu.memory_space<hbm>>) target(%arg12 : memref<80xi32, #tpu.memory_space<vmem>>) target_semaphore(%arg28 : memref<!tpu.dma_semaphore, #tpu.memory_space<semaphore_mem>>)
    %mul3A_26 = arith.constant 125 : i32
    %mul3A_27 = arith.muli %arg1, %mul3A_26 : i32
    %min3A_28 = arith.constant 1 : i32
    %min3A_29 = arith.constant 124 : i32
    %min3A_30 = arith.minsi %min3A_28, %min3A_29 : i32
    %add3A_31 = arith.addi %mul3A_27, %min3A_30 : i32
    %dma_start3A_32 = arith.constant 0 : i32
    %dma_start3A_33 = tpu.memref_slice %arg3[%add3A_31, %dma_start3A_32] : memref<2000x80xi32, #tpu.memory_space<hbm>> -> memref<1x80xi32, #tpu.memory_space<hbm>>
    %dma_start3A_34 = tpu.memref_squeeze %dma_start3A_33 : memref<1x80xi32, #tpu.memory_space<hbm>> -> memref<80xi32, #tpu.memory_space<hbm>>
    %dma_start3A_35 = arith.constant 0 : i32
    %dma_start3A_36 = tpu.memref_slice %arg3[%add3A_31, %dma_start3A_35] : memref<2000x80xi32, #tpu.memory_space<hbm>> -> memref<1x80xi32, #tpu.memory_space<hbm>>
    %dma_start3A_37 = tpu.memref_squeeze %dma_start3A_36 : memref<1x80xi32, #tpu.memory_space<hbm>> -> memref<80xi32, #tpu.memory_space<hbm>>
    tpu.enqueue_dma source(%dma_start3A_37 : memref<80xi32, #tpu.memory_space<hbm>>) target(%arg10 : memref<80xi32, #tpu.memory_space<vmem>>) target_semaphore(%arg29 : memref<!tpu.dma_semaphore, #tpu.memory_space<semaphore_mem>>)
    %dma_start3A_38 = arith.constant 0 : i32
    %dma_start3A_39 = tpu.memref_slice %arg4[%add3A_31, %dma_start3A_38] : memref<2000x80xi32, #tpu.memory_space<hbm>> -> memref<1x80xi32, #tpu.memory_space<hbm>>
    %dma_start3A_40 = tpu.memref_squeeze %dma_start3A_39 : memref<1x80xi32, #tpu.memory_space<hbm>> -> memref<80xi32, #tpu.memory_space<hbm>>
    %dma_start3A_41 = arith.constant 0 : i32
    %dma_start3A_42 = tpu.memref_slice %arg4[%add3A_31, %dma_start3A_41] : memref<2000x80xi32, #tpu.memory_space<hbm>> -> memref<1x80xi32, #tpu.memory_space<hbm>>
    %dma_start3A_43 = tpu.memref_squeeze %dma_start3A_42 : memref<1x80xi32, #tpu.memory_space<hbm>> -> memref<80xi32, #tpu.memory_space<hbm>>
    tpu.enqueue_dma source(%dma_start3A_43 : memref<80xi32, #tpu.memory_space<hbm>>) target(%arg13 : memref<80xi32, #tpu.memory_space<vmem>>) target_semaphore(%arg29 : memref<!tpu.dma_semaphore, #tpu.memory_space<semaphore_mem>>)
    %mul3A_44 = arith.constant 125 : i32
    %mul3A_45 = arith.muli %arg1, %mul3A_44 : i32
    %min3A_46 = arith.constant 2 : i32
    %min3A_47 = arith.constant 124 : i32
    %min3A_48 = arith.minsi %min3A_46, %min3A_47 : i32
    %add3A_49 = arith.addi %mul3A_45, %min3A_48 : i32
    %dma_start3A_50 = arith.constant 0 : i32
    %dma_start3A_51 = tpu.memref_slice %arg3[%add3A_49, %dma_start3A_50] : memref<2000x80xi32, #tpu.memory_space<hbm>> -> memref<1x80xi32, #tpu.memory_space<hbm>>
    %dma_start3A_52 = tpu.memref_squeeze %dma_start3A_51 : memref<1x80xi32, #tpu.memory_space<hbm>> -> memref<80xi32, #tpu.memory_space<hbm>>
    %dma_start3A_53 = arith.constant 0 : i32
    %dma_start3A_54 = tpu.memref_slice %arg3[%add3A_49, %dma_start3A_53] : memref<2000x80xi32, #tpu.memory_space<hbm>> -> memref<1x80xi32, #tpu.memory_space<hbm>>
    %dma_start3A_55 = tpu.memref_squeeze %dma_start3A_54 : memref<1x80xi32, #tpu.memory_space<hbm>> -> memref<80xi32, #tpu.memory_space<hbm>>
    tpu.enqueue_dma source(%dma_start3A_55 : memref<80xi32, #tpu.memory_space<hbm>>) target(%arg11 : memref<80xi32, #tpu.memory_space<vmem>>) target_semaphore(%arg30 : memref<!tpu.dma_semaphore, #tpu.memory_space<semaphore_mem>>)
    %dma_start3A_56 = arith.constant 0 : i32
    %dma_start3A_57 = tpu.memref_slice %arg4[%add3A_49, %dma_start3A_56] : memref<2000x80xi32, #tpu.memory_space<hbm>> -> memref<1x80xi32, #tpu.memory_space<hbm>>
    %dma_start3A_58 = tpu.memref_squeeze %dma_start3A_57 : memref<1x80xi32, #tpu.memory_space<hbm>> -> memref<80xi32, #tpu.memory_space<hbm>>
    %dma_start3A_59 = arith.constant 0 : i32
    %dma_start3A_60 = tpu.memref_slice %arg4[%add3A_49, %dma_start3A_59] : memref<2000x80xi32, #tpu.memory_space<hbm>> -> memref<1x80xi32, #tpu.memory_space<hbm>>
    %dma_start3A_61 = tpu.memref_squeeze %dma_start3A_60 : memref<1x80xi32, #tpu.memory_space<hbm>> -> memref<80xi32, #tpu.memory_space<hbm>>
    tpu.enqueue_dma source(%dma_start3A_61 : memref<80xi32, #tpu.memory_space<hbm>>) target(%arg14 : memref<80xi32, #tpu.memory_space<vmem>>) target_semaphore(%arg30 : memref<!tpu.dma_semaphore, #tpu.memory_space<semaphore_mem>>)
    %mul3A_62 = arith.constant 125 : i32
    %mul3A_63 = arith.muli %arg1, %mul3A_62 : i32
    %min3A_64 = arith.constant 0 : i32
    %min3A_65 = arith.constant 124 : i32
    %min3A_66 = arith.minsi %min3A_64, %min3A_65 : i32
    %add3A_67 = arith.addi %mul3A_63, %min3A_66 : i32
    %dma_wait3A = arith.constant 0 : i32
    %dma_wait3A_68 = tpu.memref_slice %arg3[%add3A_67, %dma_wait3A] : memref<2000x80xi32, #tpu.memory_space<hbm>> -> memref<1x80xi32, #tpu.memory_space<hbm>>
    %dma_wait3A_69 = tpu.memref_squeeze %dma_wait3A_68 : memref<1x80xi32, #tpu.memory_space<hbm>> -> memref<80xi32, #tpu.memory_space<hbm>>
    %dma_wait3A_70 = arith.constant 0 : i32
    %dma_wait3A_71 = tpu.memref_slice %arg3[%add3A_67, %dma_wait3A_70] : memref<2000x80xi32, #tpu.memory_space<hbm>> -> memref<1x80xi32, #tpu.memory_space<hbm>>
    %dma_wait3A_72 = tpu.memref_squeeze %dma_wait3A_71 : memref<1x80xi32, #tpu.memory_space<hbm>> -> memref<80xi32, #tpu.memory_space<hbm>>
    tpu.wait_dma2 semaphore(%arg28 : memref<!tpu.dma_semaphore, #tpu.memory_space<semaphore_mem>>) src(%dma_wait3A_72 : memref<80xi32, #tpu.memory_space<hbm>>) dst(%arg9 : memref<80xi32, #tpu.memory_space<vmem>>)
    %dma_wait3A_73 = arith.constant 0 : i32
    %dma_wait3A_74 = tpu.memref_slice %arg4[%add3A_67, %dma_wait3A_73] : memref<2000x80xi32, #tpu.memory_space<hbm>> -> memref<1x80xi32, #tpu.memory_space<hbm>>
    %dma_wait3A_75 = tpu.memref_squeeze %dma_wait3A_74 : memref<1x80xi32, #tpu.memory_space<hbm>> -> memref<80xi32, #tpu.memory_space<hbm>>
    %dma_wait3A_76 = arith.constant 0 : i32
    %dma_wait3A_77 = tpu.memref_slice %arg4[%add3A_67, %dma_wait3A_76] : memref<2000x80xi32, #tpu.memory_space<hbm>> -> memref<1x80xi32, #tpu.memory_space<hbm>>
    %dma_wait3A_78 = tpu.memref_squeeze %dma_wait3A_77 : memref<1x80xi32, #tpu.memory_space<hbm>> -> memref<80xi32, #tpu.memory_space<hbm>>
    tpu.wait_dma2 semaphore(%arg28 : memref<!tpu.dma_semaphore, #tpu.memory_space<semaphore_mem>>) src(%dma_wait3A_78 : memref<80xi32, #tpu.memory_space<hbm>>) dst(%arg12 : memref<80xi32, #tpu.memory_space<vmem>>)
    %get3A = arith.constant 0 : index
    %get3A_79 = tpu.vector_load %arg9[%get3A] {strides = array<i32>} : memref<80xi32, #tpu.memory_space<vmem>>, vector<16xi32>,
    %get3A_80 = vector.shape_cast %get3A_79 : vector<16xi32> to vector<16xi32>
    %get3A_81 = arith.constant 0 : index
    %get3A_82 = tpu.vector_load %arg12[%get3A_81] {strides = array<i32>} : memref<80xi32, #tpu.memory_space<vmem>>, vector<16xi32>,
    %get3A_83 = vector.shape_cast %get3A_82 : vector<16xi32> to vector<16xi32>
    %mul3A_84 = arith.constant 2 : i32
    %mul3A_85 = vector.broadcast %mul3A_84 : i32 to vector<16xi32>
    %mul3A_86 = arith.muli %get3A_80, %mul3A_85 : vector<16xi32>
    %add3A_87 = vector.broadcast %arg0 : i32 to vector<16xi32>
    %add3A_88 = arith.addi %mul3A_86, %add3A_87 : vector<16xi32>
    %swap3A = arith.constant 0 : index
    %swap3A_89 = tpu.vector_load %arg15[%swap3A] {strides = array<i32>} : memref<80xi32, #tpu.memory_space<vmem>>, vector<16xi32>,
    %swap3A_90 = vector.shape_cast %swap3A_89 : vector<16xi32> to vector<16xi32>
    %swap3A_91 = vector.shape_cast %add3A_88 : vector<16xi32> to vector<16xi32>
    tpu.vector_store %arg15[%swap3A], %swap3A_91 {strides = array<i32>} : memref<80xi32, #tpu.memory_space<vmem>>, vector<16xi32>,
    %eq3A = arith.cmpi eq, %get3A_80, %get3A_83 : vector<16xi32>
    %jit3A = arith.constant 10000 : i32
    %broadcast_in_dim3A_92 = vector.broadcast %jit3A : i32 to vector<16xi32>
    %select_n3A = arith.select %eq3A, %broadcast_in_dim3A_92, %get3A_83 : vector<16xi1>, vector<16xi32>
    %swap3A_93 = arith.constant 0 : index
    %swap3A_94 = tpu.vector_load %arg18[%swap3A_93] {strides = array<i32>} : memref<80xi32, #tpu.memory_space<vmem>>, vector<16xi32>,
    %swap3A_95 = vector.shape_cast %swap3A_94 : vector<16xi32> to vector<16xi32>
    %swap3A_96 = vector.shape_cast %select_n3A : vector<16xi32> to vector<16xi32>
    tpu.vector_store %arg18[%swap3A_93], %swap3A_96 {strides = array<i32>} : memref<80xi32, #tpu.memory_space<vmem>>, vector<16xi32>,
    %get3A_97 = arith.constant 16 : index
    %get3A_98 = tpu.vector_load %arg9[%get3A_97] {strides = array<i32>} : memref<80xi32, #tpu.memory_space<vmem>>, vector<16xi32>,
    %get3A_99 = vector.shape_cast %get3A_98 : vector<16xi32> to vector<16xi32>
    %get3A_100 = arith.constant 16 : index
    %get3A_101 = tpu.vector_load %arg12[%get3A_100] {strides = array<i32>} : memref<80xi32, #tpu.memory_space<vmem>>, vector<16xi32>,
    %get3A_102 = vector.shape_cast %get3A_101 : vector<16xi32> to vector<16xi32>
    %mul3A_103 = arith.constant 2 : i32
    %mul3A_104 = vector.broadcast %mul3A_103 : i32 to vector<16xi32>
    %mul3A_105 = arith.muli %get3A_99, %mul3A_104 : vector<16xi32>
    %add3A_106 = vector.broadcast %arg0 : i32 to vector<16xi32>
    %add3A_107 = arith.addi %mul3A_105, %add3A_106 : vector<16xi32>
    %swap3A_108 = arith.constant 16 : index
    %swap3A_109 = tpu.vector_load %arg15[%swap3A_108] {strides = array<i32>} : memref<80xi32, #tpu.memory_space<vmem>>, vector<16xi32>,
    %swap3A_110 = vector.shape_cast %swap3A_109 : vector<16xi32> to vector<16xi32>
    %swap3A_111 = vector.shape_cast %add3A_107 : vector<16xi32> to vector<16xi32>
    tpu.vector_store %arg15[%swap3A_108], %swap3A_111 {strides = array<i32>} : memref<80xi32, #tpu.memory_space<vmem>>, vector<16xi32>,
    %eq3A_112 = arith.cmpi eq, %get3A_99, %get3A_102 : vector<16xi32>
    %jit3A_113 = arith.constant 10000 : i32
    %broadcast_in_dim3A_114 = vector.broadcast %jit3A_113 : i32 to vector<16xi32>
    %select_n3A_115 = arith.select %eq3A_112, %broadcast_in_dim3A_114, %get3A_102 : vector<16xi1>, vector<16xi32>
    %swap3A_116 = arith.constant 16 : index
    %swap3A_117 = tpu.vector_load %arg18[%swap3A_116] {strides = array<i32>} : memref<80xi32, #tpu.memory_space<vmem>>, vector<16xi32>,
    %swap3A_118 = vector.shape_cast %swap3A_117 : vector<16xi32> to vector<16xi32>
    %swap3A_119 = vector.shape_cast %select_n3A_115 : vector<16xi32> to vector<16xi32>
    tpu.vector_store %arg18[%swap3A_116], %swap3A_119 {strides = array<i32>} : memref<80xi32, #tpu.memory_space<vmem>>, vector<16xi32>,
    %get3A_120 = arith.constant 32 : index
    %get3A_121 = tpu.vector_load %arg9[%get3A_120] {strides = array<i32>} : memref<80xi32, #tpu.memory_space<vmem>>, vector<16xi32>,
    %get3A_122 = vector.shape_cast %get3A_121 : vector<16xi32> to vector<16xi32>
    %get3A_123 = arith.constant 32 : index
    %get3A_124 = tpu.vector_load %arg12[%get3A_123] {strides = array<i32>} : memref<80xi32, #tpu.memory_space<vmem>>, vector<16xi32>,
    %get3A_125 = vector.shape_cast %get3A_124 : vector<16xi32> to vector<16xi32>
    %mul3A_126 = arith.constant 2 : i32
    %mul3A_127 = vector.broadcast %mul3A_126 : i32 to vector<16xi32>
    %mul3A_128 = arith.muli %get3A_122, %mul3A_127 : vector<16xi32>
    %add3A_129 = vector.broadcast %arg0 : i32 to vector<16xi32>
    %add3A_130 = arith.addi %mul3A_128, %add3A_129 : vector<16xi32>
    %swap3A_131 = arith.constant 32 : index
    %swap3A_132 = tpu.vector_load %arg15[%swap3A_131] {strides = array<i32>} : memref<80xi32, #tpu.memory_space<vmem>>, vector<16xi32>,
    %swap3A_133 = vector.shape_cast %swap3A_132 : vector<16xi32> to vector<16xi32>
    %swap3A_134 = vector.shape_cast %add3A_130 : vector<16xi32> to vector<16xi32>
    tpu.vector_store %arg15[%swap3A_131], %swap3A_134 {strides = array<i32>} : memref<80xi32, #tpu.memory_space<vmem>>, vector<16xi32>,
    %eq3A_135 = arith.cmpi eq, %get3A_122, %get3A_125 : vector<16xi32>
    %jit3A_136 = arith.constant 10000 : i32
    %broadcast_in_dim3A_137 = vector.broadcast %jit3A_136 : i32 to vector<16xi32>
    %select_n3A_138 = arith.select %eq3A_135, %broadcast_in_dim3A_137, %get3A_125 : vector<16xi1>, vector<16xi32>
    %swap3A_139 = arith.constant 32 : index
    %swap3A_140 = tpu.vector_load %arg18[%swap3A_139] {strides = array<i32>} : memref<80xi32, #tpu.memory_space<vmem>>, vector<16xi32>,
    %swap3A_141 = vector.shape_cast %swap3A_140 : vector<16xi32> to vector<16xi32>
    %swap3A_142 = vector.shape_cast %select_n3A_138 : vector<16xi32> to vector<16xi32>
    tpu.vector_store %arg18[%swap3A_139], %swap3A_142 {strides = array<i32>} : memref<80xi32, #tpu.memory_space<vmem>>, vector<16xi32>,
    %get3A_143 = arith.constant 48 : index
    %get3A_144 = tpu.vector_load %arg9[%get3A_143] {strides = array<i32>} : memref<80xi32, #tpu.memory_space<vmem>>, vector<16xi32>,
    %get3A_145 = vector.shape_cast %get3A_144 : vector<16xi32> to vector<16xi32>
    %get3A_146 = arith.constant 48 : index
    %get3A_147 = tpu.vector_load %arg12[%get3A_146] {strides = array<i32>} : memref<80xi32, #tpu.memory_space<vmem>>, vector<16xi32>,
    %get3A_148 = vector.shape_cast %get3A_147 : vector<16xi32> to vector<16xi32>
    %mul3A_149 = arith.constant 2 : i32
    %mul3A_150 = vector.broadcast %mul3A_149 : i32 to vector<16xi32>
    %mul3A_151 = arith.muli %get3A_145, %mul3A_150 : vector<16xi32>
    %add3A_152 = vector.broadcast %arg0 : i32 to vector<16xi32>
    %add3A_153 = arith.addi %mul3A_151, %add3A_152 : vector<16xi32>
    %swap3A_154 = arith.constant 48 : index
    %swap3A_155 = tpu.vector_load %arg15[%swap3A_154] {strides = array<i32>} : memref<80xi32, #tpu.memory_space<vmem>>, vector<16xi32>,
    %swap3A_156 = vector.shape_cast %swap3A_155 : vector<16xi32> to vector<16xi32>
    %swap3A_157 = vector.shape_cast %add3A_153 : vector<16xi32> to vector<16xi32>
    tpu.vector_store %arg15[%swap3A_154], %swap3A_157 {strides = array<i32>} : memref<80xi32, #tpu.memory_space<vmem>>, vector<16xi32>,
    %eq3A_158 = arith.cmpi eq, %get3A_145, %get3A_148 : vector<16xi32>
    %jit3A_159 = arith.constant 10000 : i32
    %broadcast_in_dim3A_160 = vector.broadcast %jit3A_159 : i32 to vector<16xi32>
    %select_n3A_161 = arith.select %eq3A_158, %broadcast_in_dim3A_160, %get3A_148 : vector<16xi1>, vector<16xi32>
    %swap3A_162 = arith.constant 48 : index
    %swap3A_163 = tpu.vector_load %arg18[%swap3A_162] {strides = array<i32>} : memref<80xi32, #tpu.memory_space<vmem>>, vector<16xi32>,
    %swap3A_164 = vector.shape_cast %swap3A_163 : vector<16xi32> to vector<16xi32>
    %swap3A_165 = vector.shape_cast %select_n3A_161 : vector<16xi32> to vector<16xi32>
    tpu.vector_store %arg18[%swap3A_162], %swap3A_165 {strides = array<i32>} : memref<80xi32, #tpu.memory_space<vmem>>, vector<16xi32>,
    %get3A_166 = arith.constant 64 : index
    %get3A_167 = tpu.vector_load %arg9[%get3A_166] {strides = array<i32>} : memref<80xi32, #tpu.memory_space<vmem>>, vector<16xi32>,
    %get3A_168 = vector.shape_cast %get3A_167 : vector<16xi32> to vector<16xi32>
    %get3A_169 = arith.constant 64 : index
    %get3A_170 = tpu.vector_load %arg12[%get3A_169] {strides = array<i32>} : memref<80xi32, #tpu.memory_space<vmem>>, vector<16xi32>,
    %get3A_171 = vector.shape_cast %get3A_170 : vector<16xi32> to vector<16xi32>
    %mul3A_172 = arith.constant 2 : i32
    %mul3A_173 = vector.broadcast %mul3A_172 : i32 to vector<16xi32>
    %mul3A_174 = arith.muli %get3A_168, %mul3A_173 : vector<16xi32>
    %add3A_175 = vector.broadcast %arg0 : i32 to vector<16xi32>
    %add3A_176 = arith.addi %mul3A_174, %add3A_175 : vector<16xi32>
    %swap3A_177 = arith.constant 64 : index
    %swap3A_178 = tpu.vector_load %arg15[%swap3A_177] {strides = array<i32>} : memref<80xi32, #tpu.memory_space<vmem>>, vector<16xi32>,
    %swap3A_179 = vector.shape_cast %swap3A_178 : vector<16xi32> to vector<16xi32>
    %swap3A_180 = vector.shape_cast %add3A_176 : vector<16xi32> to vector<16xi32>
    tpu.vector_store %arg15[%swap3A_177], %swap3A_180 {strides = array<i32>} : memref<80xi32, #tpu.memory_space<vmem>>, vector<16xi32>,
    %eq3A_181 = arith.cmpi eq, %get3A_168, %get3A_171 : vector<16xi32>
    %jit3A_182 = arith.constant 10000 : i32
    %broadcast_in_dim3A_183 = vector.broadcast %jit3A_182 : i32 to vector<16xi32>
    %select_n3A_184 = arith.select %eq3A_181, %broadcast_in_dim3A_183, %get3A_171 : vector<16xi1>, vector<16xi32>
    %swap3A_185 = arith.constant 64 : index
    %swap3A_186 = tpu.vector_load %arg18[%swap3A_185] {strides = array<i32>} : memref<80xi32, #tpu.memory_space<vmem>>, vector<16xi32>,
    %swap3A_187 = vector.shape_cast %swap3A_186 : vector<16xi32> to vector<16xi32>
    %swap3A_188 = vector.shape_cast %select_n3A_184 : vector<16xi32> to vector<16xi32>
    tpu.vector_store %arg18[%swap3A_185], %swap3A_188 {strides = array<i32>} : memref<80xi32, #tpu.memory_space<vmem>>, vector<16xi32>,
    %dma_start3A_189 = arith.constant 0 : i32
    %dma_start3A_190 = arith.constant 0 : i32
    %dma_start3A_191 = tpu.memref_slice %arg2[%dma_start3A_189, %dma_start3A_190] : memref<20000x128xf32, #tpu.memory_space<hbm>> -> memref<20000x128xf32, #tpu.memory_space<hbm>>
    tpu.enqueue_indirect_dma source(%dma_start3A_191 : memref<20000x128xf32, #tpu.memory_space<hbm>>) target(%arg21 : memref<80x128xf32, #tpu.memory_space<vmem>>) offsets(%arg15 : memref<80xi32, #tpu.memory_space<vmem>>) semaphore(%arg31 : memref<!tpu.dma_semaphore, #tpu.memory_space<semaphore_mem>>)
    %mul3A_192 = arith.constant 125 : i32
    %mul3A_193 = arith.muli %arg1, %mul3A_192 : i32
    %min3A_194 = arith.constant 3 : i32
    %min3A_195 = arith.constant 124 : i32
    %min3A_196 = arith.minsi %min3A_194, %min3A_195 : i32
    %add3A_197 = arith.addi %mul3A_193, %min3A_196 : i32
    %dma_start3A_198 = arith.constant 0 : i32
    %dma_start3A_199 = tpu.memref_slice %arg3[%add3A_197, %dma_start3A_198] : memref<2000x80xi32, #tpu.memory_space<hbm>> -> memref<1x80xi32, #tpu.memory_space<hbm>>
    %dma_start3A_200 = tpu.memref_squeeze %dma_start3A_199 : memref<1x80xi32, #tpu.memory_space<hbm>> -> memref<80xi32, #tpu.memory_space<hbm>>
    %dma_start3A_201 = arith.constant 0 : i32
    %dma_start3A_202 = tpu.memref_slice %arg3[%add3A_197, %dma_start3A_201] : memref<2000x80xi32, #tpu.memory_space<hbm>> -> memref<1x80xi32, #tpu.memory_space<hbm>>
    %dma_start3A_203 = tpu.memref_squeeze %dma_start3A_202 : memref<1x80xi32, #tpu.memory_space<hbm>> -> memref<80xi32, #tpu.memory_space<hbm>>
    tpu.enqueue_dma source(%dma_start3A_203 : memref<80xi32, #tpu.memory_space<hbm>>) target(%arg9 : memref<80xi32, #tpu.memory_space<vmem>>) target_semaphore(%arg28 : memref<!tpu.dma_semaphore, #tpu.memory_space<semaphore_mem>>)
    %dma_start3A_204 = arith.constant 0 : i32
    %dma_start3A_205 = tpu.memref_slice %arg4[%add3A_197, %dma_start3A_204] : memref<2000x80xi32, #tpu.memory_space<hbm>> -> memref<1x80xi32, #tpu.memory_space<hbm>>
    %dma_start3A_206 = tpu.memref_squeeze %dma_start3A_205 : memref<1x80xi32, #tpu.memory_space<hbm>> -> memref<80xi32, #tpu.memory_space<hbm>>
    %dma_start3A_207 = arith.constant 0 : i32
    %dma_start3A_208 = tpu.memref_slice %arg4[%add3A_197, %dma_start3A_207] : memref<2000x80xi32, #tpu.memory_space<hbm>> -> memref<1x80xi32, #tpu.memory_space<hbm>>
    %dma_start3A_209 = tpu.memref_squeeze %dma_start3A_208 : memref<1x80xi32, #tpu.memory_space<hbm>> -> memref<80xi32, #tpu.memory_space<hbm>>
    tpu.enqueue_dma source(%dma_start3A_209 : memref<80xi32, #tpu.memory_space<hbm>>) target(%arg12 : memref<80xi32, #tpu.memory_space<vmem>>) target_semaphore(%arg28 : memref<!tpu.dma_semaphore, #tpu.memory_space<semaphore_mem>>)
    %mul3A_210 = arith.constant 125 : i32
    %mul3A_211 = arith.muli %arg1, %mul3A_210 : i32
    %min3A_212 = arith.constant 1 : i32
    %min3A_213 = arith.constant 124 : i32
    %min3A_214 = arith.minsi %min3A_212, %min3A_213 : i32
    %add3A_215 = arith.addi %mul3A_211, %min3A_214 : i32
    %dma_wait3A_216 = arith.constant 0 : i32
    %dma_wait3A_217 = tpu.memref_slice %arg3[%add3A_215, %dma_wait3A_216] : memref<2000x80xi32, #tpu.memory_space<hbm>> -> memref<1x80xi32, #tpu.memory_space<hbm>>
    %dma_wait3A_218 = tpu.memref_squeeze %dma_wait3A_217 : memref<1x80xi32, #tpu.memory_space<hbm>> -> memref<80xi32, #tpu.memory_space<hbm>>
    %dma_wait3A_219 = arith.constant 0 : i32
    %dma_wait3A_220 = tpu.memref_slice %arg3[%add3A_215, %dma_wait3A_219] : memref<2000x80xi32, #tpu.memory_space<hbm>> -> memref<1x80xi32, #tpu.memory_space<hbm>>
    %dma_wait3A_221 = tpu.memref_squeeze %dma_wait3A_220 : memref<1x80xi32, #tpu.memory_space<hbm>> -> memref<80xi32, #tpu.memory_space<hbm>>
    tpu.wait_dma2 semaphore(%arg29 : memref<!tpu.dma_semaphore, #tpu.memory_space<semaphore_mem>>) src(%dma_wait3A_221 : memref<80xi32, #tpu.memory_space<hbm>>) dst(%arg10 : memref<80xi32, #tpu.memory_space<vmem>>)
    %dma_wait3A_222 = arith.constant 0 : i32
    %dma_wait3A_223 = tpu.memref_slice %arg4[%add3A_215, %dma_wait3A_222] : memref<2000x80xi32, #tpu.memory_space<hbm>> -> memref<1x80xi32, #tpu.memory_space<hbm>>
    %dma_wait3A_224 = tpu.memref_squeeze %dma_wait3A_223 : memref<1x80xi32, #tpu.memory_space<hbm>> -> memref<80xi32, #tpu.memory_space<hbm>>
    %dma_wait3A_225 = arith.constant 0 : i32
    %dma_wait3A_226 = tpu.memref_slice %arg4[%add3A_215, %dma_wait3A_225] : memref<2000x80xi32, #tpu.memory_space<hbm>> -> memref<1x80xi32, #tpu.memory_space<hbm>>
    %dma_wait3A_227 = tpu.memref_squeeze %dma_wait3A_226 : memref<1x80xi32, #tpu.memory_space<hbm>> -> memref<80xi32, #tpu.memory_space<hbm>>
    tpu.wait_dma2 semaphore(%arg29 : memref<!tpu.dma_semaphore, #tpu.memory_space<semaphore_mem>>) src(%dma_wait3A_227 : memref<80xi32, #tpu.memory_space<hbm>>) dst(%arg13 : memref<80xi32, #tpu.memory_space<vmem>>)
    %get3A_228 = arith.constant 0 : index
    %get3A_229 = tpu.vector_load %arg10[%get3A_228] {strides = array<i32>} : memref<80xi32, #tpu.memory_space<vmem>>, vector<16xi32>,
    %get3A_230 = vector.shape_cast %get3A_229 : vector<16xi32> to vector<16xi32>
    %get3A_231 = arith.constant 0 : index
    %get3A_232 = tpu.vector_load %arg13[%get3A_231] {strides = array<i32>} : memref<80xi32, #tpu.memory_space<vmem>>, vector<16xi32>,
    %get3A_233 = vector.shape_cast %get3A_232 : vector<16xi32> to vector<16xi32>
    %mul3A_234 = arith.constant 2 : i32
    %mul3A_235 = vector.broadcast %mul3A_234 : i32 to vector<16xi32>
    %mul3A_236 = arith.muli %get3A_230, %mul3A_235 : vector<16xi32>
    %add3A_237 = vector.broadcast %arg0 : i32 to vector<16xi32>
    %add3A_238 = arith.addi %mul3A_236, %add3A_237 : vector<16xi32>
    %swap3A_239 = arith.constant 0 : index
    %swap3A_240 = tpu.vector_load %arg16[%swap3A_239] {strides = array<i32>} : memref<80xi32, #tpu.memory_space<vmem>>, vector<16xi32>,
    %swap3A_241 = vector.shape_cast %swap3A_240 : vector<16xi32> to vector<16xi32>
    %swap3A_242 = vector.shape_cast %add3A_238 : vector<16xi32> to vector<16xi32>
    tpu.vector_store %arg16[%swap3A_239], %swap3A_242 {strides = array<i32>} : memref<80xi32, #tpu.memory_space<vmem>>, vector<16xi32>,
    %eq3A_243 = arith.cmpi eq, %get3A_230, %get3A_233 : vector<16xi32>
    %jit3A_244 = arith.constant 10000 : i32
    %broadcast_in_dim3A_245 = vector.broadcast %jit3A_244 : i32 to vector<16xi32>
    %select_n3A_246 = arith.select %eq3A_243, %broadcast_in_dim3A_245, %get3A_233 : vector<16xi1>, vector<16xi32>
    %swap3A_247 = arith.constant 0 : index
    %swap3A_248 = tpu.vector_load %arg19[%swap3A_247] {strides = array<i32>} : memref<80xi32, #tpu.memory_space<vmem>>, vector<16xi32>,
    %swap3A_249 = vector.shape_cast %swap3A_248 : vector<16xi32> to vector<16xi32>
    %swap3A_250 = vector.shape_cast %select_n3A_246 : vector<16xi32> to vector<16xi32>
    tpu.vector_store %arg19[%swap3A_247], %swap3A_250 {strides = array<i32>} : memref<80xi32, #tpu.memory_space<vmem>>, vector<16xi32>,
    %get3A_251 = arith.constant 16 : index
    %get3A_252 = tpu.vector_load %arg10[%get3A_251] {strides = array<i32>} : memref<80xi32, #tpu.memory_space<vmem>>, vector<16xi32>,
    %get3A_253 = vector.shape_cast %get3A_252 : vector<16xi32> to vector<16xi32>
    %get3A_254 = arith.constant 16 : index
    %get3A_255 = tpu.vector_load %arg13[%get3A_254] {strides = array<i32>} : memref<80xi32, #tpu.memory_space<vmem>>, vector<16xi32>,
    %get3A_256 = vector.shape_cast %get3A_255 : vector<16xi32> to vector<16xi32>
    %mul3A_257 = arith.constant 2 : i32
    %mul3A_258 = vector.broadcast %mul3A_257 : i32 to vector<16xi32>
    %mul3A_259 = arith.muli %get3A_253, %mul3A_258 : vector<16xi32>
    %add3A_260 = vector.broadcast %arg0 : i32 to vector<16xi32>
    %add3A_261 = arith.addi %mul3A_259, %add3A_260 : vector<16xi32>
    %swap3A_262 = arith.constant 16 : index
    %swap3A_263 = tpu.vector_load %arg16[%swap3A_262] {strides = array<i32>} : memref<80xi32, #tpu.memory_space<vmem>>, vector<16xi32>,
    %swap3A_264 = vector.shape_cast %swap3A_263 : vector<16xi32> to vector<16xi32>
    %swap3A_265 = vector.shape_cast %add3A_261 : vector<16xi32> to vector<16xi32>
    tpu.vector_store %arg16[%swap3A_262], %swap3A_265 {strides = array<i32>} : memref<80xi32, #tpu.memory_space<vmem>>, vector<16xi32>,
    %eq3A_266 = arith.cmpi eq, %get3A_253, %get3A_256 : vector<16xi32>
    %jit3A_267 = arith.constant 10000 : i32
    %broadcast_in_dim3A_268 = vector.broadcast %jit3A_267 : i32 to vector<16xi32>
    %select_n3A_269 = arith.select %eq3A_266, %broadcast_in_dim3A_268, %get3A_256 : vector<16xi1>, vector<16xi32>
    %swap3A_270 = arith.constant 16 : index
    %swap3A_271 = tpu.vector_load %arg19[%swap3A_270] {strides = array<i32>} : memref<80xi32, #tpu.memory_space<vmem>>, vector<16xi32>,
    %swap3A_272 = vector.shape_cast %swap3A_271 : vector<16xi32> to vector<16xi32>
    %swap3A_273 = vector.shape_cast %select_n3A_269 : vector<16xi32> to vector<16xi32>
    tpu.vector_store %arg19[%swap3A_270], %swap3A_273 {strides = array<i32>} : memref<80xi32, #tpu.memory_space<vmem>>, vector<16xi32>,
    %get3A_274 = arith.constant 32 : index
    %get3A_275 = tpu.vector_load %arg10[%get3A_274] {strides = array<i32>} : memref<80xi32, #tpu.memory_space<vmem>>, vector<16xi32>,
    %get3A_276 = vector.shape_cast %get3A_275 : vector<16xi32> to vector<16xi32>
    %get3A_277 = arith.constant 32 : index
    %get3A_278 = tpu.vector_load %arg13[%get3A_277] {strides = array<i32>} : memref<80xi32, #tpu.memory_space<vmem>>, vector<16xi32>,
    %get3A_279 = vector.shape_cast %get3A_278 : vector<16xi32> to vector<16xi32>
    %mul3A_280 = arith.constant 2 : i32
    %mul3A_281 = vector.broadcast %mul3A_280 : i32 to vector<16xi32>
    %mul3A_282 = arith.muli %get3A_276, %mul3A_281 : vector<16xi32>
    %add3A_283 = vector.broadcast %arg0 : i32 to vector<16xi32>
    %add3A_284 = arith.addi %mul3A_282, %add3A_283 : vector<16xi32>
    %swap3A_285 = arith.constant 32 : index
    %swap3A_286 = tpu.vector_load %arg16[%swap3A_285] {strides = array<i32>} : memref<80xi32, #tpu.memory_space<vmem>>, vector<16xi32>,
    %swap3A_287 = vector.shape_cast %swap3A_286 : vector<16xi32> to vector<16xi32>
    %swap3A_288 = vector.shape_cast %add3A_284 : vector<16xi32> to vector<16xi32>
    tpu.vector_store %arg16[%swap3A_285], %swap3A_288 {strides = array<i32>} : memref<80xi32, #tpu.memory_space<vmem>>, vector<16xi32>,
    %eq3A_289 = arith.cmpi eq, %get3A_276, %get3A_279 : vector<16xi32>
    %jit3A_290 = arith.constant 10000 : i32
    %broadcast_in_dim3A_291 = vector.broadcast %jit3A_290 : i32 to vector<16xi32>
    %select_n3A_292 = arith.select %eq3A_289, %broadcast_in_dim3A_291, %get3A_279 : vector<16xi1>, vector<16xi32>
    %swap3A_293 = arith.constant 32 : index
    %swap3A_294 = tpu.vector_load %arg19[%swap3A_293] {strides = array<i32>} : memref<80xi32, #tpu.memory_space<vmem>>, vector<16xi32>,
    %swap3A_295 = vector.shape_cast %swap3A_294 : vector<16xi32> to vector<16xi32>
    %swap3A_296 = vector.shape_cast %select_n3A_292 : vector<16xi32> to vector<16xi32>
    tpu.vector_store %arg19[%swap3A_293], %swap3A_296 {strides = array<i32>} : memref<80xi32, #tpu.memory_space<vmem>>, vector<16xi32>,
    %get3A_297 = arith.constant 48 : index
    %get3A_298 = tpu.vector_load %arg10[%get3A_297] {strides = array<i32>} : memref<80xi32, #tpu.memory_space<vmem>>, vector<16xi32>,
    %get3A_299 = vector.shape_cast %get3A_298 : vector<16xi32> to vector<16xi32>
    %get3A_300 = arith.constant 48 : index
    %get3A_301 = tpu.vector_load %arg13[%get3A_300] {strides = array<i32>} : memref<80xi32, #tpu.memory_space<vmem>>, vector<16xi32>,
    %get3A_302 = vector.shape_cast %get3A_301 : vector<16xi32> to vector<16xi32>
    %mul3A_303 = arith.constant 2 : i32
    %mul3A_304 = vector.broadcast %mul3A_303 : i32 to vector<16xi32>
    %mul3A_305 = arith.muli %get3A_299, %mul3A_304 : vector<16xi32>
    %add3A_306 = vector.broadcast %arg0 : i32 to vector<16xi32>
    %add3A_307 = arith.addi %mul3A_305, %add3A_306 : vector<16xi32>
    %swap3A_308 = arith.constant 48 : index
    %swap3A_309 = tpu.vector_load %arg16[%swap3A_308] {strides = array<i32>} : memref<80xi32, #tpu.memory_space<vmem>>, vector<16xi32>,
    %swap3A_310 = vector.shape_cast %swap3A_309 : vector<16xi32> to vector<16xi32>
    %swap3A_311 = vector.shape_cast %add3A_307 : vector<16xi32> to vector<16xi32>
    tpu.vector_store %arg16[%swap3A_308], %swap3A_311 {strides = array<i32>} : memref<80xi32, #tpu.memory_space<vmem>>, vector<16xi32>,
    %eq3A_312 = arith.cmpi eq, %get3A_299, %get3A_302 : vector<16xi32>
    %jit3A_313 = arith.constant 10000 : i32
    %broadcast_in_dim3A_314 = vector.broadcast %jit3A_313 : i32 to vector<16xi32>
    %select_n3A_315 = arith.select %eq3A_312, %broadcast_in_dim3A_314, %get3A_302 : vector<16xi1>, vector<16xi32>
    %swap3A_316 = arith.constant 48 : index
    %swap3A_317 = tpu.vector_load %arg19[%swap3A_316] {strides = array<i32>} : memref<80xi32, #tpu.memory_space<vmem>>, vector<16xi32>,
    %swap3A_318 = vector.shape_cast %swap3A_317 : vector<16xi32> to vector<16xi32>
    %swap3A_319 = vector.shape_cast %select_n3A_315 : vector<16xi32> to vector<16xi32>
    tpu.vector_store %arg19[%swap3A_316], %swap3A_319 {strides = array<i32>} : memref<80xi32, #tpu.memory_space<vmem>>, vector<16xi32>,
    %get3A_320 = arith.constant 64 : index
    %get3A_321 = tpu.vector_load %arg10[%get3A_320] {strides = array<i32>} : memref<80xi32, #tpu.memory_space<vmem>>, vector<16xi32>,
    %get3A_322 = vector.shape_cast %get3A_321 : vector<16xi32> to vector<16xi32>
    %get3A_323 = arith.constant 64 : index
    %get3A_324 = tpu.vector_load %arg13[%get3A_323] {strides = array<i32>} : memref<80xi32, #tpu.memory_space<vmem>>, vector<16xi32>,
    %get3A_325 = vector.shape_cast %get3A_324 : vector<16xi32> to vector<16xi32>
    %mul3A_326 = arith.constant 2 : i32
    %mul3A_327 = vector.broadcast %mul3A_326 : i32 to vector<16xi32>
    %mul3A_328 = arith.muli %get3A_322, %mul3A_327 : vector<16xi32>
    %add3A_329 = vector.broadcast %arg0 : i32 to vector<16xi32>
    %add3A_330 = arith.addi %mul3A_328, %add3A_329 : vector<16xi32>
    %swap3A_331 = arith.constant 64 : index
    %swap3A_332 = tpu.vector_load %arg16[%swap3A_331] {strides = array<i32>} : memref<80xi32, #tpu.memory_space<vmem>>, vector<16xi32>,
    %swap3A_333 = vector.shape_cast %swap3A_332 : vector<16xi32> to vector<16xi32>
    %swap3A_334 = vector.shape_cast %add3A_330 : vector<16xi32> to vector<16xi32>
    tpu.vector_store %arg16[%swap3A_331], %swap3A_334 {strides = array<i32>} : memref<80xi32, #tpu.memory_space<vmem>>, vector<16xi32>,
    %eq3A_335 = arith.cmpi eq, %get3A_322, %get3A_325 : vector<16xi32>
    %jit3A_336 = arith.constant 10000 : i32
    %broadcast_in_dim3A_337 = vector.broadcast %jit3A_336 : i32 to vector<16xi32>
    %select_n3A_338 = arith.select %eq3A_335, %broadcast_in_dim3A_337, %get3A_325 : vector<16xi1>, vector<16xi32>
    %swap3A_339 = arith.constant 64 : index
    %swap3A_340 = tpu.vector_load %arg19[%swap3A_339] {strides = array<i32>} : memref<80xi32, #tpu.memory_space<vmem>>, vector<16xi32>,
    %swap3A_341 = vector.shape_cast %swap3A_340 : vector<16xi32> to vector<16xi32>
    %swap3A_342 = vector.shape_cast %select_n3A_338 : vector<16xi32> to vector<16xi32>
    tpu.vector_store %arg19[%swap3A_339], %swap3A_342 {strides = array<i32>} : memref<80xi32, #tpu.memory_space<vmem>>, vector<16xi32>,
    %dma_start3A_343 = arith.constant 0 : i32
    %dma_start3A_344 = arith.constant 0 : i32
    %dma_start3A_345 = tpu.memref_slice %arg2[%dma_start3A_343, %dma_start3A_344] : memref<20000x128xf32, #tpu.memory_space<hbm>> -> memref<20000x128xf32, #tpu.memory_space<hbm>>
    tpu.enqueue_indirect_dma source(%dma_start3A_345 : memref<20000x128xf32, #tpu.memory_space<hbm>>) target(%arg22 : memref<80x128xf32, #tpu.memory_space<vmem>>) offsets(%arg16 : memref<80xi32, #tpu.memory_space<vmem>>) semaphore(%arg32 : memref<!tpu.dma_semaphore, #tpu.memory_space<semaphore_mem>>)
    %mul3A_346 = arith.constant 125 : i32
    %mul3A_347 = arith.muli %arg1, %mul3A_346 : i32
    %min3A_348 = arith.constant 4 : i32
    %min3A_349 = arith.constant 124 : i32
    %min3A_350 = arith.minsi %min3A_348, %min3A_349 : i32
    %add3A_351 = arith.addi %mul3A_347, %min3A_350 : i32
    %dma_start3A_352 = arith.constant 0 : i32
    %dma_start3A_353 = tpu.memref_slice %arg3[%add3A_351, %dma_start3A_352] : memref<2000x80xi32, #tpu.memory_space<hbm>> -> memref<1x80xi32, #tpu.memory_space<hbm>>
    %dma_start3A_354 = tpu.memref_squeeze %dma_start3A_353 : memref<1x80xi32, #tpu.memory_space<hbm>> -> memref<80xi32, #tpu.memory_space<hbm>>
    %dma_start3A_355 = arith.constant 0 : i32
    %dma_start3A_356 = tpu.memref_slice %arg3[%add3A_351, %dma_start3A_355] : memref<2000x80xi32, #tpu.memory_space<hbm>> -> memref<1x80xi32, #tpu.memory_space<hbm>>
    %dma_start3A_357 = tpu.memref_squeeze %dma_start3A_356 : memref<1x80xi32, #tpu.memory_space<hbm>> -> memref<80xi32, #tpu.memory_space<hbm>>
    tpu.enqueue_dma source(%dma_start3A_357 : memref<80xi32, #tpu.memory_space<hbm>>) target(%arg10 : memref<80xi32, #tpu.memory_space<vmem>>) target_semaphore(%arg29 : memref<!tpu.dma_semaphore, #tpu.memory_space<semaphore_mem>>)
    %dma_start3A_358 = arith.constant 0 : i32
    %dma_start3A_359 = tpu.memref_slice %arg4[%add3A_351, %dma_start3A_358] : memref<2000x80xi32, #tpu.memory_space<hbm>> -> memref<1x80xi32, #tpu.memory_space<hbm>>
    %dma_start3A_360 = tpu.memref_squeeze %dma_start3A_359 : memref<1x80xi32, #tpu.memory_space<hbm>> -> memref<80xi32, #tpu.memory_space<hbm>>
    %dma_start3A_361 = arith.constant 0 : i32
    %dma_start3A_362 = tpu.memref_slice %arg4[%add3A_351, %dma_start3A_361] : memref<2000x80xi32, #tpu.memory_space<hbm>> -> memref<1x80xi32, #tpu.memory_space<hbm>>
    %dma_start3A_363 = tpu.memref_squeeze %dma_start3A_362 : memref<1x80xi32, #tpu.memory_space<hbm>> -> memref<80xi32, #tpu.memory_space<hbm>>
    tpu.enqueue_dma source(%dma_start3A_363 : memref<80xi32, #tpu.memory_space<hbm>>) target(%arg13 : memref<80xi32, #tpu.memory_space<vmem>>) target_semaphore(%arg29 : memref<!tpu.dma_semaphore, #tpu.memory_space<semaphore_mem>>)
    %dma_wait3A_364 = arith.constant 0 : i32
    %dma_wait3A_365 = arith.constant 0 : i32
    %dma_wait3A_366 = tpu.memref_slice %arg2[%dma_wait3A_364, %dma_wait3A_365] : memref<20000x128xf32, #tpu.memory_space<hbm>> -> memref<20000x128xf32, #tpu.memory_space<hbm>>
    tpu.wait_indirect_dma semaphore(%arg31 : memref<!tpu.dma_semaphore, #tpu.memory_space<semaphore_mem>>) src(%dma_wait3A_366 : memref<20000x128xf32, #tpu.memory_space<hbm>>) dst(%arg21 : memref<80x128xf32, #tpu.memory_space<vmem>>)
    %dma_start3A_367 = arith.constant 0 : i32
    %dma_start3A_368 = arith.constant 0 : i32
    %dma_start3A_369 = tpu.memref_slice %arg26[%dma_start3A_367, %dma_start3A_368] : memref<10008x128xf32, #tpu.memory_space<vmem_shared>> -> memref<10008x128xf32, #tpu.memory_space<vmem_shared>>
    tpu.enqueue_indirect_dma source(%arg21 : memref<80x128xf32, #tpu.memory_space<vmem>>) target(%dma_start3A_369 : memref<10008x128xf32, #tpu.memory_space<vmem_shared>>) offsets(%arg18 : memref<80xi32, #tpu.memory_space<vmem>>) semaphore(%arg34 : memref<!tpu.dma_semaphore, #tpu.memory_space<semaphore_mem>>) {add = true}
    %mul3A_370 = arith.constant 125 : i32
    %mul3A_371 = arith.muli %arg1, %mul3A_370 : i32
    %add3A_372 = arith.constant 0 : i32
    %add3A_373 = arith.addi %mul3A_371, %add3A_372 : i32
    %and3A = arith.constant 1 : i32
    %and3A_374 = arith.andi %add3A_373, %and3A : i32
    %eq3A_375 = arith.cmpi eq, %and3A_374, %arg0 : i32
    %convert_element_type3A = arith.extui %eq3A_375 : i1 to i32
    %cond3A = arith.constant 0 : i32
    %cond3A_376 = arith.cmpi ne, %convert_element_type3A, %cond3A : i32
    scf.if %cond3A_376 {
      %dma_start3A_961 = arith.constant 0 : i32
      %dma_start3A_962 = arith.constant 0 : i32
      %dma_start3A_963 = tpu.memref_slice %arg27[%dma_start3A_961, %dma_start3A_962] : memref<10008x16xf32, #tpu.memory_space<vmem_shared>> -> memref<10008x16xf32, #tpu.memory_space<vmem_shared>>
      tpu.enqueue_indirect_dma source(%arg24 : memref<80x16xf32, #tpu.memory_space<vmem>>) target(%dma_start3A_963 : memref<10008x16xf32, #tpu.memory_space<vmem_shared>>) offsets(%arg18 : memref<80xi32, #tpu.memory_space<vmem>>) semaphore(%arg37 : memref<!tpu.dma_semaphore, #tpu.memory_space<semaphore_mem>>) {add = true}
    } else {
    }
    %mul3A_377 = arith.constant 125 : i32
    %mul3A_378 = arith.muli %arg1, %mul3A_377 : i32
    %min3A_379 = arith.constant 2 : i32
    %min3A_380 = arith.constant 124 : i32
    %min3A_381 = arith.minsi %min3A_379, %min3A_380 : i32
    %add3A_382 = arith.addi %mul3A_378, %min3A_381 : i32
    %dma_wait3A_383 = arith.constant 0 : i32
    %dma_wait3A_384 = tpu.memref_slice %arg3[%add3A_382, %dma_wait3A_383] : memref<2000x80xi32, #tpu.memory_space<hbm>> -> memref<1x80xi32, #tpu.memory_space<hbm>>
    %dma_wait3A_385 = tpu.memref_squeeze %dma_wait3A_384 : memref<1x80xi32, #tpu.memory_space<hbm>> -> memref<80xi32, #tpu.memory_space<hbm>>
    %dma_wait3A_386 = arith.constant 0 : i32
    %dma_wait3A_387 = tpu.memref_slice %arg3[%add3A_382, %dma_wait3A_386] : memref<2000x80xi32, #tpu.memory_space<hbm>> -> memref<1x80xi32, #tpu.memory_space<hbm>>
    %dma_wait3A_388 = tpu.memref_squeeze %dma_wait3A_387 : memref<1x80xi32, #tpu.memory_space<hbm>> -> memref<80xi32, #tpu.memory_space<hbm>>
    tpu.wait_dma2 semaphore(%arg30 : memref<!tpu.dma_semaphore, #tpu.memory_space<semaphore_mem>>) src(%dma_wait3A_388 : memref<80xi32, #tpu.memory_space<hbm>>) dst(%arg11 : memref<80xi32, #tpu.memory_space<vmem>>)
    %dma_wait3A_389 = arith.constant 0 : i32
    %dma_wait3A_390 = tpu.memref_slice %arg4[%add3A_382, %dma_wait3A_389] : memref<2000x80xi32, #tpu.memory_space<hbm>> -> memref<1x80xi32, #tpu.memory_space<hbm>>
    %dma_wait3A_391 = tpu.memref_squeeze %dma_wait3A_390 : memref<1x80xi32, #tpu.memory_space<hbm>> -> memref<80xi32, #tpu.memory_space<hbm>>
    %dma_wait3A_392 = arith.constant 0 : i32
    %dma_wait3A_393 = tpu.memref_slice %arg4[%add3A_382, %dma_wait3A_392] : memref<2000x80xi32, #tpu.memory_space<hbm>> -> memref<1x80xi32, #tpu.memory_space<hbm>>
    %dma_wait3A_394 = tpu.memref_squeeze %dma_wait3A_393 : memref<1x80xi32, #tpu.memory_space<hbm>> -> memref<80xi32, #tpu.memory_space<hbm>>
    tpu.wait_dma2 semaphore(%arg30 : memref<!tpu.dma_semaphore, #tpu.memory_space<semaphore_mem>>) src(%dma_wait3A_394 : memref<80xi32, #tpu.memory_space<hbm>>) dst(%arg14 : memref<80xi32, #tpu.memory_space<vmem>>)
    %get3A_395 = arith.constant 0 : index
    %get3A_396 = tpu.vector_load %arg11[%get3A_395] {strides = array<i32>} : memref<80xi32, #tpu.memory_space<vmem>>, vector<16xi32>,
    %get3A_397 = vector.shape_cast %get3A_396 : vector<16xi32> to vector<16xi32>
    %get3A_398 = arith.constant 0 : index
    %get3A_399 = tpu.vector_load %arg14[%get3A_398] {strides = array<i32>} : memref<80xi32, #tpu.memory_space<vmem>>, vector<16xi32>,
    %get3A_400 = vector.shape_cast %get3A_399 : vector<16xi32> to vector<16xi32>
    %mul3A_401 = arith.constant 2 : i32
    %mul3A_402 = vector.broadcast %mul3A_401 : i32 to vector<16xi32>
    %mul3A_403 = arith.muli %get3A_397, %mul3A_402 : vector<16xi32>
    %add3A_404 = vector.broadcast %arg0 : i32 to vector<16xi32>
    %add3A_405 = arith.addi %mul3A_403, %add3A_404 : vector<16xi32>
    %swap3A_406 = arith.constant 0 : index
    %swap3A_407 = tpu.vector_load %arg17[%swap3A_406] {strides = array<i32>} : memref<80xi32, #tpu.memory_space<vmem>>, vector<16xi32>,
    %swap3A_408 = vector.shape_cast %swap3A_407 : vector<16xi32> to vector<16xi32>
    %swap3A_409 = vector.shape_cast %add3A_405 : vector<16xi32> to vector<16xi32>
    tpu.vector_store %arg17[%swap3A_406], %swap3A_409 {strides = array<i32>} : memref<80xi32, #tpu.memory_space<vmem>>, vector<16xi32>,
    %eq3A_410 = arith.cmpi eq, %get3A_397, %get3A_400 : vector<16xi32>
    %jit3A_411 = arith.constant 10000 : i32
    %broadcast_in_dim3A_412 = vector.broadcast %jit3A_411 : i32 to vector<16xi32>
    %select_n3A_413 = arith.select %eq3A_410, %broadcast_in_dim3A_412, %get3A_400 : vector<16xi1>, vector<16xi32>
    %swap3A_414 = arith.constant 0 : index
    %swap3A_415 = tpu.vector_load %arg20[%swap3A_414] {strides = array<i32>} : memref<80xi32, #tpu.memory_space<vmem>>, vector<16xi32>,
    %swap3A_416 = vector.shape_cast %swap3A_415 : vector<16xi32> to vector<16xi32>
    %swap3A_417 = vector.shape_cast %select_n3A_413 : vector<16xi32> to vector<16xi32>
    tpu.vector_store %arg20[%swap3A_414], %swap3A_417 {strides = array<i32>} : memref<80xi32, #tpu.memory_space<vmem>>, vector<16xi32>,
    %get3A_418 = arith.constant 16 : index
    %get3A_419 = tpu.vector_load %arg11[%get3A_418] {strides = array<i32>} : memref<80xi32, #tpu.memory_space<vmem>>, vector<16xi32>,
    %get3A_420 = vector.shape_cast %get3A_419 : vector<16xi32> to vector<16xi32>
    %get3A_421 = arith.constant 16 : index
    %get3A_422 = tpu.vector_load %arg14[%get3A_421] {strides = array<i32>} : memref<80xi32, #tpu.memory_space<vmem>>, vector<16xi32>,
    %get3A_423 = vector.shape_cast %get3A_422 : vector<16xi32> to vector<16xi32>
    %mul3A_424 = arith.constant 2 : i32
    %mul3A_425 = vector.broadcast %mul3A_424 : i32 to vector<16xi32>
    %mul3A_426 = arith.muli %get3A_420, %mul3A_425 : vector<16xi32>
    %add3A_427 = vector.broadcast %arg0 : i32 to vector<16xi32>
    %add3A_428 = arith.addi %mul3A_426, %add3A_427 : vector<16xi32>
    %swap3A_429 = arith.constant 16 : index
    %swap3A_430 = tpu.vector_load %arg17[%swap3A_429] {strides = array<i32>} : memref<80xi32, #tpu.memory_space<vmem>>, vector<16xi32>,
    %swap3A_431 = vector.shape_cast %swap3A_430 : vector<16xi32> to vector<16xi32>
    %swap3A_432 = vector.shape_cast %add3A_428 : vector<16xi32> to vector<16xi32>
    tpu.vector_store %arg17[%swap3A_429], %swap3A_432 {strides = array<i32>} : memref<80xi32, #tpu.memory_space<vmem>>, vector<16xi32>,
    %eq3A_433 = arith.cmpi eq, %get3A_420, %get3A_423 : vector<16xi32>
    %jit3A_434 = arith.constant 10000 : i32
    %broadcast_in_dim3A_435 = vector.broadcast %jit3A_434 : i32 to vector<16xi32>
    %select_n3A_436 = arith.select %eq3A_433, %broadcast_in_dim3A_435, %get3A_423 : vector<16xi1>, vector<16xi32>
    %swap3A_437 = arith.constant 16 : index
    %swap3A_438 = tpu.vector_load %arg20[%swap3A_437] {strides = array<i32>} : memref<80xi32, #tpu.memory_space<vmem>>, vector<16xi32>,
    %swap3A_439 = vector.shape_cast %swap3A_438 : vector<16xi32> to vector<16xi32>
    %swap3A_440 = vector.shape_cast %select_n3A_436 : vector<16xi32> to vector<16xi32>
    tpu.vector_store %arg20[%swap3A_437], %swap3A_440 {strides = array<i32>} : memref<80xi32, #tpu.memory_space<vmem>>, vector<16xi32>,
    %get3A_441 = arith.constant 32 : index
    %get3A_442 = tpu.vector_load %arg11[%get3A_441] {strides = array<i32>} : memref<80xi32, #tpu.memory_space<vmem>>, vector<16xi32>,
    %get3A_443 = vector.shape_cast %get3A_442 : vector<16xi32> to vector<16xi32>
    %get3A_444 = arith.constant 32 : index
    %get3A_445 = tpu.vector_load %arg14[%get3A_444] {strides = array<i32>} : memref<80xi32, #tpu.memory_space<vmem>>, vector<16xi32>,
    %get3A_446 = vector.shape_cast %get3A_445 : vector<16xi32> to vector<16xi32>
    %mul3A_447 = arith.constant 2 : i32
    %mul3A_448 = vector.broadcast %mul3A_447 : i32 to vector<16xi32>
    %mul3A_449 = arith.muli %get3A_443, %mul3A_448 : vector<16xi32>
    %add3A_450 = vector.broadcast %arg0 : i32 to vector<16xi32>
    %add3A_451 = arith.addi %mul3A_449, %add3A_450 : vector<16xi32>
    %swap3A_452 = arith.constant 32 : index
    %swap3A_453 = tpu.vector_load %arg17[%swap3A_452] {strides = array<i32>} : memref<80xi32, #tpu.memory_space<vmem>>, vector<16xi32>,
    %swap3A_454 = vector.shape_cast %swap3A_453 : vector<16xi32> to vector<16xi32>
    %swap3A_455 = vector.shape_cast %add3A_451 : vector<16xi32> to vector<16xi32>
    tpu.vector_store %arg17[%swap3A_452], %swap3A_455 {strides = array<i32>} : memref<80xi32, #tpu.memory_space<vmem>>, vector<16xi32>,
    %eq3A_456 = arith.cmpi eq, %get3A_443, %get3A_446 : vector<16xi32>
    %jit3A_457 = arith.constant 10000 : i32
    %broadcast_in_dim3A_458 = vector.broadcast %jit3A_457 : i32 to vector<16xi32>
    %select_n3A_459 = arith.select %eq3A_456, %broadcast_in_dim3A_458, %get3A_446 : vector<16xi1>, vector<16xi32>
    %swap3A_460 = arith.constant 32 : index
    %swap3A_461 = tpu.vector_load %arg20[%swap3A_460] {strides = array<i32>} : memref<80xi32, #tpu.memory_space<vmem>>, vector<16xi32>,
    %swap3A_462 = vector.shape_cast %swap3A_461 : vector<16xi32> to vector<16xi32>
    %swap3A_463 = vector.shape_cast %select_n3A_459 : vector<16xi32> to vector<16xi32>
    tpu.vector_store %arg20[%swap3A_460], %swap3A_463 {strides = array<i32>} : memref<80xi32, #tpu.memory_space<vmem>>, vector<16xi32>,
    %get3A_464 = arith.constant 48 : index
    %get3A_465 = tpu.vector_load %arg11[%get3A_464] {strides = array<i32>} : memref<80xi32, #tpu.memory_space<vmem>>, vector<16xi32>,
    %get3A_466 = vector.shape_cast %get3A_465 : vector<16xi32> to vector<16xi32>
    %get3A_467 = arith.constant 48 : index
    %get3A_468 = tpu.vector_load %arg14[%get3A_467] {strides = array<i32>} : memref<80xi32, #tpu.memory_space<vmem>>, vector<16xi32>,
    %get3A_469 = vector.shape_cast %get3A_468 : vector<16xi32> to vector<16xi32>
    %mul3A_470 = arith.constant 2 : i32
    %mul3A_471 = vector.broadcast %mul3A_470 : i32 to vector<16xi32>
    %mul3A_472 = arith.muli %get3A_466, %mul3A_471 : vector<16xi32>
    %add3A_473 = vector.broadcast %arg0 : i32 to vector<16xi32>
    %add3A_474 = arith.addi %mul3A_472, %add3A_473 : vector<16xi32>
    %swap3A_475 = arith.constant 48 : index
    %swap3A_476 = tpu.vector_load %arg17[%swap3A_475] {strides = array<i32>} : memref<80xi32, #tpu.memory_space<vmem>>, vector<16xi32>,
    %swap3A_477 = vector.shape_cast %swap3A_476 : vector<16xi32> to vector<16xi32>
    %swap3A_478 = vector.shape_cast %add3A_474 : vector<16xi32> to vector<16xi32>
    tpu.vector_store %arg17[%swap3A_475], %swap3A_478 {strides = array<i32>} : memref<80xi32, #tpu.memory_space<vmem>>, vector<16xi32>,
    %eq3A_479 = arith.cmpi eq, %get3A_466, %get3A_469 : vector<16xi32>
    %jit3A_480 = arith.constant 10000 : i32
    %broadcast_in_dim3A_481 = vector.broadcast %jit3A_480 : i32 to vector<16xi32>
    %select_n3A_482 = arith.select %eq3A_479, %broadcast_in_dim3A_481, %get3A_469 : vector<16xi1>, vector<16xi32>
    %swap3A_483 = arith.constant 48 : index
    %swap3A_484 = tpu.vector_load %arg20[%swap3A_483] {strides = array<i32>} : memref<80xi32, #tpu.memory_space<vmem>>, vector<16xi32>,
    %swap3A_485 = vector.shape_cast %swap3A_484 : vector<16xi32> to vector<16xi32>
    %swap3A_486 = vector.shape_cast %select_n3A_482 : vector<16xi32> to vector<16xi32>
    tpu.vector_store %arg20[%swap3A_483], %swap3A_486 {strides = array<i32>} : memref<80xi32, #tpu.memory_space<vmem>>, vector<16xi32>,
    %get3A_487 = arith.constant 64 : index
    %get3A_488 = tpu.vector_load %arg11[%get3A_487] {strides = array<i32>} : memref<80xi32, #tpu.memory_space<vmem>>, vector<16xi32>,
    %get3A_489 = vector.shape_cast %get3A_488 : vector<16xi32> to vector<16xi32>
    %get3A_490 = arith.constant 64 : index
    %get3A_491 = tpu.vector_load %arg14[%get3A_490] {strides = array<i32>} : memref<80xi32, #tpu.memory_space<vmem>>, vector<16xi32>,
    %get3A_492 = vector.shape_cast %get3A_491 : vector<16xi32> to vector<16xi32>
    %mul3A_493 = arith.constant 2 : i32
    %mul3A_494 = vector.broadcast %mul3A_493 : i32 to vector<16xi32>
    %mul3A_495 = arith.muli %get3A_489, %mul3A_494 : vector<16xi32>
    %add3A_496 = vector.broadcast %arg0 : i32 to vector<16xi32>
    %add3A_497 = arith.addi %mul3A_495, %add3A_496 : vector<16xi32>
    %swap3A_498 = arith.constant 64 : index
    %swap3A_499 = tpu.vector_load %arg17[%swap3A_498] {strides = array<i32>} : memref<80xi32, #tpu.memory_space<vmem>>, vector<16xi32>,
    %swap3A_500 = vector.shape_cast %swap3A_499 : vector<16xi32> to vector<16xi32>
    %swap3A_501 = vector.shape_cast %add3A_497 : vector<16xi32> to vector<16xi32>
    tpu.vector_store %arg17[%swap3A_498], %swap3A_501 {strides = array<i32>} : memref<80xi32, #tpu.memory_space<vmem>>, vector<16xi32>,
    %eq3A_502 = arith.cmpi eq, %get3A_489, %get3A_492 : vector<16xi32>
    %jit3A_503 = arith.constant 10000 : i32
    %broadcast_in_dim3A_504 = vector.broadcast %jit3A_503 : i32 to vector<16xi32>
    %select_n3A_505 = arith.select %eq3A_502, %broadcast_in_dim3A_504, %get3A_492 : vector<16xi1>, vector<16xi32>
    %swap3A_506 = arith.constant 64 : index
    %swap3A_507 = tpu.vector_load %arg20[%swap3A_506] {strides = array<i32>} : memref<80xi32, #tpu.memory_space<vmem>>, vector<16xi32>,
    %swap3A_508 = vector.shape_cast %swap3A_507 : vector<16xi32> to vector<16xi32>
    %swap3A_509 = vector.shape_cast %select_n3A_505 : vector<16xi32> to vector<16xi32>
    tpu.vector_store %arg20[%swap3A_506], %swap3A_509 {strides = array<i32>} : memref<80xi32, #tpu.memory_space<vmem>>, vector<16xi32>,
    %dma_start3A_510 = arith.constant 0 : i32
    %dma_start3A_511 = arith.constant 0 : i32
    %dma_start3A_512 = tpu.memref_slice %arg2[%dma_start3A_510, %dma_start3A_511] : memref<20000x128xf32, #tpu.memory_space<hbm>> -> memref<20000x128xf32, #tpu.memory_space<hbm>>
    tpu.enqueue_indirect_dma source(%dma_start3A_512 : memref<20000x128xf32, #tpu.memory_space<hbm>>) target(%arg23 : memref<80x128xf32, #tpu.memory_space<vmem>>) offsets(%arg17 : memref<80xi32, #tpu.memory_space<vmem>>) semaphore(%arg33 : memref<!tpu.dma_semaphore, #tpu.memory_space<semaphore_mem>>)
    %mul3A_513 = arith.constant 125 : i32
    %mul3A_514 = arith.muli %arg1, %mul3A_513 : i32
    %min3A_515 = arith.constant 5 : i32
    %min3A_516 = arith.constant 124 : i32
    %min3A_517 = arith.minsi %min3A_515, %min3A_516 : i32
    %add3A_518 = arith.addi %mul3A_514, %min3A_517 : i32
    %dma_start3A_519 = arith.constant 0 : i32
    %dma_start3A_520 = tpu.memref_slice %arg3[%add3A_518, %dma_start3A_519] : memref<2000x80xi32, #tpu.memory_space<hbm>> -> memref<1x80xi32, #tpu.memory_space<hbm>>
    %dma_start3A_521 = tpu.memref_squeeze %dma_start3A_520 : memref<1x80xi32, #tpu.memory_space<hbm>> -> memref<80xi32, #tpu.memory_space<hbm>>
    %dma_start3A_522 = arith.constant 0 : i32
    %dma_start3A_523 = tpu.memref_slice %arg3[%add3A_518, %dma_start3A_522] : memref<2000x80xi32, #tpu.memory_space<hbm>> -> memref<1x80xi32, #tpu.memory_space<hbm>>
    %dma_start3A_524 = tpu.memref_squeeze %dma_start3A_523 : memref<1x80xi32, #tpu.memory_space<hbm>> -> memref<80xi32, #tpu.memory_space<hbm>>
    tpu.enqueue_dma source(%dma_start3A_524 : memref<80xi32, #tpu.memory_space<hbm>>) target(%arg11 : memref<80xi32, #tpu.memory_space<vmem>>) target_semaphore(%arg30 : memref<!tpu.dma_semaphore, #tpu.memory_space<semaphore_mem>>)
    %dma_start3A_525 = arith.constant 0 : i32
    %dma_start3A_526 = tpu.memref_slice %arg4[%add3A_518, %dma_start3A_525] : memref<2000x80xi32, #tpu.memory_space<hbm>> -> memref<1x80xi32, #tpu.memory_space<hbm>>
    %dma_start3A_527 = tpu.memref_squeeze %dma_start3A_526 : memref<1x80xi32, #tpu.memory_space<hbm>> -> memref<80xi32, #tpu.memory_space<hbm>>
    %dma_start3A_528 = arith.constant 0 : i32
    %dma_start3A_529 = tpu.memref_slice %arg4[%add3A_518, %dma_start3A_528] : memref<2000x80xi32, #tpu.memory_space<hbm>> -> memref<1x80xi32, #tpu.memory_space<hbm>>
    %dma_start3A_530 = tpu.memref_squeeze %dma_start3A_529 : memref<1x80xi32, #tpu.memory_space<hbm>> -> memref<80xi32, #tpu.memory_space<hbm>>
    tpu.enqueue_dma source(%dma_start3A_530 : memref<80xi32, #tpu.memory_space<hbm>>) target(%arg14 : memref<80xi32, #tpu.memory_space<vmem>>) target_semaphore(%arg30 : memref<!tpu.dma_semaphore, #tpu.memory_space<semaphore_mem>>)
    %dma_wait3A_531 = arith.constant 0 : i32
    %dma_wait3A_532 = arith.constant 0 : i32
    %dma_wait3A_533 = tpu.memref_slice %arg2[%dma_wait3A_531, %dma_wait3A_532] : memref<20000x128xf32, #tpu.memory_space<hbm>> -> memref<20000x128xf32, #tpu.memory_space<hbm>>
    tpu.wait_indirect_dma semaphore(%arg32 : memref<!tpu.dma_semaphore, #tpu.memory_space<semaphore_mem>>) src(%dma_wait3A_533 : memref<20000x128xf32, #tpu.memory_space<hbm>>) dst(%arg22 : memref<80x128xf32, #tpu.memory_space<vmem>>)
    %dma_start3A_534 = arith.constant 0 : i32
    %dma_start3A_535 = arith.constant 0 : i32
    %dma_start3A_536 = tpu.memref_slice %arg26[%dma_start3A_534, %dma_start3A_535] : memref<10008x128xf32, #tpu.memory_space<vmem_shared>> -> memref<10008x128xf32, #tpu.memory_space<vmem_shared>>
    tpu.enqueue_indirect_dma source(%arg22 : memref<80x128xf32, #tpu.memory_space<vmem>>) target(%dma_start3A_536 : memref<10008x128xf32, #tpu.memory_space<vmem_shared>>) offsets(%arg19 : memref<80xi32, #tpu.memory_space<vmem>>) semaphore(%arg35 : memref<!tpu.dma_semaphore, #tpu.memory_space<semaphore_mem>>) {add = true}
    %mul3A_537 = arith.constant 125 : i32
    %mul3A_538 = arith.muli %arg1, %mul3A_537 : i32
    %add3A_539 = arith.constant 1 : i32
    %add3A_540 = arith.addi %mul3A_538, %add3A_539 : i32
    %and3A_541 = arith.constant 1 : i32
    %and3A_542 = arith.andi %add3A_540, %and3A_541 : i32
    %eq3A_543 = arith.cmpi eq, %and3A_542, %arg0 : i32
    %convert_element_type3A_544 = arith.extui %eq3A_543 : i1 to i32
    %cond3A_545 = arith.constant 0 : i32
    %cond3A_546 = arith.cmpi ne, %convert_element_type3A_544, %cond3A_545 : i32
    scf.if %cond3A_546 {
      %dma_start3A_961 = arith.constant 0 : i32
      %dma_start3A_962 = arith.constant 0 : i32
      %dma_start3A_963 = tpu.memref_slice %arg27[%dma_start3A_961, %dma_start3A_962] : memref<10008x16xf32, #tpu.memory_space<vmem_shared>> -> memref<10008x16xf32, #tpu.memory_space<vmem_shared>>
      tpu.enqueue_indirect_dma source(%arg24 : memref<80x16xf32, #tpu.memory_space<vmem>>) target(%dma_start3A_963 : memref<10008x16xf32, #tpu.memory_space<vmem_shared>>) offsets(%arg19 : memref<80xi32, #tpu.memory_space<vmem>>) semaphore(%arg38 : memref<!tpu.dma_semaphore, #tpu.memory_space<semaphore_mem>>) {add = true}
    } else {
    }
    %scan3A_547 = arith.constant 0 : i32
    %scan3A_548 = arith.constant 40 : i32
    %scan3A_549 = arith.addi %scan3A_547, %scan3A_548 : i32
    %scan3A_550 = arith.constant 1 : i32
    scf.for %scan3A_961 = %scan3A_547 to %scan3A_549 step %scan3A_550  : i32 {
      %mul3A_962 = arith.constant 1 : i32
      %mul3A_963 = arith.muli %scan3A_961, %mul3A_962 : i32
      %add3A_964 = arith.constant 0 : i32
      %add3A_965 = arith.addi %add3A_964, %mul3A_963 : i32
      %mul3A_966 = arith.constant 3 : i32
      %mul3A_967 = arith.muli %mul3A_966, %add3A_965 : i32
      %add3A_968 = arith.constant 3 : i32
      %add3A_969 = arith.addi %mul3A_967, %add3A_968 : i32
      %sub3A = arith.constant 3 : i32
      %sub3A_970 = arith.subi %add3A_969, %sub3A : i32
      %dma_wait3A_971 = arith.constant 0 : i32
      %dma_wait3A_972 = arith.constant 0 : i32
      %dma_wait3A_973 = tpu.memref_slice %arg26[%dma_wait3A_971, %dma_wait3A_972] : memref<10008x128xf32, #tpu.memory_space<vmem_shared>> -> memref<10008x128xf32, #tpu.memory_space<vmem_shared>>
      tpu.wait_indirect_dma semaphore(%arg34 : memref<!tpu.dma_semaphore, #tpu.memory_space<semaphore_mem>>) src(%arg21 : memref<80x128xf32, #tpu.memory_space<vmem>>) dst(%dma_wait3A_973 : memref<10008x128xf32, #tpu.memory_space<vmem_shared>>)
      %mul3A_974 = arith.constant 125 : i32
      %mul3A_975 = arith.muli %arg1, %mul3A_974 : i32
      %add3A_976 = arith.addi %mul3A_975, %sub3A_970 : i32
      %and3A_977 = arith.constant 1 : i32
      %and3A_978 = arith.andi %add3A_976, %and3A_977 : i32
      %eq3A_979 = arith.cmpi eq, %and3A_978, %arg0 : i32
      %convert_element_type3A_980 = arith.extui %eq3A_979 : i1 to i32
      %cond3A_981 = arith.constant 0 : i32
      %cond3A_982 = arith.cmpi ne, %convert_element_type3A_980, %cond3A_981 : i32
      scf.if %cond3A_982 {
        %dma_wait3A_1528 = arith.constant 0 : i32
        %dma_wait3A_1529 = arith.constant 0 : i32
        %dma_wait3A_1530 = tpu.memref_slice %arg27[%dma_wait3A_1528, %dma_wait3A_1529] : memref<10008x16xf32, #tpu.memory_space<vmem_shared>> -> memref<10008x16xf32, #tpu.memory_space<vmem_shared>>
        tpu.wait_indirect_dma semaphore(%arg37 : memref<!tpu.dma_semaphore, #tpu.memory_space<semaphore_mem>>) src(%arg24 : memref<80x16xf32, #tpu.memory_space<vmem>>) dst(%dma_wait3A_1530 : memref<10008x16xf32, #tpu.memory_space<vmem_shared>>)
      } else {
      }
      %mul3A_983 = arith.constant 125 : i32
      %mul3A_984 = arith.muli %arg1, %mul3A_983 : i32
      %min3A_985 = arith.constant 124 : i32
      %min3A_986 = arith.minsi %add3A_969, %min3A_985 : i32
      %add3A_987 = arith.addi %mul3A_984, %min3A_986 : i32
      %dma_wait3A_988 = arith.constant 0 : i32
      %dma_wait3A_989 = tpu.memref_slice %arg3[%add3A_987, %dma_wait3A_988] : memref<2000x80xi32, #tpu.memory_space<hbm>> -> memref<1x80xi32, #tpu.memory_space<hbm>>
      %dma_wait3A_990 = tpu.memref_squeeze %dma_wait3A_989 : memref<1x80xi32, #tpu.memory_space<hbm>> -> memref<80xi32, #tpu.memory_space<hbm>>
      %dma_wait3A_991 = arith.constant 0 : i32
      %dma_wait3A_992 = tpu.memref_slice %arg3[%add3A_987, %dma_wait3A_991] : memref<2000x80xi32, #tpu.memory_space<hbm>> -> memref<1x80xi32, #tpu.memory_space<hbm>>
      %dma_wait3A_993 = tpu.memref_squeeze %dma_wait3A_992 : memref<1x80xi32, #tpu.memory_space<hbm>> -> memref<80xi32, #tpu.memory_space<hbm>>
      tpu.wait_dma2 semaphore(%arg28 : memref<!tpu.dma_semaphore, #tpu.memory_space<semaphore_mem>>) src(%dma_wait3A_993 : memref<80xi32, #tpu.memory_space<hbm>>) dst(%arg9 : memref<80xi32, #tpu.memory_space<vmem>>)
      %dma_wait3A_994 = arith.constant 0 : i32
      %dma_wait3A_995 = tpu.memref_slice %arg4[%add3A_987, %dma_wait3A_994] : memref<2000x80xi32, #tpu.memory_space<hbm>> -> memref<1x80xi32, #tpu.memory_space<hbm>>
      %dma_wait3A_996 = tpu.memref_squeeze %dma_wait3A_995 : memref<1x80xi32, #tpu.memory_space<hbm>> -> memref<80xi32, #tpu.memory_space<hbm>>
      %dma_wait3A_997 = arith.constant 0 : i32
      %dma_wait3A_998 = tpu.memref_slice %arg4[%add3A_987, %dma_wait3A_997] : memref<2000x80xi32, #tpu.memory_space<hbm>> -> memref<1x80xi32, #tpu.memory_space<hbm>>
      %dma_wait3A_999 = tpu.memref_squeeze %dma_wait3A_998 : memref<1x80xi32, #tpu.memory_space<hbm>> -> memref<80xi32, #tpu.memory_space<hbm>>
      tpu.wait_dma2 semaphore(%arg28 : memref<!tpu.dma_semaphore, #tpu.memory_space<semaphore_mem>>) src(%dma_wait3A_999 : memref<80xi32, #tpu.memory_space<hbm>>) dst(%arg12 : memref<80xi32, #tpu.memory_space<vmem>>)
      %get3A_1000 = arith.constant 0 : index
      %get3A_1001 = tpu.vector_load %arg9[%get3A_1000] {strides = array<i32>} : memref<80xi32, #tpu.memory_space<vmem>>, vector<16xi32>,
      %get3A_1002 = vector.shape_cast %get3A_1001 : vector<16xi32> to vector<16xi32>
      %get3A_1003 = arith.constant 0 : index
      %get3A_1004 = tpu.vector_load %arg12[%get3A_1003] {strides = array<i32>} : memref<80xi32, #tpu.memory_space<vmem>>, vector<16xi32>,
      %get3A_1005 = vector.shape_cast %get3A_1004 : vector<16xi32> to vector<16xi32>
      %mul3A_1006 = arith.constant 2 : i32
      %mul3A_1007 = vector.broadcast %mul3A_1006 : i32 to vector<16xi32>
      %mul3A_1008 = arith.muli %get3A_1002, %mul3A_1007 : vector<16xi32>
      %add3A_1009 = vector.broadcast %arg0 : i32 to vector<16xi32>
      %add3A_1010 = arith.addi %mul3A_1008, %add3A_1009 : vector<16xi32>
      %swap3A_1011 = arith.constant 0 : index
      %swap3A_1012 = tpu.vector_load %arg15[%swap3A_1011] {strides = array<i32>} : memref<80xi32, #tpu.memory_space<vmem>>, vector<16xi32>,
      %swap3A_1013 = vector.shape_cast %swap3A_1012 : vector<16xi32> to vector<16xi32>
      %swap3A_1014 = vector.shape_cast %add3A_1010 : vector<16xi32> to vector<16xi32>
      tpu.vector_store %arg15[%swap3A_1011], %swap3A_1014 {strides = array<i32>} : memref<80xi32, #tpu.memory_space<vmem>>, vector<16xi32>,
      %eq3A_1015 = arith.cmpi eq, %get3A_1002, %get3A_1005 : vector<16xi32>
      %jit3A_1016 = arith.constant 10000 : i32
      %broadcast_in_dim3A_1017 = vector.broadcast %jit3A_1016 : i32 to vector<16xi32>
      %select_n3A_1018 = arith.select %eq3A_1015, %broadcast_in_dim3A_1017, %get3A_1005 : vector<16xi1>, vector<16xi32>
      %swap3A_1019 = arith.constant 0 : index
      %swap3A_1020 = tpu.vector_load %arg18[%swap3A_1019] {strides = array<i32>} : memref<80xi32, #tpu.memory_space<vmem>>, vector<16xi32>,
      %swap3A_1021 = vector.shape_cast %swap3A_1020 : vector<16xi32> to vector<16xi32>
      %swap3A_1022 = vector.shape_cast %select_n3A_1018 : vector<16xi32> to vector<16xi32>
      tpu.vector_store %arg18[%swap3A_1019], %swap3A_1022 {strides = array<i32>} : memref<80xi32, #tpu.memory_space<vmem>>, vector<16xi32>,
      %get3A_1023 = arith.constant 16 : index
      %get3A_1024 = tpu.vector_load %arg9[%get3A_1023] {strides = array<i32>} : memref<80xi32, #tpu.memory_space<vmem>>, vector<16xi32>,
      %get3A_1025 = vector.shape_cast %get3A_1024 : vector<16xi32> to vector<16xi32>
      %get3A_1026 = arith.constant 16 : index
      %get3A_1027 = tpu.vector_load %arg12[%get3A_1026] {strides = array<i32>} : memref<80xi32, #tpu.memory_space<vmem>>, vector<16xi32>,
      %get3A_1028 = vector.shape_cast %get3A_1027 : vector<16xi32> to vector<16xi32>
      %mul3A_1029 = arith.constant 2 : i32
      %mul3A_1030 = vector.broadcast %mul3A_1029 : i32 to vector<16xi32>
      %mul3A_1031 = arith.muli %get3A_1025, %mul3A_1030 : vector<16xi32>
      %add3A_1032 = vector.broadcast %arg0 : i32 to vector<16xi32>
      %add3A_1033 = arith.addi %mul3A_1031, %add3A_1032 : vector<16xi32>
      %swap3A_1034 = arith.constant 16 : index
      %swap3A_1035 = tpu.vector_load %arg15[%swap3A_1034] {strides = array<i32>} : memref<80xi32, #tpu.memory_space<vmem>>, vector<16xi32>,
      %swap3A_1036 = vector.shape_cast %swap3A_1035 : vector<16xi32> to vector<16xi32>
      %swap3A_1037 = vector.shape_cast %add3A_1033 : vector<16xi32> to vector<16xi32>
      tpu.vector_store %arg15[%swap3A_1034], %swap3A_1037 {strides = array<i32>} : memref<80xi32, #tpu.memory_space<vmem>>, vector<16xi32>,
      %eq3A_1038 = arith.cmpi eq, %get3A_1025, %get3A_1028 : vector<16xi32>
      %jit3A_1039 = arith.constant 10000 : i32
      %broadcast_in_dim3A_1040 = vector.broadcast %jit3A_1039 : i32 to vector<16xi32>
      %select_n3A_1041 = arith.select %eq3A_1038, %broadcast_in_dim3A_1040, %get3A_1028 : vector<16xi1>, vector<16xi32>
      %swap3A_1042 = arith.constant 16 : index
      %swap3A_1043 = tpu.vector_load %arg18[%swap3A_1042] {strides = array<i32>} : memref<80xi32, #tpu.memory_space<vmem>>, vector<16xi32>,
      %swap3A_1044 = vector.shape_cast %swap3A_1043 : vector<16xi32> to vector<16xi32>
      %swap3A_1045 = vector.shape_cast %select_n3A_1041 : vector<16xi32> to vector<16xi32>
      tpu.vector_store %arg18[%swap3A_1042], %swap3A_1045 {strides = array<i32>} : memref<80xi32, #tpu.memory_space<vmem>>, vector<16xi32>,
      %get3A_1046 = arith.constant 32 : index
      %get3A_1047 = tpu.vector_load %arg9[%get3A_1046] {strides = array<i32>} : memref<80xi32, #tpu.memory_space<vmem>>, vector<16xi32>,
      %get3A_1048 = vector.shape_cast %get3A_1047 : vector<16xi32> to vector<16xi32>
      %get3A_1049 = arith.constant 32 : index
      %get3A_1050 = tpu.vector_load %arg12[%get3A_1049] {strides = array<i32>} : memref<80xi32, #tpu.memory_space<vmem>>, vector<16xi32>,
      %get3A_1051 = vector.shape_cast %get3A_1050 : vector<16xi32> to vector<16xi32>
      %mul3A_1052 = arith.constant 2 : i32
      %mul3A_1053 = vector.broadcast %mul3A_1052 : i32 to vector<16xi32>
      %mul3A_1054 = arith.muli %get3A_1048, %mul3A_1053 : vector<16xi32>
      %add3A_1055 = vector.broadcast %arg0 : i32 to vector<16xi32>
      %add3A_1056 = arith.addi %mul3A_1054, %add3A_1055 : vector<16xi32>
      %swap3A_1057 = arith.constant 32 : index
      %swap3A_1058 = tpu.vector_load %arg15[%swap3A_1057] {strides = array<i32>} : memref<80xi32, #tpu.memory_space<vmem>>, vector<16xi32>,
      %swap3A_1059 = vector.shape_cast %swap3A_1058 : vector<16xi32> to vector<16xi32>
      %swap3A_1060 = vector.shape_cast %add3A_1056 : vector<16xi32> to vector<16xi32>
      tpu.vector_store %arg15[%swap3A_1057], %swap3A_1060 {strides = array<i32>} : memref<80xi32, #tpu.memory_space<vmem>>, vector<16xi32>,
      %eq3A_1061 = arith.cmpi eq, %get3A_1048, %get3A_1051 : vector<16xi32>
      %jit3A_1062 = arith.constant 10000 : i32
      %broadcast_in_dim3A_1063 = vector.broadcast %jit3A_1062 : i32 to vector<16xi32>
      %select_n3A_1064 = arith.select %eq3A_1061, %broadcast_in_dim3A_1063, %get3A_1051 : vector<16xi1>, vector<16xi32>
      %swap3A_1065 = arith.constant 32 : index
      %swap3A_1066 = tpu.vector_load %arg18[%swap3A_1065] {strides = array<i32>} : memref<80xi32, #tpu.memory_space<vmem>>, vector<16xi32>,
      %swap3A_1067 = vector.shape_cast %swap3A_1066 : vector<16xi32> to vector<16xi32>
      %swap3A_1068 = vector.shape_cast %select_n3A_1064 : vector<16xi32> to vector<16xi32>
      tpu.vector_store %arg18[%swap3A_1065], %swap3A_1068 {strides = array<i32>} : memref<80xi32, #tpu.memory_space<vmem>>, vector<16xi32>,
      %get3A_1069 = arith.constant 48 : index
      %get3A_1070 = tpu.vector_load %arg9[%get3A_1069] {strides = array<i32>} : memref<80xi32, #tpu.memory_space<vmem>>, vector<16xi32>,
      %get3A_1071 = vector.shape_cast %get3A_1070 : vector<16xi32> to vector<16xi32>
      %get3A_1072 = arith.constant 48 : index
      %get3A_1073 = tpu.vector_load %arg12[%get3A_1072] {strides = array<i32>} : memref<80xi32, #tpu.memory_space<vmem>>, vector<16xi32>,
      %get3A_1074 = vector.shape_cast %get3A_1073 : vector<16xi32> to vector<16xi32>
      %mul3A_1075 = arith.constant 2 : i32
      %mul3A_1076 = vector.broadcast %mul3A_1075 : i32 to vector<16xi32>
      %mul3A_1077 = arith.muli %get3A_1071, %mul3A_1076 : vector<16xi32>
      %add3A_1078 = vector.broadcast %arg0 : i32 to vector<16xi32>
      %add3A_1079 = arith.addi %mul3A_1077, %add3A_1078 : vector<16xi32>
      %swap3A_1080 = arith.constant 48 : index
      %swap3A_1081 = tpu.vector_load %arg15[%swap3A_1080] {strides = array<i32>} : memref<80xi32, #tpu.memory_space<vmem>>, vector<16xi32>,
      %swap3A_1082 = vector.shape_cast %swap3A_1081 : vector<16xi32> to vector<16xi32>
      %swap3A_1083 = vector.shape_cast %add3A_1079 : vector<16xi32> to vector<16xi32>
      tpu.vector_store %arg15[%swap3A_1080], %swap3A_1083 {strides = array<i32>} : memref<80xi32, #tpu.memory_space<vmem>>, vector<16xi32>,
      %eq3A_1084 = arith.cmpi eq, %get3A_1071, %get3A_1074 : vector<16xi32>
      %jit3A_1085 = arith.constant 10000 : i32
      %broadcast_in_dim3A_1086 = vector.broadcast %jit3A_1085 : i32 to vector<16xi32>
      %select_n3A_1087 = arith.select %eq3A_1084, %broadcast_in_dim3A_1086, %get3A_1074 : vector<16xi1>, vector<16xi32>
      %swap3A_1088 = arith.constant 48 : index
      %swap3A_1089 = tpu.vector_load %arg18[%swap3A_1088] {strides = array<i32>} : memref<80xi32, #tpu.memory_space<vmem>>, vector<16xi32>,
      %swap3A_1090 = vector.shape_cast %swap3A_1089 : vector<16xi32> to vector<16xi32>
      %swap3A_1091 = vector.shape_cast %select_n3A_1087 : vector<16xi32> to vector<16xi32>
      tpu.vector_store %arg18[%swap3A_1088], %swap3A_1091 {strides = array<i32>} : memref<80xi32, #tpu.memory_space<vmem>>, vector<16xi32>,
      %get3A_1092 = arith.constant 64 : index
      %get3A_1093 = tpu.vector_load %arg9[%get3A_1092] {strides = array<i32>} : memref<80xi32, #tpu.memory_space<vmem>>, vector<16xi32>,
      %get3A_1094 = vector.shape_cast %get3A_1093 : vector<16xi32> to vector<16xi32>
      %get3A_1095 = arith.constant 64 : index
      %get3A_1096 = tpu.vector_load %arg12[%get3A_1095] {strides = array<i32>} : memref<80xi32, #tpu.memory_space<vmem>>, vector<16xi32>,
      %get3A_1097 = vector.shape_cast %get3A_1096 : vector<16xi32> to vector<16xi32>
      %mul3A_1098 = arith.constant 2 : i32
      %mul3A_1099 = vector.broadcast %mul3A_1098 : i32 to vector<16xi32>
      %mul3A_1100 = arith.muli %get3A_1094, %mul3A_1099 : vector<16xi32>
      %add3A_1101 = vector.broadcast %arg0 : i32 to vector<16xi32>
      %add3A_1102 = arith.addi %mul3A_1100, %add3A_1101 : vector<16xi32>
      %swap3A_1103 = arith.constant 64 : index
      %swap3A_1104 = tpu.vector_load %arg15[%swap3A_1103] {strides = array<i32>} : memref<80xi32, #tpu.memory_space<vmem>>, vector<16xi32>,
      %swap3A_1105 = vector.shape_cast %swap3A_1104 : vector<16xi32> to vector<16xi32>
      %swap3A_1106 = vector.shape_cast %add3A_1102 : vector<16xi32> to vector<16xi32>
      tpu.vector_store %arg15[%swap3A_1103], %swap3A_1106 {strides = array<i32>} : memref<80xi32, #tpu.memory_space<vmem>>, vector<16xi32>,
      %eq3A_1107 = arith.cmpi eq, %get3A_1094, %get3A_1097 : vector<16xi32>
      %jit3A_1108 = arith.constant 10000 : i32
      %broadcast_in_dim3A_1109 = vector.broadcast %jit3A_1108 : i32 to vector<16xi32>
      %select_n3A_1110 = arith.select %eq3A_1107, %broadcast_in_dim3A_1109, %get3A_1097 : vector<16xi1>, vector<16xi32>
      %swap3A_1111 = arith.constant 64 : index
      %swap3A_1112 = tpu.vector_load %arg18[%swap3A_1111] {strides = array<i32>} : memref<80xi32, #tpu.memory_space<vmem>>, vector<16xi32>,
      %swap3A_1113 = vector.shape_cast %swap3A_1112 : vector<16xi32> to vector<16xi32>
      %swap3A_1114 = vector.shape_cast %select_n3A_1110 : vector<16xi32> to vector<16xi32>
      tpu.vector_store %arg18[%swap3A_1111], %swap3A_1114 {strides = array<i32>} : memref<80xi32, #tpu.memory_space<vmem>>, vector<16xi32>,
      %dma_start3A_1115 = arith.constant 0 : i32
      %dma_start3A_1116 = arith.constant 0 : i32
      %dma_start3A_1117 = tpu.memref_slice %arg2[%dma_start3A_1115, %dma_start3A_1116] : memref<20000x128xf32, #tpu.memory_space<hbm>> -> memref<20000x128xf32, #tpu.memory_space<hbm>>
      tpu.enqueue_indirect_dma source(%dma_start3A_1117 : memref<20000x128xf32, #tpu.memory_space<hbm>>) target(%arg21 : memref<80x128xf32, #tpu.memory_space<vmem>>) offsets(%arg15 : memref<80xi32, #tpu.memory_space<vmem>>) semaphore(%arg31 : memref<!tpu.dma_semaphore, #tpu.memory_space<semaphore_mem>>)
      %add3A_1118 = arith.constant 3 : i32
      %add3A_1119 = arith.addi %add3A_969, %add3A_1118 : i32
      %mul3A_1120 = arith.constant 125 : i32
      %mul3A_1121 = arith.muli %arg1, %mul3A_1120 : i32
      %min3A_1122 = arith.constant 124 : i32
      %min3A_1123 = arith.minsi %add3A_1119, %min3A_1122 : i32
      %add3A_1124 = arith.addi %mul3A_1121, %min3A_1123 : i32
      %dma_start3A_1125 = arith.constant 0 : i32
      %dma_start3A_1126 = tpu.memref_slice %arg3[%add3A_1124, %dma_start3A_1125] : memref<2000x80xi32, #tpu.memory_space<hbm>> -> memref<1x80xi32, #tpu.memory_space<hbm>>
      %dma_start3A_1127 = tpu.memref_squeeze %dma_start3A_1126 : memref<1x80xi32, #tpu.memory_space<hbm>> -> memref<80xi32, #tpu.memory_space<hbm>>
      %dma_start3A_1128 = arith.constant 0 : i32
      %dma_start3A_1129 = tpu.memref_slice %arg3[%add3A_1124, %dma_start3A_1128] : memref<2000x80xi32, #tpu.memory_space<hbm>> -> memref<1x80xi32, #tpu.memory_space<hbm>>
      %dma_start3A_1130 = tpu.memref_squeeze %dma_start3A_1129 : memref<1x80xi32, #tpu.memory_space<hbm>> -> memref<80xi32, #tpu.memory_space<hbm>>
      tpu.enqueue_dma source(%dma_start3A_1130 : memref<80xi32, #tpu.memory_space<hbm>>) target(%arg9 : memref<80xi32, #tpu.memory_space<vmem>>) target_semaphore(%arg28 : memref<!tpu.dma_semaphore, #tpu.memory_space<semaphore_mem>>)
      %dma_start3A_1131 = arith.constant 0 : i32
      %dma_start3A_1132 = tpu.memref_slice %arg4[%add3A_1124, %dma_start3A_1131] : memref<2000x80xi32, #tpu.memory_space<hbm>> -> memref<1x80xi32, #tpu.memory_space<hbm>>
      %dma_start3A_1133 = tpu.memref_squeeze %dma_start3A_1132 : memref<1x80xi32, #tpu.memory_space<hbm>> -> memref<80xi32, #tpu.memory_space<hbm>>
      %dma_start3A_1134 = arith.constant 0 : i32
      %dma_start3A_1135 = tpu.memref_slice %arg4[%add3A_1124, %dma_start3A_1134] : memref<2000x80xi32, #tpu.memory_space<hbm>> -> memref<1x80xi32, #tpu.memory_space<hbm>>
      %dma_start3A_1136 = tpu.memref_squeeze %dma_start3A_1135 : memref<1x80xi32, #tpu.memory_space<hbm>> -> memref<80xi32, #tpu.memory_space<hbm>>
      tpu.enqueue_dma source(%dma_start3A_1136 : memref<80xi32, #tpu.memory_space<hbm>>) target(%arg12 : memref<80xi32, #tpu.memory_space<vmem>>) target_semaphore(%arg28 : memref<!tpu.dma_semaphore, #tpu.memory_space<semaphore_mem>>)
      %dma_wait3A_1137 = arith.constant 0 : i32
      %dma_wait3A_1138 = arith.constant 0 : i32
      %dma_wait3A_1139 = tpu.memref_slice %arg2[%dma_wait3A_1137, %dma_wait3A_1138] : memref<20000x128xf32, #tpu.memory_space<hbm>> -> memref<20000x128xf32, #tpu.memory_space<hbm>>
      tpu.wait_indirect_dma semaphore(%arg33 : memref<!tpu.dma_semaphore, #tpu.memory_space<semaphore_mem>>) src(%dma_wait3A_1139 : memref<20000x128xf32, #tpu.memory_space<hbm>>) dst(%arg23 : memref<80x128xf32, #tpu.memory_space<vmem>>)
      %sub3A_1140 = arith.constant 1 : i32
      %sub3A_1141 = arith.subi %add3A_969, %sub3A_1140 : i32
      %dma_start3A_1142 = arith.constant 0 : i32
      %dma_start3A_1143 = arith.constant 0 : i32
      %dma_start3A_1144 = tpu.memref_slice %arg26[%dma_start3A_1142, %dma_start3A_1143] : memref<10008x128xf32, #tpu.memory_space<vmem_shared>> -> memref<10008x128xf32, #tpu.memory_space<vmem_shared>>
      tpu.enqueue_indirect_dma source(%arg23 : memref<80x128xf32, #tpu.memory_space<vmem>>) target(%dma_start3A_1144 : memref<10008x128xf32, #tpu.memory_space<vmem_shared>>) offsets(%arg20 : memref<80xi32, #tpu.memory_space<vmem>>) semaphore(%arg36 : memref<!tpu.dma_semaphore, #tpu.memory_space<semaphore_mem>>) {add = true}
      %mul3A_1145 = arith.constant 125 : i32
      %mul3A_1146 = arith.muli %arg1, %mul3A_1145 : i32
      %add3A_1147 = arith.addi %mul3A_1146, %sub3A_1141 : i32
      %and3A_1148 = arith.constant 1 : i32
      %and3A_1149 = arith.andi %add3A_1147, %and3A_1148 : i32
      %eq3A_1150 = arith.cmpi eq, %and3A_1149, %arg0 : i32
      %convert_element_type3A_1151 = arith.extui %eq3A_1150 : i1 to i32
      %cond3A_1152 = arith.constant 0 : i32
      %cond3A_1153 = arith.cmpi ne, %convert_element_type3A_1151, %cond3A_1152 : i32
      scf.if %cond3A_1153 {
        %dma_start3A_1528 = arith.constant 0 : i32
        %dma_start3A_1529 = arith.constant 0 : i32
        %dma_start3A_1530 = tpu.memref_slice %arg27[%dma_start3A_1528, %dma_start3A_1529] : memref<10008x16xf32, #tpu.memory_space<vmem_shared>> -> memref<10008x16xf32, #tpu.memory_space<vmem_shared>>
        tpu.enqueue_indirect_dma source(%arg24 : memref<80x16xf32, #tpu.memory_space<vmem>>) target(%dma_start3A_1530 : memref<10008x16xf32, #tpu.memory_space<vmem_shared>>) offsets(%arg20 : memref<80xi32, #tpu.memory_space<vmem>>) semaphore(%arg39 : memref<!tpu.dma_semaphore, #tpu.memory_space<semaphore_mem>>) {add = true}
      } else {
      }
      %add3A_1154 = arith.constant 1 : i32
      %add3A_1155 = arith.addi %add3A_969, %add3A_1154 : i32
      %sub3A_1156 = arith.constant 3 : i32
      %sub3A_1157 = arith.subi %add3A_1155, %sub3A_1156 : i32
      %dma_wait3A_1158 = arith.constant 0 : i32
      %dma_wait3A_1159 = arith.constant 0 : i32
      %dma_wait3A_1160 = tpu.memref_slice %arg26[%dma_wait3A_1158, %dma_wait3A_1159] : memref<10008x128xf32, #tpu.memory_space<vmem_shared>> -> memref<10008x128xf32, #tpu.memory_space<vmem_shared>>
      tpu.wait_indirect_dma semaphore(%arg35 : memref<!tpu.dma_semaphore, #tpu.memory_space<semaphore_mem>>) src(%arg22 : memref<80x128xf32, #tpu.memory_space<vmem>>) dst(%dma_wait3A_1160 : memref<10008x128xf32, #tpu.memory_space<vmem_shared>>)
      %mul3A_1161 = arith.constant 125 : i32
      %mul3A_1162 = arith.muli %arg1, %mul3A_1161 : i32
      %add3A_1163 = arith.addi %mul3A_1162, %sub3A_1157 : i32
      %and3A_1164 = arith.constant 1 : i32
      %and3A_1165 = arith.andi %add3A_1163, %and3A_1164 : i32
      %eq3A_1166 = arith.cmpi eq, %and3A_1165, %arg0 : i32
      %convert_element_type3A_1167 = arith.extui %eq3A_1166 : i1 to i32
      %cond3A_1168 = arith.constant 0 : i32
      %cond3A_1169 = arith.cmpi ne, %convert_element_type3A_1167, %cond3A_1168 : i32
      scf.if %cond3A_1169 {
        %dma_wait3A_1528 = arith.constant 0 : i32
        %dma_wait3A_1529 = arith.constant 0 : i32
        %dma_wait3A_1530 = tpu.memref_slice %arg27[%dma_wait3A_1528, %dma_wait3A_1529] : memref<10008x16xf32, #tpu.memory_space<vmem_shared>> -> memref<10008x16xf32, #tpu.memory_space<vmem_shared>>
        tpu.wait_indirect_dma semaphore(%arg38 : memref<!tpu.dma_semaphore, #tpu.memory_space<semaphore_mem>>) src(%arg24 : memref<80x16xf32, #tpu.memory_space<vmem>>) dst(%dma_wait3A_1530 : memref<10008x16xf32, #tpu.memory_space<vmem_shared>>)
      } else {
      }
      %mul3A_1170 = arith.constant 125 : i32
      %mul3A_1171 = arith.muli %arg1, %mul3A_1170 : i32
      %min3A_1172 = arith.constant 124 : i32
      %min3A_1173 = arith.minsi %add3A_1155, %min3A_1172 : i32
      %add3A_1174 = arith.addi %mul3A_1171, %min3A_1173 : i32
      %dma_wait3A_1175 = arith.constant 0 : i32
      %dma_wait3A_1176 = tpu.memref_slice %arg3[%add3A_1174, %dma_wait3A_1175] : memref<2000x80xi32, #tpu.memory_space<hbm>> -> memref<1x80xi32, #tpu.memory_space<hbm>>
      %dma_wait3A_1177 = tpu.memref_squeeze %dma_wait3A_1176 : memref<1x80xi32, #tpu.memory_space<hbm>> -> memref<80xi32, #tpu.memory_space<hbm>>
      %dma_wait3A_1178 = arith.constant 0 : i32
      %dma_wait3A_1179 = tpu.memref_slice %arg3[%add3A_1174, %dma_wait3A_1178] : memref<2000x80xi32, #tpu.memory_space<hbm>> -> memref<1x80xi32, #tpu.memory_space<hbm>>
      %dma_wait3A_1180 = tpu.memref_squeeze %dma_wait3A_1179 : memref<1x80xi32, #tpu.memory_space<hbm>> -> memref<80xi32, #tpu.memory_space<hbm>>
      tpu.wait_dma2 semaphore(%arg29 : memref<!tpu.dma_semaphore, #tpu.memory_space<semaphore_mem>>) src(%dma_wait3A_1180 : memref<80xi32, #tpu.memory_space<hbm>>) dst(%arg10 : memref<80xi32, #tpu.memory_space<vmem>>)
      %dma_wait3A_1181 = arith.constant 0 : i32
      %dma_wait3A_1182 = tpu.memref_slice %arg4[%add3A_1174, %dma_wait3A_1181] : memref<2000x80xi32, #tpu.memory_space<hbm>> -> memref<1x80xi32, #tpu.memory_space<hbm>>
      %dma_wait3A_1183 = tpu.memref_squeeze %dma_wait3A_1182 : memref<1x80xi32, #tpu.memory_space<hbm>> -> memref<80xi32, #tpu.memory_space<hbm>>
      %dma_wait3A_1184 = arith.constant 0 : i32
      %dma_wait3A_1185 = tpu.memref_slice %arg4[%add3A_1174, %dma_wait3A_1184] : memref<2000x80xi32, #tpu.memory_space<hbm>> -> memref<1x80xi32, #tpu.memory_space<hbm>>
      %dma_wait3A_1186 = tpu.memref_squeeze %dma_wait3A_1185 : memref<1x80xi32, #tpu.memory_space<hbm>> -> memref<80xi32, #tpu.memory_space<hbm>>
      tpu.wait_dma2 semaphore(%arg29 : memref<!tpu.dma_semaphore, #tpu.memory_space<semaphore_mem>>) src(%dma_wait3A_1186 : memref<80xi32, #tpu.memory_space<hbm>>) dst(%arg13 : memref<80xi32, #tpu.memory_space<vmem>>)
      %get3A_1187 = arith.constant 0 : index
      %get3A_1188 = tpu.vector_load %arg10[%get3A_1187] {strides = array<i32>} : memref<80xi32, #tpu.memory_space<vmem>>, vector<16xi32>,
      %get3A_1189 = vector.shape_cast %get3A_1188 : vector<16xi32> to vector<16xi32>
      %get3A_1190 = arith.constant 0 : index
      %get3A_1191 = tpu.vector_load %arg13[%get3A_1190] {strides = array<i32>} : memref<80xi32, #tpu.memory_space<vmem>>, vector<16xi32>,
      %get3A_1192 = vector.shape_cast %get3A_1191 : vector<16xi32> to vector<16xi32>
      %mul3A_1193 = arith.constant 2 : i32
      %mul3A_1194 = vector.broadcast %mul3A_1193 : i32 to vector<16xi32>
      %mul3A_1195 = arith.muli %get3A_1189, %mul3A_1194 : vector<16xi32>
      %add3A_1196 = vector.broadcast %arg0 : i32 to vector<16xi32>
      %add3A_1197 = arith.addi %mul3A_1195, %add3A_1196 : vector<16xi32>
      %swap3A_1198 = arith.constant 0 : index
      %swap3A_1199 = tpu.vector_load %arg16[%swap3A_1198] {strides = array<i32>} : memref<80xi32, #tpu.memory_space<vmem>>, vector<16xi32>,
      %swap3A_1200 = vector.shape_cast %swap3A_1199 : vector<16xi32> to vector<16xi32>
      %swap3A_1201 = vector.shape_cast %add3A_1197 : vector<16xi32> to vector<16xi32>
      tpu.vector_store %arg16[%swap3A_1198], %swap3A_1201 {strides = array<i32>} : memref<80xi32, #tpu.memory_space<vmem>>, vector<16xi32>,
      %eq3A_1202 = arith.cmpi eq, %get3A_1189, %get3A_1192 : vector<16xi32>
      %jit3A_1203 = arith.constant 10000 : i32
      %broadcast_in_dim3A_1204 = vector.broadcast %jit3A_1203 : i32 to vector<16xi32>
      %select_n3A_1205 = arith.select %eq3A_1202, %broadcast_in_dim3A_1204, %get3A_1192 : vector<16xi1>, vector<16xi32>
      %swap3A_1206 = arith.constant 0 : index
      %swap3A_1207 = tpu.vector_load %arg19[%swap3A_1206] {strides = array<i32>} : memref<80xi32, #tpu.memory_space<vmem>>, vector<16xi32>,
      %swap3A_1208 = vector.shape_cast %swap3A_1207 : vector<16xi32> to vector<16xi32>
      %swap3A_1209 = vector.shape_cast %select_n3A_1205 : vector<16xi32> to vector<16xi32>
      tpu.vector_store %arg19[%swap3A_1206], %swap3A_1209 {strides = array<i32>} : memref<80xi32, #tpu.memory_space<vmem>>, vector<16xi32>,
      %get3A_1210 = arith.constant 16 : index
      %get3A_1211 = tpu.vector_load %arg10[%get3A_1210] {strides = array<i32>} : memref<80xi32, #tpu.memory_space<vmem>>, vector<16xi32>,
      %get3A_1212 = vector.shape_cast %get3A_1211 : vector<16xi32> to vector<16xi32>
      %get3A_1213 = arith.constant 16 : index
      %get3A_1214 = tpu.vector_load %arg13[%get3A_1213] {strides = array<i32>} : memref<80xi32, #tpu.memory_space<vmem>>, vector<16xi32>,
      %get3A_1215 = vector.shape_cast %get3A_1214 : vector<16xi32> to vector<16xi32>
      %mul3A_1216 = arith.constant 2 : i32
      %mul3A_1217 = vector.broadcast %mul3A_1216 : i32 to vector<16xi32>
      %mul3A_1218 = arith.muli %get3A_1212, %mul3A_1217 : vector<16xi32>
      %add3A_1219 = vector.broadcast %arg0 : i32 to vector<16xi32>
      %add3A_1220 = arith.addi %mul3A_1218, %add3A_1219 : vector<16xi32>
      %swap3A_1221 = arith.constant 16 : index
      %swap3A_1222 = tpu.vector_load %arg16[%swap3A_1221] {strides = array<i32>} : memref<80xi32, #tpu.memory_space<vmem>>, vector<16xi32>,
      %swap3A_1223 = vector.shape_cast %swap3A_1222 : vector<16xi32> to vector<16xi32>
      %swap3A_1224 = vector.shape_cast %add3A_1220 : vector<16xi32> to vector<16xi32>
      tpu.vector_store %arg16[%swap3A_1221], %swap3A_1224 {strides = array<i32>} : memref<80xi32, #tpu.memory_space<vmem>>, vector<16xi32>,
      %eq3A_1225 = arith.cmpi eq, %get3A_1212, %get3A_1215 : vector<16xi32>
      %jit3A_1226 = arith.constant 10000 : i32
      %broadcast_in_dim3A_1227 = vector.broadcast %jit3A_1226 : i32 to vector<16xi32>
      %select_n3A_1228 = arith.select %eq3A_1225, %broadcast_in_dim3A_1227, %get3A_1215 : vector<16xi1>, vector<16xi32>
      %swap3A_1229 = arith.constant 16 : index
      %swap3A_1230 = tpu.vector_load %arg19[%swap3A_1229] {strides = array<i32>} : memref<80xi32, #tpu.memory_space<vmem>>, vector<16xi32>,
      %swap3A_1231 = vector.shape_cast %swap3A_1230 : vector<16xi32> to vector<16xi32>
      %swap3A_1232 = vector.shape_cast %select_n3A_1228 : vector<16xi32> to vector<16xi32>
      tpu.vector_store %arg19[%swap3A_1229], %swap3A_1232 {strides = array<i32>} : memref<80xi32, #tpu.memory_space<vmem>>, vector<16xi32>,
      %get3A_1233 = arith.constant 32 : index
      %get3A_1234 = tpu.vector_load %arg10[%get3A_1233] {strides = array<i32>} : memref<80xi32, #tpu.memory_space<vmem>>, vector<16xi32>,
      %get3A_1235 = vector.shape_cast %get3A_1234 : vector<16xi32> to vector<16xi32>
      %get3A_1236 = arith.constant 32 : index
      %get3A_1237 = tpu.vector_load %arg13[%get3A_1236] {strides = array<i32>} : memref<80xi32, #tpu.memory_space<vmem>>, vector<16xi32>,
      %get3A_1238 = vector.shape_cast %get3A_1237 : vector<16xi32> to vector<16xi32>
      %mul3A_1239 = arith.constant 2 : i32
      %mul3A_1240 = vector.broadcast %mul3A_1239 : i32 to vector<16xi32>
      %mul3A_1241 = arith.muli %get3A_1235, %mul3A_1240 : vector<16xi32>
      %add3A_1242 = vector.broadcast %arg0 : i32 to vector<16xi32>
      %add3A_1243 = arith.addi %mul3A_1241, %add3A_1242 : vector<16xi32>
      %swap3A_1244 = arith.constant 32 : index
      %swap3A_1245 = tpu.vector_load %arg16[%swap3A_1244] {strides = array<i32>} : memref<80xi32, #tpu.memory_space<vmem>>, vector<16xi32>,
      %swap3A_1246 = vector.shape_cast %swap3A_1245 : vector<16xi32> to vector<16xi32>
      %swap3A_1247 = vector.shape_cast %add3A_1243 : vector<16xi32> to vector<16xi32>
      tpu.vector_store %arg16[%swap3A_1244], %swap3A_1247 {strides = array<i32>} : memref<80xi32, #tpu.memory_space<vmem>>, vector<16xi32>,
      %eq3A_1248 = arith.cmpi eq, %get3A_1235, %get3A_1238 : vector<16xi32>
      %jit3A_1249 = arith.constant 10000 : i32
      %broadcast_in_dim3A_1250 = vector.broadcast %jit3A_1249 : i32 to vector<16xi32>
      %select_n3A_1251 = arith.select %eq3A_1248, %broadcast_in_dim3A_1250, %get3A_1238 : vector<16xi1>, vector<16xi32>
      %swap3A_1252 = arith.constant 32 : index
      %swap3A_1253 = tpu.vector_load %arg19[%swap3A_1252] {strides = array<i32>} : memref<80xi32, #tpu.memory_space<vmem>>, vector<16xi32>,
      %swap3A_1254 = vector.shape_cast %swap3A_1253 : vector<16xi32> to vector<16xi32>
      %swap3A_1255 = vector.shape_cast %select_n3A_1251 : vector<16xi32> to vector<16xi32>
      tpu.vector_store %arg19[%swap3A_1252], %swap3A_1255 {strides = array<i32>} : memref<80xi32, #tpu.memory_space<vmem>>, vector<16xi32>,
      %get3A_1256 = arith.constant 48 : index
      %get3A_1257 = tpu.vector_load %arg10[%get3A_1256] {strides = array<i32>} : memref<80xi32, #tpu.memory_space<vmem>>, vector<16xi32>,
      %get3A_1258 = vector.shape_cast %get3A_1257 : vector<16xi32> to vector<16xi32>
      %get3A_1259 = arith.constant 48 : index
      %get3A_1260 = tpu.vector_load %arg13[%get3A_1259] {strides = array<i32>} : memref<80xi32, #tpu.memory_space<vmem>>, vector<16xi32>,
      %get3A_1261 = vector.shape_cast %get3A_1260 : vector<16xi32> to vector<16xi32>
      %mul3A_1262 = arith.constant 2 : i32
      %mul3A_1263 = vector.broadcast %mul3A_1262 : i32 to vector<16xi32>
      %mul3A_1264 = arith.muli %get3A_1258, %mul3A_1263 : vector<16xi32>
      %add3A_1265 = vector.broadcast %arg0 : i32 to vector<16xi32>
      %add3A_1266 = arith.addi %mul3A_1264, %add3A_1265 : vector<16xi32>
      %swap3A_1267 = arith.constant 48 : index
      %swap3A_1268 = tpu.vector_load %arg16[%swap3A_1267] {strides = array<i32>} : memref<80xi32, #tpu.memory_space<vmem>>, vector<16xi32>,
      %swap3A_1269 = vector.shape_cast %swap3A_1268 : vector<16xi32> to vector<16xi32>
      %swap3A_1270 = vector.shape_cast %add3A_1266 : vector<16xi32> to vector<16xi32>
      tpu.vector_store %arg16[%swap3A_1267], %swap3A_1270 {strides = array<i32>} : memref<80xi32, #tpu.memory_space<vmem>>, vector<16xi32>,
      %eq3A_1271 = arith.cmpi eq, %get3A_1258, %get3A_1261 : vector<16xi32>
      %jit3A_1272 = arith.constant 10000 : i32
      %broadcast_in_dim3A_1273 = vector.broadcast %jit3A_1272 : i32 to vector<16xi32>
      %select_n3A_1274 = arith.select %eq3A_1271, %broadcast_in_dim3A_1273, %get3A_1261 : vector<16xi1>, vector<16xi32>
      %swap3A_1275 = arith.constant 48 : index
      %swap3A_1276 = tpu.vector_load %arg19[%swap3A_1275] {strides = array<i32>} : memref<80xi32, #tpu.memory_space<vmem>>, vector<16xi32>,
      %swap3A_1277 = vector.shape_cast %swap3A_1276 : vector<16xi32> to vector<16xi32>
      %swap3A_1278 = vector.shape_cast %select_n3A_1274 : vector<16xi32> to vector<16xi32>
      tpu.vector_store %arg19[%swap3A_1275], %swap3A_1278 {strides = array<i32>} : memref<80xi32, #tpu.memory_space<vmem>>, vector<16xi32>,
      %get3A_1279 = arith.constant 64 : index
      %get3A_1280 = tpu.vector_load %arg10[%get3A_1279] {strides = array<i32>} : memref<80xi32, #tpu.memory_space<vmem>>, vector<16xi32>,
      %get3A_1281 = vector.shape_cast %get3A_1280 : vector<16xi32> to vector<16xi32>
      %get3A_1282 = arith.constant 64 : index
      %get3A_1283 = tpu.vector_load %arg13[%get3A_1282] {strides = array<i32>} : memref<80xi32, #tpu.memory_space<vmem>>, vector<16xi32>,
      %get3A_1284 = vector.shape_cast %get3A_1283 : vector<16xi32> to vector<16xi32>
      %mul3A_1285 = arith.constant 2 : i32
      %mul3A_1286 = vector.broadcast %mul3A_1285 : i32 to vector<16xi32>
      %mul3A_1287 = arith.muli %get3A_1281, %mul3A_1286 : vector<16xi32>
      %add3A_1288 = vector.broadcast %arg0 : i32 to vector<16xi32>
      %add3A_1289 = arith.addi %mul3A_1287, %add3A_1288 : vector<16xi32>
      %swap3A_1290 = arith.constant 64 : index
      %swap3A_1291 = tpu.vector_load %arg16[%swap3A_1290] {strides = array<i32>} : memref<80xi32, #tpu.memory_space<vmem>>, vector<16xi32>,
      %swap3A_1292 = vector.shape_cast %swap3A_1291 : vector<16xi32> to vector<16xi32>
      %swap3A_1293 = vector.shape_cast %add3A_1289 : vector<16xi32> to vector<16xi32>
      tpu.vector_store %arg16[%swap3A_1290], %swap3A_1293 {strides = array<i32>} : memref<80xi32, #tpu.memory_space<vmem>>, vector<16xi32>,
      %eq3A_1294 = arith.cmpi eq, %get3A_1281, %get3A_1284 : vector<16xi32>
      %jit3A_1295 = arith.constant 10000 : i32
      %broadcast_in_dim3A_1296 = vector.broadcast %jit3A_1295 : i32 to vector<16xi32>
      %select_n3A_1297 = arith.select %eq3A_1294, %broadcast_in_dim3A_1296, %get3A_1284 : vector<16xi1>, vector<16xi32>
      %swap3A_1298 = arith.constant 64 : index
      %swap3A_1299 = tpu.vector_load %arg19[%swap3A_1298] {strides = array<i32>} : memref<80xi32, #tpu.memory_space<vmem>>, vector<16xi32>,
      %swap3A_1300 = vector.shape_cast %swap3A_1299 : vector<16xi32> to vector<16xi32>
      %swap3A_1301 = vector.shape_cast %select_n3A_1297 : vector<16xi32> to vector<16xi32>
      tpu.vector_store %arg19[%swap3A_1298], %swap3A_1301 {strides = array<i32>} : memref<80xi32, #tpu.memory_space<vmem>>, vector<16xi32>,
      %dma_start3A_1302 = arith.constant 0 : i32
      %dma_start3A_1303 = arith.constant 0 : i32
      %dma_start3A_1304 = tpu.memref_slice %arg2[%dma_start3A_1302, %dma_start3A_1303] : memref<20000x128xf32, #tpu.memory_space<hbm>> -> memref<20000x128xf32, #tpu.memory_space<hbm>>
      tpu.enqueue_indirect_dma source(%dma_start3A_1304 : memref<20000x128xf32, #tpu.memory_space<hbm>>) target(%arg22 : memref<80x128xf32, #tpu.memory_space<vmem>>) offsets(%arg16 : memref<80xi32, #tpu.memory_space<vmem>>) semaphore(%arg32 : memref<!tpu.dma_semaphore, #tpu.memory_space<semaphore_mem>>)
      %add3A_1305 = arith.constant 3 : i32
      %add3A_1306 = arith.addi %add3A_1155, %add3A_1305 : i32
      %mul3A_1307 = arith.constant 125 : i32
      %mul3A_1308 = arith.muli %arg1, %mul3A_1307 : i32
      %min3A_1309 = arith.constant 124 : i32
      %min3A_1310 = arith.minsi %add3A_1306, %min3A_1309 : i32
      %add3A_1311 = arith.addi %mul3A_1308, %min3A_1310 : i32
      %dma_start3A_1312 = arith.constant 0 : i32
      %dma_start3A_1313 = tpu.memref_slice %arg3[%add3A_1311, %dma_start3A_1312] : memref<2000x80xi32, #tpu.memory_space<hbm>> -> memref<1x80xi32, #tpu.memory_space<hbm>>
      %dma_start3A_1314 = tpu.memref_squeeze %dma_start3A_1313 : memref<1x80xi32, #tpu.memory_space<hbm>> -> memref<80xi32, #tpu.memory_space<hbm>>
      %dma_start3A_1315 = arith.constant 0 : i32
      %dma_start3A_1316 = tpu.memref_slice %arg3[%add3A_1311, %dma_start3A_1315] : memref<2000x80xi32, #tpu.memory_space<hbm>> -> memref<1x80xi32, #tpu.memory_space<hbm>>
      %dma_start3A_1317 = tpu.memref_squeeze %dma_start3A_1316 : memref<1x80xi32, #tpu.memory_space<hbm>> -> memref<80xi32, #tpu.memory_space<hbm>>
      tpu.enqueue_dma source(%dma_start3A_1317 : memref<80xi32, #tpu.memory_space<hbm>>) target(%arg10 : memref<80xi32, #tpu.memory_space<vmem>>) target_semaphore(%arg29 : memref<!tpu.dma_semaphore, #tpu.memory_space<semaphore_mem>>)
      %dma_start3A_1318 = arith.constant 0 : i32
      %dma_start3A_1319 = tpu.memref_slice %arg4[%add3A_1311, %dma_start3A_1318] : memref<2000x80xi32, #tpu.memory_space<hbm>> -> memref<1x80xi32, #tpu.memory_space<hbm>>
      %dma_start3A_1320 = tpu.memref_squeeze %dma_start3A_1319 : memref<1x80xi32, #tpu.memory_space<hbm>> -> memref<80xi32, #tpu.memory_space<hbm>>
      %dma_start3A_1321 = arith.constant 0 : i32
      %dma_start3A_1322 = tpu.memref_slice %arg4[%add3A_1311, %dma_start3A_1321] : memref<2000x80xi32, #tpu.memory_space<hbm>> -> memref<1x80xi32, #tpu.memory_space<hbm>>
      %dma_start3A_1323 = tpu.memref_squeeze %dma_start3A_1322 : memref<1x80xi32, #tpu.memory_space<hbm>> -> memref<80xi32, #tpu.memory_space<hbm>>
      tpu.enqueue_dma source(%dma_start3A_1323 : memref<80xi32, #tpu.memory_space<hbm>>) target(%arg13 : memref<80xi32, #tpu.memory_space<vmem>>) target_semaphore(%arg29 : memref<!tpu.dma_semaphore, #tpu.memory_space<semaphore_mem>>)
      %dma_wait3A_1324 = arith.constant 0 : i32
      %dma_wait3A_1325 = arith.constant 0 : i32
      %dma_wait3A_1326 = tpu.memref_slice %arg2[%dma_wait3A_1324, %dma_wait3A_1325] : memref<20000x128xf32, #tpu.memory_space<hbm>> -> memref<20000x128xf32, #tpu.memory_space<hbm>>
      tpu.wait_indirect_dma semaphore(%arg31 : memref<!tpu.dma_semaphore, #tpu.memory_space<semaphore_mem>>) src(%dma_wait3A_1326 : memref<20000x128xf32, #tpu.memory_space<hbm>>) dst(%arg21 : memref<80x128xf32, #tpu.memory_space<vmem>>)
      %sub3A_1327 = arith.constant 1 : i32
      %sub3A_1328 = arith.subi %add3A_1155, %sub3A_1327 : i32
      %dma_start3A_1329 = arith.constant 0 : i32
      %dma_start3A_1330 = arith.constant 0 : i32
      %dma_start3A_1331 = tpu.memref_slice %arg26[%dma_start3A_1329, %dma_start3A_1330] : memref<10008x128xf32, #tpu.memory_space<vmem_shared>> -> memref<10008x128xf32, #tpu.memory_space<vmem_shared>>
      tpu.enqueue_indirect_dma source(%arg21 : memref<80x128xf32, #tpu.memory_space<vmem>>) target(%dma_start3A_1331 : memref<10008x128xf32, #tpu.memory_space<vmem_shared>>) offsets(%arg18 : memref<80xi32, #tpu.memory_space<vmem>>) semaphore(%arg34 : memref<!tpu.dma_semaphore, #tpu.memory_space<semaphore_mem>>) {add = true}
      %mul3A_1332 = arith.constant 125 : i32
      %mul3A_1333 = arith.muli %arg1, %mul3A_1332 : i32
      %add3A_1334 = arith.addi %mul3A_1333, %sub3A_1328 : i32
      %and3A_1335 = arith.constant 1 : i32
      %and3A_1336 = arith.andi %add3A_1334, %and3A_1335 : i32
      %eq3A_1337 = arith.cmpi eq, %and3A_1336, %arg0 : i32
      %convert_element_type3A_1338 = arith.extui %eq3A_1337 : i1 to i32
      %cond3A_1339 = arith.constant 0 : i32
      %cond3A_1340 = arith.cmpi ne, %convert_element_type3A_1338, %cond3A_1339 : i32
      scf.if %cond3A_1340 {
        %dma_start3A_1528 = arith.constant 0 : i32
        %dma_start3A_1529 = arith.constant 0 : i32
        %dma_start3A_1530 = tpu.memref_slice %arg27[%dma_start3A_1528, %dma_start3A_1529] : memref<10008x16xf32, #tpu.memory_space<vmem_shared>> -> memref<10008x16xf32, #tpu.memory_space<vmem_shared>>
        tpu.enqueue_indirect_dma source(%arg24 : memref<80x16xf32, #tpu.memory_space<vmem>>) target(%dma_start3A_1530 : memref<10008x16xf32, #tpu.memory_space<vmem_shared>>) offsets(%arg18 : memref<80xi32, #tpu.memory_space<vmem>>) semaphore(%arg37 : memref<!tpu.dma_semaphore, #tpu.memory_space<semaphore_mem>>) {add = true}
      } else {
      }
      %add3A_1341 = arith.constant 2 : i32
      %add3A_1342 = arith.addi %add3A_969, %add3A_1341 : i32
      %sub3A_1343 = arith.constant 3 : i32
      %sub3A_1344 = arith.subi %add3A_1342, %sub3A_1343 : i32
      %dma_wait3A_1345 = arith.constant 0 : i32
      %dma_wait3A_1346 = arith.constant 0 : i32
      %dma_wait3A_1347 = tpu.memref_slice %arg26[%dma_wait3A_1345, %dma_wait3A_1346] : memref<10008x128xf32, #tpu.memory_space<vmem_shared>> -> memref<10008x128xf32, #tpu.memory_space<vmem_shared>>
      tpu.wait_indirect_dma semaphore(%arg36 : memref<!tpu.dma_semaphore, #tpu.memory_space<semaphore_mem>>) src(%arg23 : memref<80x128xf32, #tpu.memory_space<vmem>>) dst(%dma_wait3A_1347 : memref<10008x128xf32, #tpu.memory_space<vmem_shared>>)
      %mul3A_1348 = arith.constant 125 : i32
      %mul3A_1349 = arith.muli %arg1, %mul3A_1348 : i32
      %add3A_1350 = arith.addi %mul3A_1349, %sub3A_1344 : i32
      %and3A_1351 = arith.constant 1 : i32
      %and3A_1352 = arith.andi %add3A_1350, %and3A_1351 : i32
      %eq3A_1353 = arith.cmpi eq, %and3A_1352, %arg0 : i32
      %convert_element_type3A_1354 = arith.extui %eq3A_1353 : i1 to i32
      %cond3A_1355 = arith.constant 0 : i32
      %cond3A_1356 = arith.cmpi ne, %convert_element_type3A_1354, %cond3A_1355 : i32
      scf.if %cond3A_1356 {
        %dma_wait3A_1528 = arith.constant 0 : i32
        %dma_wait3A_1529 = arith.constant 0 : i32
        %dma_wait3A_1530 = tpu.memref_slice %arg27[%dma_wait3A_1528, %dma_wait3A_1529] : memref<10008x16xf32, #tpu.memory_space<vmem_shared>> -> memref<10008x16xf32, #tpu.memory_space<vmem_shared>>
        tpu.wait_indirect_dma semaphore(%arg39 : memref<!tpu.dma_semaphore, #tpu.memory_space<semaphore_mem>>) src(%arg24 : memref<80x16xf32, #tpu.memory_space<vmem>>) dst(%dma_wait3A_1530 : memref<10008x16xf32, #tpu.memory_space<vmem_shared>>)
      } else {
      }
      %mul3A_1357 = arith.constant 125 : i32
      %mul3A_1358 = arith.muli %arg1, %mul3A_1357 : i32
      %min3A_1359 = arith.constant 124 : i32
      %min3A_1360 = arith.minsi %add3A_1342, %min3A_1359 : i32
      %add3A_1361 = arith.addi %mul3A_1358, %min3A_1360 : i32
      %dma_wait3A_1362 = arith.constant 0 : i32
      %dma_wait3A_1363 = tpu.memref_slice %arg3[%add3A_1361, %dma_wait3A_1362] : memref<2000x80xi32, #tpu.memory_space<hbm>> -> memref<1x80xi32, #tpu.memory_space<hbm>>
      %dma_wait3A_1364 = tpu.memref_squeeze %dma_wait3A_1363 : memref<1x80xi32, #tpu.memory_space<hbm>> -> memref<80xi32, #tpu.memory_space<hbm>>
      %dma_wait3A_1365 = arith.constant 0 : i32
      %dma_wait3A_1366 = tpu.memref_slice %arg3[%add3A_1361, %dma_wait3A_1365] : memref<2000x80xi32, #tpu.memory_space<hbm>> -> memref<1x80xi32, #tpu.memory_space<hbm>>
      %dma_wait3A_1367 = tpu.memref_squeeze %dma_wait3A_1366 : memref<1x80xi32, #tpu.memory_space<hbm>> -> memref<80xi32, #tpu.memory_space<hbm>>
      tpu.wait_dma2 semaphore(%arg30 : memref<!tpu.dma_semaphore, #tpu.memory_space<semaphore_mem>>) src(%dma_wait3A_1367 : memref<80xi32, #tpu.memory_space<hbm>>) dst(%arg11 : memref<80xi32, #tpu.memory_space<vmem>>)
      %dma_wait3A_1368 = arith.constant 0 : i32
      %dma_wait3A_1369 = tpu.memref_slice %arg4[%add3A_1361, %dma_wait3A_1368] : memref<2000x80xi32, #tpu.memory_space<hbm>> -> memref<1x80xi32, #tpu.memory_space<hbm>>
      %dma_wait3A_1370 = tpu.memref_squeeze %dma_wait3A_1369 : memref<1x80xi32, #tpu.memory_space<hbm>> -> memref<80xi32, #tpu.memory_space<hbm>>
      %dma_wait3A_1371 = arith.constant 0 : i32
      %dma_wait3A_1372 = tpu.memref_slice %arg4[%add3A_1361, %dma_wait3A_1371] : memref<2000x80xi32, #tpu.memory_space<hbm>> -> memref<1x80xi32, #tpu.memory_space<hbm>>
      %dma_wait3A_1373 = tpu.memref_squeeze %dma_wait3A_1372 : memref<1x80xi32, #tpu.memory_space<hbm>> -> memref<80xi32, #tpu.memory_space<hbm>>
      tpu.wait_dma2 semaphore(%arg30 : memref<!tpu.dma_semaphore, #tpu.memory_space<semaphore_mem>>) src(%dma_wait3A_1373 : memref<80xi32, #tpu.memory_space<hbm>>) dst(%arg14 : memref<80xi32, #tpu.memory_space<vmem>>)
      %get3A_1374 = arith.constant 0 : index
      %get3A_1375 = tpu.vector_load %arg11[%get3A_1374] {strides = array<i32>} : memref<80xi32, #tpu.memory_space<vmem>>, vector<16xi32>,
      %get3A_1376 = vector.shape_cast %get3A_1375 : vector<16xi32> to vector<16xi32>
      %get3A_1377 = arith.constant 0 : index
      %get3A_1378 = tpu.vector_load %arg14[%get3A_1377] {strides = array<i32>} : memref<80xi32, #tpu.memory_space<vmem>>, vector<16xi32>,
      %get3A_1379 = vector.shape_cast %get3A_1378 : vector<16xi32> to vector<16xi32>
      %mul3A_1380 = arith.constant 2 : i32
      %mul3A_1381 = vector.broadcast %mul3A_1380 : i32 to vector<16xi32>
      %mul3A_1382 = arith.muli %get3A_1376, %mul3A_1381 : vector<16xi32>
      %add3A_1383 = vector.broadcast %arg0 : i32 to vector<16xi32>
      %add3A_1384 = arith.addi %mul3A_1382, %add3A_1383 : vector<16xi32>
      %swap3A_1385 = arith.constant 0 : index
      %swap3A_1386 = tpu.vector_load %arg17[%swap3A_1385] {strides = array<i32>} : memref<80xi32, #tpu.memory_space<vmem>>, vector<16xi32>,
      %swap3A_1387 = vector.shape_cast %swap3A_1386 : vector<16xi32> to vector<16xi32>
      %swap3A_1388 = vector.shape_cast %add3A_1384 : vector<16xi32> to vector<16xi32>
      tpu.vector_store %arg17[%swap3A_1385], %swap3A_1388 {strides = array<i32>} : memref<80xi32, #tpu.memory_space<vmem>>, vector<16xi32>,
      %eq3A_1389 = arith.cmpi eq, %get3A_1376, %get3A_1379 : vector<16xi32>
      %jit3A_1390 = arith.constant 10000 : i32
      %broadcast_in_dim3A_1391 = vector.broadcast %jit3A_1390 : i32 to vector<16xi32>
      %select_n3A_1392 = arith.select %eq3A_1389, %broadcast_in_dim3A_1391, %get3A_1379 : vector<16xi1>, vector<16xi32>
      %swap3A_1393 = arith.constant 0 : index
      %swap3A_1394 = tpu.vector_load %arg20[%swap3A_1393] {strides = array<i32>} : memref<80xi32, #tpu.memory_space<vmem>>, vector<16xi32>,
      %swap3A_1395 = vector.shape_cast %swap3A_1394 : vector<16xi32> to vector<16xi32>
      %swap3A_1396 = vector.shape_cast %select_n3A_1392 : vector<16xi32> to vector<16xi32>
      tpu.vector_store %arg20[%swap3A_1393], %swap3A_1396 {strides = array<i32>} : memref<80xi32, #tpu.memory_space<vmem>>, vector<16xi32>,
      %get3A_1397 = arith.constant 16 : index
      %get3A_1398 = tpu.vector_load %arg11[%get3A_1397] {strides = array<i32>} : memref<80xi32, #tpu.memory_space<vmem>>, vector<16xi32>,
      %get3A_1399 = vector.shape_cast %get3A_1398 : vector<16xi32> to vector<16xi32>
      %get3A_1400 = arith.constant 16 : index
      %get3A_1401 = tpu.vector_load %arg14[%get3A_1400] {strides = array<i32>} : memref<80xi32, #tpu.memory_space<vmem>>, vector<16xi32>,
      %get3A_1402 = vector.shape_cast %get3A_1401 : vector<16xi32> to vector<16xi32>
      %mul3A_1403 = arith.constant 2 : i32
      %mul3A_1404 = vector.broadcast %mul3A_1403 : i32 to vector<16xi32>
      %mul3A_1405 = arith.muli %get3A_1399, %mul3A_1404 : vector<16xi32>
      %add3A_1406 = vector.broadcast %arg0 : i32 to vector<16xi32>
      %add3A_1407 = arith.addi %mul3A_1405, %add3A_1406 : vector<16xi32>
      %swap3A_1408 = arith.constant 16 : index
      %swap3A_1409 = tpu.vector_load %arg17[%swap3A_1408] {strides = array<i32>} : memref<80xi32, #tpu.memory_space<vmem>>, vector<16xi32>,
      %swap3A_1410 = vector.shape_cast %swap3A_1409 : vector<16xi32> to vector<16xi32>
      %swap3A_1411 = vector.shape_cast %add3A_1407 : vector<16xi32> to vector<16xi32>
      tpu.vector_store %arg17[%swap3A_1408], %swap3A_1411 {strides = array<i32>} : memref<80xi32, #tpu.memory_space<vmem>>, vector<16xi32>,
      %eq3A_1412 = arith.cmpi eq, %get3A_1399, %get3A_1402 : vector<16xi32>
      %jit3A_1413 = arith.constant 10000 : i32
      %broadcast_in_dim3A_1414 = vector.broadcast %jit3A_1413 : i32 to vector<16xi32>
      %select_n3A_1415 = arith.select %eq3A_1412, %broadcast_in_dim3A_1414, %get3A_1402 : vector<16xi1>, vector<16xi32>
      %swap3A_1416 = arith.constant 16 : index
      %swap3A_1417 = tpu.vector_load %arg20[%swap3A_1416] {strides = array<i32>} : memref<80xi32, #tpu.memory_space<vmem>>, vector<16xi32>,
      %swap3A_1418 = vector.shape_cast %swap3A_1417 : vector<16xi32> to vector<16xi32>
      %swap3A_1419 = vector.shape_cast %select_n3A_1415 : vector<16xi32> to vector<16xi32>
      tpu.vector_store %arg20[%swap3A_1416], %swap3A_1419 {strides = array<i32>} : memref<80xi32, #tpu.memory_space<vmem>>, vector<16xi32>,
      %get3A_1420 = arith.constant 32 : index
      %get3A_1421 = tpu.vector_load %arg11[%get3A_1420] {strides = array<i32>} : memref<80xi32, #tpu.memory_space<vmem>>, vector<16xi32>,
      %get3A_1422 = vector.shape_cast %get3A_1421 : vector<16xi32> to vector<16xi32>
      %get3A_1423 = arith.constant 32 : index
      %get3A_1424 = tpu.vector_load %arg14[%get3A_1423] {strides = array<i32>} : memref<80xi32, #tpu.memory_space<vmem>>, vector<16xi32>,
      %get3A_1425 = vector.shape_cast %get3A_1424 : vector<16xi32> to vector<16xi32>
      %mul3A_1426 = arith.constant 2 : i32
      %mul3A_1427 = vector.broadcast %mul3A_1426 : i32 to vector<16xi32>
      %mul3A_1428 = arith.muli %get3A_1422, %mul3A_1427 : vector<16xi32>
      %add3A_1429 = vector.broadcast %arg0 : i32 to vector<16xi32>
      %add3A_1430 = arith.addi %mul3A_1428, %add3A_1429 : vector<16xi32>
      %swap3A_1431 = arith.constant 32 : index
      %swap3A_1432 = tpu.vector_load %arg17[%swap3A_1431] {strides = array<i32>} : memref<80xi32, #tpu.memory_space<vmem>>, vector<16xi32>,
      %swap3A_1433 = vector.shape_cast %swap3A_1432 : vector<16xi32> to vector<16xi32>
      %swap3A_1434 = vector.shape_cast %add3A_1430 : vector<16xi32> to vector<16xi32>
      tpu.vector_store %arg17[%swap3A_1431], %swap3A_1434 {strides = array<i32>} : memref<80xi32, #tpu.memory_space<vmem>>, vector<16xi32>,
      %eq3A_1435 = arith.cmpi eq, %get3A_1422, %get3A_1425 : vector<16xi32>
      %jit3A_1436 = arith.constant 10000 : i32
      %broadcast_in_dim3A_1437 = vector.broadcast %jit3A_1436 : i32 to vector<16xi32>
      %select_n3A_1438 = arith.select %eq3A_1435, %broadcast_in_dim3A_1437, %get3A_1425 : vector<16xi1>, vector<16xi32>
      %swap3A_1439 = arith.constant 32 : index
      %swap3A_1440 = tpu.vector_load %arg20[%swap3A_1439] {strides = array<i32>} : memref<80xi32, #tpu.memory_space<vmem>>, vector<16xi32>,
      %swap3A_1441 = vector.shape_cast %swap3A_1440 : vector<16xi32> to vector<16xi32>
      %swap3A_1442 = vector.shape_cast %select_n3A_1438 : vector<16xi32> to vector<16xi32>
      tpu.vector_store %arg20[%swap3A_1439], %swap3A_1442 {strides = array<i32>} : memref<80xi32, #tpu.memory_space<vmem>>, vector<16xi32>,
      %get3A_1443 = arith.constant 48 : index
      %get3A_1444 = tpu.vector_load %arg11[%get3A_1443] {strides = array<i32>} : memref<80xi32, #tpu.memory_space<vmem>>, vector<16xi32>,
      %get3A_1445 = vector.shape_cast %get3A_1444 : vector<16xi32> to vector<16xi32>
      %get3A_1446 = arith.constant 48 : index
      %get3A_1447 = tpu.vector_load %arg14[%get3A_1446] {strides = array<i32>} : memref<80xi32, #tpu.memory_space<vmem>>, vector<16xi32>,
      %get3A_1448 = vector.shape_cast %get3A_1447 : vector<16xi32> to vector<16xi32>
      %mul3A_1449 = arith.constant 2 : i32
      %mul3A_1450 = vector.broadcast %mul3A_1449 : i32 to vector<16xi32>
      %mul3A_1451 = arith.muli %get3A_1445, %mul3A_1450 : vector<16xi32>
      %add3A_1452 = vector.broadcast %arg0 : i32 to vector<16xi32>
      %add3A_1453 = arith.addi %mul3A_1451, %add3A_1452 : vector<16xi32>
      %swap3A_1454 = arith.constant 48 : index
      %swap3A_1455 = tpu.vector_load %arg17[%swap3A_1454] {strides = array<i32>} : memref<80xi32, #tpu.memory_space<vmem>>, vector<16xi32>,
      %swap3A_1456 = vector.shape_cast %swap3A_1455 : vector<16xi32> to vector<16xi32>
      %swap3A_1457 = vector.shape_cast %add3A_1453 : vector<16xi32> to vector<16xi32>
      tpu.vector_store %arg17[%swap3A_1454], %swap3A_1457 {strides = array<i32>} : memref<80xi32, #tpu.memory_space<vmem>>, vector<16xi32>,
      %eq3A_1458 = arith.cmpi eq, %get3A_1445, %get3A_1448 : vector<16xi32>
      %jit3A_1459 = arith.constant 10000 : i32
      %broadcast_in_dim3A_1460 = vector.broadcast %jit3A_1459 : i32 to vector<16xi32>
      %select_n3A_1461 = arith.select %eq3A_1458, %broadcast_in_dim3A_1460, %get3A_1448 : vector<16xi1>, vector<16xi32>
      %swap3A_1462 = arith.constant 48 : index
      %swap3A_1463 = tpu.vector_load %arg20[%swap3A_1462] {strides = array<i32>} : memref<80xi32, #tpu.memory_space<vmem>>, vector<16xi32>,
      %swap3A_1464 = vector.shape_cast %swap3A_1463 : vector<16xi32> to vector<16xi32>
      %swap3A_1465 = vector.shape_cast %select_n3A_1461 : vector<16xi32> to vector<16xi32>
      tpu.vector_store %arg20[%swap3A_1462], %swap3A_1465 {strides = array<i32>} : memref<80xi32, #tpu.memory_space<vmem>>, vector<16xi32>,
      %get3A_1466 = arith.constant 64 : index
      %get3A_1467 = tpu.vector_load %arg11[%get3A_1466] {strides = array<i32>} : memref<80xi32, #tpu.memory_space<vmem>>, vector<16xi32>,
      %get3A_1468 = vector.shape_cast %get3A_1467 : vector<16xi32> to vector<16xi32>
      %get3A_1469 = arith.constant 64 : index
      %get3A_1470 = tpu.vector_load %arg14[%get3A_1469] {strides = array<i32>} : memref<80xi32, #tpu.memory_space<vmem>>, vector<16xi32>,
      %get3A_1471 = vector.shape_cast %get3A_1470 : vector<16xi32> to vector<16xi32>
      %mul3A_1472 = arith.constant 2 : i32
      %mul3A_1473 = vector.broadcast %mul3A_1472 : i32 to vector<16xi32>
      %mul3A_1474 = arith.muli %get3A_1468, %mul3A_1473 : vector<16xi32>
      %add3A_1475 = vector.broadcast %arg0 : i32 to vector<16xi32>
      %add3A_1476 = arith.addi %mul3A_1474, %add3A_1475 : vector<16xi32>
      %swap3A_1477 = arith.constant 64 : index
      %swap3A_1478 = tpu.vector_load %arg17[%swap3A_1477] {strides = array<i32>} : memref<80xi32, #tpu.memory_space<vmem>>, vector<16xi32>,
      %swap3A_1479 = vector.shape_cast %swap3A_1478 : vector<16xi32> to vector<16xi32>
      %swap3A_1480 = vector.shape_cast %add3A_1476 : vector<16xi32> to vector<16xi32>
      tpu.vector_store %arg17[%swap3A_1477], %swap3A_1480 {strides = array<i32>} : memref<80xi32, #tpu.memory_space<vmem>>, vector<16xi32>,
      %eq3A_1481 = arith.cmpi eq, %get3A_1468, %get3A_1471 : vector<16xi32>
      %jit3A_1482 = arith.constant 10000 : i32
      %broadcast_in_dim3A_1483 = vector.broadcast %jit3A_1482 : i32 to vector<16xi32>
      %select_n3A_1484 = arith.select %eq3A_1481, %broadcast_in_dim3A_1483, %get3A_1471 : vector<16xi1>, vector<16xi32>
      %swap3A_1485 = arith.constant 64 : index
      %swap3A_1486 = tpu.vector_load %arg20[%swap3A_1485] {strides = array<i32>} : memref<80xi32, #tpu.memory_space<vmem>>, vector<16xi32>,
      %swap3A_1487 = vector.shape_cast %swap3A_1486 : vector<16xi32> to vector<16xi32>
      %swap3A_1488 = vector.shape_cast %select_n3A_1484 : vector<16xi32> to vector<16xi32>
      tpu.vector_store %arg20[%swap3A_1485], %swap3A_1488 {strides = array<i32>} : memref<80xi32, #tpu.memory_space<vmem>>, vector<16xi32>,
      %dma_start3A_1489 = arith.constant 0 : i32
      %dma_start3A_1490 = arith.constant 0 : i32
      %dma_start3A_1491 = tpu.memref_slice %arg2[%dma_start3A_1489, %dma_start3A_1490] : memref<20000x128xf32, #tpu.memory_space<hbm>> -> memref<20000x128xf32, #tpu.memory_space<hbm>>
      tpu.enqueue_indirect_dma source(%dma_start3A_1491 : memref<20000x128xf32, #tpu.memory_space<hbm>>) target(%arg23 : memref<80x128xf32, #tpu.memory_space<vmem>>) offsets(%arg17 : memref<80xi32, #tpu.memory_space<vmem>>) semaphore(%arg33 : memref<!tpu.dma_semaphore, #tpu.memory_space<semaphore_mem>>)
      %add3A_1492 = arith.constant 3 : i32
      %add3A_1493 = arith.addi %add3A_1342, %add3A_1492 : i32
      %mul3A_1494 = arith.constant 125 : i32
      %mul3A_1495 = arith.muli %arg1, %mul3A_1494 : i32
      %min3A_1496 = arith.constant 124 : i32
      %min3A_1497 = arith.minsi %add3A_1493, %min3A_1496 : i32
      %add3A_1498 = arith.addi %mul3A_1495, %min3A_1497 : i32
      %dma_start3A_1499 = arith.constant 0 : i32
      %dma_start3A_1500 = tpu.memref_slice %arg3[%add3A_1498, %dma_start3A_1499] : memref<2000x80xi32, #tpu.memory_space<hbm>> -> memref<1x80xi32, #tpu.memory_space<hbm>>
      %dma_start3A_1501 = tpu.memref_squeeze %dma_start3A_1500 : memref<1x80xi32, #tpu.memory_space<hbm>> -> memref<80xi32, #tpu.memory_space<hbm>>
      %dma_start3A_1502 = arith.constant 0 : i32
      %dma_start3A_1503 = tpu.memref_slice %arg3[%add3A_1498, %dma_start3A_1502] : memref<2000x80xi32, #tpu.memory_space<hbm>> -> memref<1x80xi32, #tpu.memory_space<hbm>>
      %dma_start3A_1504 = tpu.memref_squeeze %dma_start3A_1503 : memref<1x80xi32, #tpu.memory_space<hbm>> -> memref<80xi32, #tpu.memory_space<hbm>>
      tpu.enqueue_dma source(%dma_start3A_1504 : memref<80xi32, #tpu.memory_space<hbm>>) target(%arg11 : memref<80xi32, #tpu.memory_space<vmem>>) target_semaphore(%arg30 : memref<!tpu.dma_semaphore, #tpu.memory_space<semaphore_mem>>)
      %dma_start3A_1505 = arith.constant 0 : i32
      %dma_start3A_1506 = tpu.memref_slice %arg4[%add3A_1498, %dma_start3A_1505] : memref<2000x80xi32, #tpu.memory_space<hbm>> -> memref<1x80xi32, #tpu.memory_space<hbm>>
      %dma_start3A_1507 = tpu.memref_squeeze %dma_start3A_1506 : memref<1x80xi32, #tpu.memory_space<hbm>> -> memref<80xi32, #tpu.memory_space<hbm>>
      %dma_start3A_1508 = arith.constant 0 : i32
      %dma_start3A_1509 = tpu.memref_slice %arg4[%add3A_1498, %dma_start3A_1508] : memref<2000x80xi32, #tpu.memory_space<hbm>> -> memref<1x80xi32, #tpu.memory_space<hbm>>
      %dma_start3A_1510 = tpu.memref_squeeze %dma_start3A_1509 : memref<1x80xi32, #tpu.memory_space<hbm>> -> memref<80xi32, #tpu.memory_space<hbm>>
      tpu.enqueue_dma source(%dma_start3A_1510 : memref<80xi32, #tpu.memory_space<hbm>>) target(%arg14 : memref<80xi32, #tpu.memory_space<vmem>>) target_semaphore(%arg30 : memref<!tpu.dma_semaphore, #tpu.memory_space<semaphore_mem>>)
      %dma_wait3A_1511 = arith.constant 0 : i32
      %dma_wait3A_1512 = arith.constant 0 : i32
      %dma_wait3A_1513 = tpu.memref_slice %arg2[%dma_wait3A_1511, %dma_wait3A_1512] : memref<20000x128xf32, #tpu.memory_space<hbm>> -> memref<20000x128xf32, #tpu.memory_space<hbm>>
      tpu.wait_indirect_dma semaphore(%arg32 : memref<!tpu.dma_semaphore, #tpu.memory_space<semaphore_mem>>) src(%dma_wait3A_1513 : memref<20000x128xf32, #tpu.memory_space<hbm>>) dst(%arg22 : memref<80x128xf32, #tpu.memory_space<vmem>>)
      %sub3A_1514 = arith.constant 1 : i32
      %sub3A_1515 = arith.subi %add3A_1342, %sub3A_1514 : i32
      %dma_start3A_1516 = arith.constant 0 : i32
      %dma_start3A_1517 = arith.constant 0 : i32
      %dma_start3A_1518 = tpu.memref_slice %arg26[%dma_start3A_1516, %dma_start3A_1517] : memref<10008x128xf32, #tpu.memory_space<vmem_shared>> -> memref<10008x128xf32, #tpu.memory_space<vmem_shared>>
      tpu.enqueue_indirect_dma source(%arg22 : memref<80x128xf32, #tpu.memory_space<vmem>>) target(%dma_start3A_1518 : memref<10008x128xf32, #tpu.memory_space<vmem_shared>>) offsets(%arg19 : memref<80xi32, #tpu.memory_space<vmem>>) semaphore(%arg35 : memref<!tpu.dma_semaphore, #tpu.memory_space<semaphore_mem>>) {add = true}
      %mul3A_1519 = arith.constant 125 : i32
      %mul3A_1520 = arith.muli %arg1, %mul3A_1519 : i32
      %add3A_1521 = arith.addi %mul3A_1520, %sub3A_1515 : i32
      %and3A_1522 = arith.constant 1 : i32
      %and3A_1523 = arith.andi %add3A_1521, %and3A_1522 : i32
      %eq3A_1524 = arith.cmpi eq, %and3A_1523, %arg0 : i32
      %convert_element_type3A_1525 = arith.extui %eq3A_1524 : i1 to i32
      %cond3A_1526 = arith.constant 0 : i32
      %cond3A_1527 = arith.cmpi ne, %convert_element_type3A_1525, %cond3A_1526 : i32
      scf.if %cond3A_1527 {
        %dma_start3A_1528 = arith.constant 0 : i32
        %dma_start3A_1529 = arith.constant 0 : i32
        %dma_start3A_1530 = tpu.memref_slice %arg27[%dma_start3A_1528, %dma_start3A_1529] : memref<10008x16xf32, #tpu.memory_space<vmem_shared>> -> memref<10008x16xf32, #tpu.memory_space<vmem_shared>>
        tpu.enqueue_indirect_dma source(%arg24 : memref<80x16xf32, #tpu.memory_space<vmem>>) target(%dma_start3A_1530 : memref<10008x16xf32, #tpu.memory_space<vmem_shared>>) offsets(%arg19 : memref<80xi32, #tpu.memory_space<vmem>>) semaphore(%arg38 : memref<!tpu.dma_semaphore, #tpu.memory_space<semaphore_mem>>) {add = true}
      } else {
      }
    }
    %scan3A_551 = arith.constant 40 : i32
    %dma_wait3A_552 = arith.constant 0 : i32
    %dma_wait3A_553 = arith.constant 0 : i32
    %dma_wait3A_554 = tpu.memref_slice %arg26[%dma_wait3A_552, %dma_wait3A_553] : memref<10008x128xf32, #tpu.memory_space<vmem_shared>> -> memref<10008x128xf32, #tpu.memory_space<vmem_shared>>
    tpu.wait_indirect_dma semaphore(%arg34 : memref<!tpu.dma_semaphore, #tpu.memory_space<semaphore_mem>>) src(%arg21 : memref<80x128xf32, #tpu.memory_space<vmem>>) dst(%dma_wait3A_554 : memref<10008x128xf32, #tpu.memory_space<vmem_shared>>)
    %mul3A_555 = arith.constant 125 : i32
    %mul3A_556 = arith.muli %arg1, %mul3A_555 : i32
    %add3A_557 = arith.constant 120 : i32
    %add3A_558 = arith.addi %mul3A_556, %add3A_557 : i32
    %and3A_559 = arith.constant 1 : i32
    %and3A_560 = arith.andi %add3A_558, %and3A_559 : i32
    %eq3A_561 = arith.cmpi eq, %and3A_560, %arg0 : i32
    %convert_element_type3A_562 = arith.extui %eq3A_561 : i1 to i32
    %cond3A_563 = arith.constant 0 : i32
    %cond3A_564 = arith.cmpi ne, %convert_element_type3A_562, %cond3A_563 : i32
    scf.if %cond3A_564 {
      %dma_wait3A_961 = arith.constant 0 : i32
      %dma_wait3A_962 = arith.constant 0 : i32
      %dma_wait3A_963 = tpu.memref_slice %arg27[%dma_wait3A_961, %dma_wait3A_962] : memref<10008x16xf32, #tpu.memory_space<vmem_shared>> -> memref<10008x16xf32, #tpu.memory_space<vmem_shared>>
      tpu.wait_indirect_dma semaphore(%arg37 : memref<!tpu.dma_semaphore, #tpu.memory_space<semaphore_mem>>) src(%arg24 : memref<80x16xf32, #tpu.memory_space<vmem>>) dst(%dma_wait3A_963 : memref<10008x16xf32, #tpu.memory_space<vmem_shared>>)
    } else {
    }
    %mul3A_565 = arith.constant 125 : i32
    %mul3A_566 = arith.muli %arg1, %mul3A_565 : i32
    %min3A_567 = arith.constant 123 : i32
    %min3A_568 = arith.constant 124 : i32
    %min3A_569 = arith.minsi %min3A_567, %min3A_568 : i32
    %add3A_570 = arith.addi %mul3A_566, %min3A_569 : i32
    %dma_wait3A_571 = arith.constant 0 : i32
    %dma_wait3A_572 = tpu.memref_slice %arg3[%add3A_570, %dma_wait3A_571] : memref<2000x80xi32, #tpu.memory_space<hbm>> -> memref<1x80xi32, #tpu.memory_space<hbm>>
    %dma_wait3A_573 = tpu.memref_squeeze %dma_wait3A_572 : memref<1x80xi32, #tpu.memory_space<hbm>> -> memref<80xi32, #tpu.memory_space<hbm>>
    %dma_wait3A_574 = arith.constant 0 : i32
    %dma_wait3A_575 = tpu.memref_slice %arg3[%add3A_570, %dma_wait3A_574] : memref<2000x80xi32, #tpu.memory_space<hbm>> -> memref<1x80xi32, #tpu.memory_space<hbm>>
    %dma_wait3A_576 = tpu.memref_squeeze %dma_wait3A_575 : memref<1x80xi32, #tpu.memory_space<hbm>> -> memref<80xi32, #tpu.memory_space<hbm>>
    tpu.wait_dma2 semaphore(%arg28 : memref<!tpu.dma_semaphore, #tpu.memory_space<semaphore_mem>>) src(%dma_wait3A_576 : memref<80xi32, #tpu.memory_space<hbm>>) dst(%arg9 : memref<80xi32, #tpu.memory_space<vmem>>)
    %dma_wait3A_577 = arith.constant 0 : i32
    %dma_wait3A_578 = tpu.memref_slice %arg4[%add3A_570, %dma_wait3A_577] : memref<2000x80xi32, #tpu.memory_space<hbm>> -> memref<1x80xi32, #tpu.memory_space<hbm>>
    %dma_wait3A_579 = tpu.memref_squeeze %dma_wait3A_578 : memref<1x80xi32, #tpu.memory_space<hbm>> -> memref<80xi32, #tpu.memory_space<hbm>>
    %dma_wait3A_580 = arith.constant 0 : i32
    %dma_wait3A_581 = tpu.memref_slice %arg4[%add3A_570, %dma_wait3A_580] : memref<2000x80xi32, #tpu.memory_space<hbm>> -> memref<1x80xi32, #tpu.memory_space<hbm>>
    %dma_wait3A_582 = tpu.memref_squeeze %dma_wait3A_581 : memref<1x80xi32, #tpu.memory_space<hbm>> -> memref<80xi32, #tpu.memory_space<hbm>>
    tpu.wait_dma2 semaphore(%arg28 : memref<!tpu.dma_semaphore, #tpu.memory_space<semaphore_mem>>) src(%dma_wait3A_582 : memref<80xi32, #tpu.memory_space<hbm>>) dst(%arg12 : memref<80xi32, #tpu.memory_space<vmem>>)
    %get3A_583 = arith.constant 0 : index
    %get3A_584 = tpu.vector_load %arg9[%get3A_583] {strides = array<i32>} : memref<80xi32, #tpu.memory_space<vmem>>, vector<16xi32>,
    %get3A_585 = vector.shape_cast %get3A_584 : vector<16xi32> to vector<16xi32>
    %get3A_586 = arith.constant 0 : index
    %get3A_587 = tpu.vector_load %arg12[%get3A_586] {strides = array<i32>} : memref<80xi32, #tpu.memory_space<vmem>>, vector<16xi32>,
    %get3A_588 = vector.shape_cast %get3A_587 : vector<16xi32> to vector<16xi32>
    %mul3A_589 = arith.constant 2 : i32
    %mul3A_590 = vector.broadcast %mul3A_589 : i32 to vector<16xi32>
    %mul3A_591 = arith.muli %get3A_585, %mul3A_590 : vector<16xi32>
    %add3A_592 = vector.broadcast %arg0 : i32 to vector<16xi32>
    %add3A_593 = arith.addi %mul3A_591, %add3A_592 : vector<16xi32>
    %swap3A_594 = arith.constant 0 : index
    %swap3A_595 = tpu.vector_load %arg15[%swap3A_594] {strides = array<i32>} : memref<80xi32, #tpu.memory_space<vmem>>, vector<16xi32>,
    %swap3A_596 = vector.shape_cast %swap3A_595 : vector<16xi32> to vector<16xi32>
    %swap3A_597 = vector.shape_cast %add3A_593 : vector<16xi32> to vector<16xi32>
    tpu.vector_store %arg15[%swap3A_594], %swap3A_597 {strides = array<i32>} : memref<80xi32, #tpu.memory_space<vmem>>, vector<16xi32>,
    %eq3A_598 = arith.cmpi eq, %get3A_585, %get3A_588 : vector<16xi32>
    %jit3A_599 = arith.constant 10000 : i32
    %broadcast_in_dim3A_600 = vector.broadcast %jit3A_599 : i32 to vector<16xi32>
    %select_n3A_601 = arith.select %eq3A_598, %broadcast_in_dim3A_600, %get3A_588 : vector<16xi1>, vector<16xi32>
    %swap3A_602 = arith.constant 0 : index
    %swap3A_603 = tpu.vector_load %arg18[%swap3A_602] {strides = array<i32>} : memref<80xi32, #tpu.memory_space<vmem>>, vector<16xi32>,
    %swap3A_604 = vector.shape_cast %swap3A_603 : vector<16xi32> to vector<16xi32>
    %swap3A_605 = vector.shape_cast %select_n3A_601 : vector<16xi32> to vector<16xi32>
    tpu.vector_store %arg18[%swap3A_602], %swap3A_605 {strides = array<i32>} : memref<80xi32, #tpu.memory_space<vmem>>, vector<16xi32>,
    %get3A_606 = arith.constant 16 : index
    %get3A_607 = tpu.vector_load %arg9[%get3A_606] {strides = array<i32>} : memref<80xi32, #tpu.memory_space<vmem>>, vector<16xi32>,
    %get3A_608 = vector.shape_cast %get3A_607 : vector<16xi32> to vector<16xi32>
    %get3A_609 = arith.constant 16 : index
    %get3A_610 = tpu.vector_load %arg12[%get3A_609] {strides = array<i32>} : memref<80xi32, #tpu.memory_space<vmem>>, vector<16xi32>,
    %get3A_611 = vector.shape_cast %get3A_610 : vector<16xi32> to vector<16xi32>
    %mul3A_612 = arith.constant 2 : i32
    %mul3A_613 = vector.broadcast %mul3A_612 : i32 to vector<16xi32>
    %mul3A_614 = arith.muli %get3A_608, %mul3A_613 : vector<16xi32>
    %add3A_615 = vector.broadcast %arg0 : i32 to vector<16xi32>
    %add3A_616 = arith.addi %mul3A_614, %add3A_615 : vector<16xi32>
    %swap3A_617 = arith.constant 16 : index
    %swap3A_618 = tpu.vector_load %arg15[%swap3A_617] {strides = array<i32>} : memref<80xi32, #tpu.memory_space<vmem>>, vector<16xi32>,
    %swap3A_619 = vector.shape_cast %swap3A_618 : vector<16xi32> to vector<16xi32>
    %swap3A_620 = vector.shape_cast %add3A_616 : vector<16xi32> to vector<16xi32>
    tpu.vector_store %arg15[%swap3A_617], %swap3A_620 {strides = array<i32>} : memref<80xi32, #tpu.memory_space<vmem>>, vector<16xi32>,
    %eq3A_621 = arith.cmpi eq, %get3A_608, %get3A_611 : vector<16xi32>
    %jit3A_622 = arith.constant 10000 : i32
    %broadcast_in_dim3A_623 = vector.broadcast %jit3A_622 : i32 to vector<16xi32>
    %select_n3A_624 = arith.select %eq3A_621, %broadcast_in_dim3A_623, %get3A_611 : vector<16xi1>, vector<16xi32>
    %swap3A_625 = arith.constant 16 : index
    %swap3A_626 = tpu.vector_load %arg18[%swap3A_625] {strides = array<i32>} : memref<80xi32, #tpu.memory_space<vmem>>, vector<16xi32>,
    %swap3A_627 = vector.shape_cast %swap3A_626 : vector<16xi32> to vector<16xi32>
    %swap3A_628 = vector.shape_cast %select_n3A_624 : vector<16xi32> to vector<16xi32>
    tpu.vector_store %arg18[%swap3A_625], %swap3A_628 {strides = array<i32>} : memref<80xi32, #tpu.memory_space<vmem>>, vector<16xi32>,
    %get3A_629 = arith.constant 32 : index
    %get3A_630 = tpu.vector_load %arg9[%get3A_629] {strides = array<i32>} : memref<80xi32, #tpu.memory_space<vmem>>, vector<16xi32>,
    %get3A_631 = vector.shape_cast %get3A_630 : vector<16xi32> to vector<16xi32>
    %get3A_632 = arith.constant 32 : index
    %get3A_633 = tpu.vector_load %arg12[%get3A_632] {strides = array<i32>} : memref<80xi32, #tpu.memory_space<vmem>>, vector<16xi32>,
    %get3A_634 = vector.shape_cast %get3A_633 : vector<16xi32> to vector<16xi32>
    %mul3A_635 = arith.constant 2 : i32
    %mul3A_636 = vector.broadcast %mul3A_635 : i32 to vector<16xi32>
    %mul3A_637 = arith.muli %get3A_631, %mul3A_636 : vector<16xi32>
    %add3A_638 = vector.broadcast %arg0 : i32 to vector<16xi32>
    %add3A_639 = arith.addi %mul3A_637, %add3A_638 : vector<16xi32>
    %swap3A_640 = arith.constant 32 : index
    %swap3A_641 = tpu.vector_load %arg15[%swap3A_640] {strides = array<i32>} : memref<80xi32, #tpu.memory_space<vmem>>, vector<16xi32>,
    %swap3A_642 = vector.shape_cast %swap3A_641 : vector<16xi32> to vector<16xi32>
    %swap3A_643 = vector.shape_cast %add3A_639 : vector<16xi32> to vector<16xi32>
    tpu.vector_store %arg15[%swap3A_640], %swap3A_643 {strides = array<i32>} : memref<80xi32, #tpu.memory_space<vmem>>, vector<16xi32>,
    %eq3A_644 = arith.cmpi eq, %get3A_631, %get3A_634 : vector<16xi32>
    %jit3A_645 = arith.constant 10000 : i32
    %broadcast_in_dim3A_646 = vector.broadcast %jit3A_645 : i32 to vector<16xi32>
    %select_n3A_647 = arith.select %eq3A_644, %broadcast_in_dim3A_646, %get3A_634 : vector<16xi1>, vector<16xi32>
    %swap3A_648 = arith.constant 32 : index
    %swap3A_649 = tpu.vector_load %arg18[%swap3A_648] {strides = array<i32>} : memref<80xi32, #tpu.memory_space<vmem>>, vector<16xi32>,
    %swap3A_650 = vector.shape_cast %swap3A_649 : vector<16xi32> to vector<16xi32>
    %swap3A_651 = vector.shape_cast %select_n3A_647 : vector<16xi32> to vector<16xi32>
    tpu.vector_store %arg18[%swap3A_648], %swap3A_651 {strides = array<i32>} : memref<80xi32, #tpu.memory_space<vmem>>, vector<16xi32>,
    %get3A_652 = arith.constant 48 : index
    %get3A_653 = tpu.vector_load %arg9[%get3A_652] {strides = array<i32>} : memref<80xi32, #tpu.memory_space<vmem>>, vector<16xi32>,
    %get3A_654 = vector.shape_cast %get3A_653 : vector<16xi32> to vector<16xi32>
    %get3A_655 = arith.constant 48 : index
    %get3A_656 = tpu.vector_load %arg12[%get3A_655] {strides = array<i32>} : memref<80xi32, #tpu.memory_space<vmem>>, vector<16xi32>,
    %get3A_657 = vector.shape_cast %get3A_656 : vector<16xi32> to vector<16xi32>
    %mul3A_658 = arith.constant 2 : i32
    %mul3A_659 = vector.broadcast %mul3A_658 : i32 to vector<16xi32>
    %mul3A_660 = arith.muli %get3A_654, %mul3A_659 : vector<16xi32>
    %add3A_661 = vector.broadcast %arg0 : i32 to vector<16xi32>
    %add3A_662 = arith.addi %mul3A_660, %add3A_661 : vector<16xi32>
    %swap3A_663 = arith.constant 48 : index
    %swap3A_664 = tpu.vector_load %arg15[%swap3A_663] {strides = array<i32>} : memref<80xi32, #tpu.memory_space<vmem>>, vector<16xi32>,
    %swap3A_665 = vector.shape_cast %swap3A_664 : vector<16xi32> to vector<16xi32>
    %swap3A_666 = vector.shape_cast %add3A_662 : vector<16xi32> to vector<16xi32>
    tpu.vector_store %arg15[%swap3A_663], %swap3A_666 {strides = array<i32>} : memref<80xi32, #tpu.memory_space<vmem>>, vector<16xi32>,
    %eq3A_667 = arith.cmpi eq, %get3A_654, %get3A_657 : vector<16xi32>
    %jit3A_668 = arith.constant 10000 : i32
    %broadcast_in_dim3A_669 = vector.broadcast %jit3A_668 : i32 to vector<16xi32>
    %select_n3A_670 = arith.select %eq3A_667, %broadcast_in_dim3A_669, %get3A_657 : vector<16xi1>, vector<16xi32>
    %swap3A_671 = arith.constant 48 : index
    %swap3A_672 = tpu.vector_load %arg18[%swap3A_671] {strides = array<i32>} : memref<80xi32, #tpu.memory_space<vmem>>, vector<16xi32>,
    %swap3A_673 = vector.shape_cast %swap3A_672 : vector<16xi32> to vector<16xi32>
    %swap3A_674 = vector.shape_cast %select_n3A_670 : vector<16xi32> to vector<16xi32>
    tpu.vector_store %arg18[%swap3A_671], %swap3A_674 {strides = array<i32>} : memref<80xi32, #tpu.memory_space<vmem>>, vector<16xi32>,
    %get3A_675 = arith.constant 64 : index
    %get3A_676 = tpu.vector_load %arg9[%get3A_675] {strides = array<i32>} : memref<80xi32, #tpu.memory_space<vmem>>, vector<16xi32>,
    %get3A_677 = vector.shape_cast %get3A_676 : vector<16xi32> to vector<16xi32>
    %get3A_678 = arith.constant 64 : index
    %get3A_679 = tpu.vector_load %arg12[%get3A_678] {strides = array<i32>} : memref<80xi32, #tpu.memory_space<vmem>>, vector<16xi32>,
    %get3A_680 = vector.shape_cast %get3A_679 : vector<16xi32> to vector<16xi32>
    %mul3A_681 = arith.constant 2 : i32
    %mul3A_682 = vector.broadcast %mul3A_681 : i32 to vector<16xi32>
    %mul3A_683 = arith.muli %get3A_677, %mul3A_682 : vector<16xi32>
    %add3A_684 = vector.broadcast %arg0 : i32 to vector<16xi32>
    %add3A_685 = arith.addi %mul3A_683, %add3A_684 : vector<16xi32>
    %swap3A_686 = arith.constant 64 : index
    %swap3A_687 = tpu.vector_load %arg15[%swap3A_686] {strides = array<i32>} : memref<80xi32, #tpu.memory_space<vmem>>, vector<16xi32>,
    %swap3A_688 = vector.shape_cast %swap3A_687 : vector<16xi32> to vector<16xi32>
    %swap3A_689 = vector.shape_cast %add3A_685 : vector<16xi32> to vector<16xi32>
    tpu.vector_store %arg15[%swap3A_686], %swap3A_689 {strides = array<i32>} : memref<80xi32, #tpu.memory_space<vmem>>, vector<16xi32>,
    %eq3A_690 = arith.cmpi eq, %get3A_677, %get3A_680 : vector<16xi32>
    %jit3A_691 = arith.constant 10000 : i32
    %broadcast_in_dim3A_692 = vector.broadcast %jit3A_691 : i32 to vector<16xi32>
    %select_n3A_693 = arith.select %eq3A_690, %broadcast_in_dim3A_692, %get3A_680 : vector<16xi1>, vector<16xi32>
    %swap3A_694 = arith.constant 64 : index
    %swap3A_695 = tpu.vector_load %arg18[%swap3A_694] {strides = array<i32>} : memref<80xi32, #tpu.memory_space<vmem>>, vector<16xi32>,
    %swap3A_696 = vector.shape_cast %swap3A_695 : vector<16xi32> to vector<16xi32>
    %swap3A_697 = vector.shape_cast %select_n3A_693 : vector<16xi32> to vector<16xi32>
    tpu.vector_store %arg18[%swap3A_694], %swap3A_697 {strides = array<i32>} : memref<80xi32, #tpu.memory_space<vmem>>, vector<16xi32>,
    %dma_start3A_698 = arith.constant 0 : i32
    %dma_start3A_699 = arith.constant 0 : i32
    %dma_start3A_700 = tpu.memref_slice %arg2[%dma_start3A_698, %dma_start3A_699] : memref<20000x128xf32, #tpu.memory_space<hbm>> -> memref<20000x128xf32, #tpu.memory_space<hbm>>
    tpu.enqueue_indirect_dma source(%dma_start3A_700 : memref<20000x128xf32, #tpu.memory_space<hbm>>) target(%arg21 : memref<80x128xf32, #tpu.memory_space<vmem>>) offsets(%arg15 : memref<80xi32, #tpu.memory_space<vmem>>) semaphore(%arg31 : memref<!tpu.dma_semaphore, #tpu.memory_space<semaphore_mem>>)
    %dma_wait3A_701 = arith.constant 0 : i32
    %dma_wait3A_702 = arith.constant 0 : i32
    %dma_wait3A_703 = tpu.memref_slice %arg2[%dma_wait3A_701, %dma_wait3A_702] : memref<20000x128xf32, #tpu.memory_space<hbm>> -> memref<20000x128xf32, #tpu.memory_space<hbm>>
    tpu.wait_indirect_dma semaphore(%arg33 : memref<!tpu.dma_semaphore, #tpu.memory_space<semaphore_mem>>) src(%dma_wait3A_703 : memref<20000x128xf32, #tpu.memory_space<hbm>>) dst(%arg23 : memref<80x128xf32, #tpu.memory_space<vmem>>)
    %dma_start3A_704 = arith.constant 0 : i32
    %dma_start3A_705 = arith.constant 0 : i32
    %dma_start3A_706 = tpu.memref_slice %arg26[%dma_start3A_704, %dma_start3A_705] : memref<10008x128xf32, #tpu.memory_space<vmem_shared>> -> memref<10008x128xf32, #tpu.memory_space<vmem_shared>>
    tpu.enqueue_indirect_dma source(%arg23 : memref<80x128xf32, #tpu.memory_space<vmem>>) target(%dma_start3A_706 : memref<10008x128xf32, #tpu.memory_space<vmem_shared>>) offsets(%arg20 : memref<80xi32, #tpu.memory_space<vmem>>) semaphore(%arg36 : memref<!tpu.dma_semaphore, #tpu.memory_space<semaphore_mem>>) {add = true}
    %mul3A_707 = arith.constant 125 : i32
    %mul3A_708 = arith.muli %arg1, %mul3A_707 : i32
    %add3A_709 = arith.constant 122 : i32
    %add3A_710 = arith.addi %mul3A_708, %add3A_709 : i32
    %and3A_711 = arith.constant 1 : i32
    %and3A_712 = arith.andi %add3A_710, %and3A_711 : i32
    %eq3A_713 = arith.cmpi eq, %and3A_712, %arg0 : i32
    %convert_element_type3A_714 = arith.extui %eq3A_713 : i1 to i32
    %cond3A_715 = arith.constant 0 : i32
    %cond3A_716 = arith.cmpi ne, %convert_element_type3A_714, %cond3A_715 : i32
    scf.if %cond3A_716 {
      %dma_start3A_961 = arith.constant 0 : i32
      %dma_start3A_962 = arith.constant 0 : i32
      %dma_start3A_963 = tpu.memref_slice %arg27[%dma_start3A_961, %dma_start3A_962] : memref<10008x16xf32, #tpu.memory_space<vmem_shared>> -> memref<10008x16xf32, #tpu.memory_space<vmem_shared>>
      tpu.enqueue_indirect_dma source(%arg24 : memref<80x16xf32, #tpu.memory_space<vmem>>) target(%dma_start3A_963 : memref<10008x16xf32, #tpu.memory_space<vmem_shared>>) offsets(%arg20 : memref<80xi32, #tpu.memory_space<vmem>>) semaphore(%arg39 : memref<!tpu.dma_semaphore, #tpu.memory_space<semaphore_mem>>) {add = true}
    } else {
    }
    %dma_wait3A_717 = arith.constant 0 : i32
    %dma_wait3A_718 = arith.constant 0 : i32
    %dma_wait3A_719 = tpu.memref_slice %arg26[%dma_wait3A_717, %dma_wait3A_718] : memref<10008x128xf32, #tpu.memory_space<vmem_shared>> -> memref<10008x128xf32, #tpu.memory_space<vmem_shared>>
    tpu.wait_indirect_dma semaphore(%arg35 : memref<!tpu.dma_semaphore, #tpu.memory_space<semaphore_mem>>) src(%arg22 : memref<80x128xf32, #tpu.memory_space<vmem>>) dst(%dma_wait3A_719 : memref<10008x128xf32, #tpu.memory_space<vmem_shared>>)
    %mul3A_720 = arith.constant 125 : i32
    %mul3A_721 = arith.muli %arg1, %mul3A_720 : i32
    %add3A_722 = arith.constant 121 : i32
    %add3A_723 = arith.addi %mul3A_721, %add3A_722 : i32
    %and3A_724 = arith.constant 1 : i32
    %and3A_725 = arith.andi %add3A_723, %and3A_724 : i32
    %eq3A_726 = arith.cmpi eq, %and3A_725, %arg0 : i32
    %convert_element_type3A_727 = arith.extui %eq3A_726 : i1 to i32
    %cond3A_728 = arith.constant 0 : i32
    %cond3A_729 = arith.cmpi ne, %convert_element_type3A_727, %cond3A_728 : i32
    scf.if %cond3A_729 {
      %dma_wait3A_961 = arith.constant 0 : i32
      %dma_wait3A_962 = arith.constant 0 : i32
      %dma_wait3A_963 = tpu.memref_slice %arg27[%dma_wait3A_961, %dma_wait3A_962] : memref<10008x16xf32, #tpu.memory_space<vmem_shared>> -> memref<10008x16xf32, #tpu.memory_space<vmem_shared>>
      tpu.wait_indirect_dma semaphore(%arg38 : memref<!tpu.dma_semaphore, #tpu.memory_space<semaphore_mem>>) src(%arg24 : memref<80x16xf32, #tpu.memory_space<vmem>>) dst(%dma_wait3A_963 : memref<10008x16xf32, #tpu.memory_space<vmem_shared>>)
    } else {
    }
    %mul3A_730 = arith.constant 125 : i32
    %mul3A_731 = arith.muli %arg1, %mul3A_730 : i32
    %min3A_732 = arith.constant 124 : i32
    %min3A_733 = arith.constant 124 : i32
    %min3A_734 = arith.minsi %min3A_732, %min3A_733 : i32
    %add3A_735 = arith.addi %mul3A_731, %min3A_734 : i32
    %dma_wait3A_736 = arith.constant 0 : i32
    %dma_wait3A_737 = tpu.memref_slice %arg3[%add3A_735, %dma_wait3A_736] : memref<2000x80xi32, #tpu.memory_space<hbm>> -> memref<1x80xi32, #tpu.memory_space<hbm>>
    %dma_wait3A_738 = tpu.memref_squeeze %dma_wait3A_737 : memref<1x80xi32, #tpu.memory_space<hbm>> -> memref<80xi32, #tpu.memory_space<hbm>>
    %dma_wait3A_739 = arith.constant 0 : i32
    %dma_wait3A_740 = tpu.memref_slice %arg3[%add3A_735, %dma_wait3A_739] : memref<2000x80xi32, #tpu.memory_space<hbm>> -> memref<1x80xi32, #tpu.memory_space<hbm>>
    %dma_wait3A_741 = tpu.memref_squeeze %dma_wait3A_740 : memref<1x80xi32, #tpu.memory_space<hbm>> -> memref<80xi32, #tpu.memory_space<hbm>>
    tpu.wait_dma2 semaphore(%arg29 : memref<!tpu.dma_semaphore, #tpu.memory_space<semaphore_mem>>) src(%dma_wait3A_741 : memref<80xi32, #tpu.memory_space<hbm>>) dst(%arg10 : memref<80xi32, #tpu.memory_space<vmem>>)
    %dma_wait3A_742 = arith.constant 0 : i32
    %dma_wait3A_743 = tpu.memref_slice %arg4[%add3A_735, %dma_wait3A_742] : memref<2000x80xi32, #tpu.memory_space<hbm>> -> memref<1x80xi32, #tpu.memory_space<hbm>>
    %dma_wait3A_744 = tpu.memref_squeeze %dma_wait3A_743 : memref<1x80xi32, #tpu.memory_space<hbm>> -> memref<80xi32, #tpu.memory_space<hbm>>
    %dma_wait3A_745 = arith.constant 0 : i32
    %dma_wait3A_746 = tpu.memref_slice %arg4[%add3A_735, %dma_wait3A_745] : memref<2000x80xi32, #tpu.memory_space<hbm>> -> memref<1x80xi32, #tpu.memory_space<hbm>>
    %dma_wait3A_747 = tpu.memref_squeeze %dma_wait3A_746 : memref<1x80xi32, #tpu.memory_space<hbm>> -> memref<80xi32, #tpu.memory_space<hbm>>
    tpu.wait_dma2 semaphore(%arg29 : memref<!tpu.dma_semaphore, #tpu.memory_space<semaphore_mem>>) src(%dma_wait3A_747 : memref<80xi32, #tpu.memory_space<hbm>>) dst(%arg13 : memref<80xi32, #tpu.memory_space<vmem>>)
    %get3A_748 = arith.constant 0 : index
    %get3A_749 = tpu.vector_load %arg10[%get3A_748] {strides = array<i32>} : memref<80xi32, #tpu.memory_space<vmem>>, vector<16xi32>,
    %get3A_750 = vector.shape_cast %get3A_749 : vector<16xi32> to vector<16xi32>
    %get3A_751 = arith.constant 0 : index
    %get3A_752 = tpu.vector_load %arg13[%get3A_751] {strides = array<i32>} : memref<80xi32, #tpu.memory_space<vmem>>, vector<16xi32>,
    %get3A_753 = vector.shape_cast %get3A_752 : vector<16xi32> to vector<16xi32>
    %mul3A_754 = arith.constant 2 : i32
    %mul3A_755 = vector.broadcast %mul3A_754 : i32 to vector<16xi32>
    %mul3A_756 = arith.muli %get3A_750, %mul3A_755 : vector<16xi32>
    %add3A_757 = vector.broadcast %arg0 : i32 to vector<16xi32>
    %add3A_758 = arith.addi %mul3A_756, %add3A_757 : vector<16xi32>
    %swap3A_759 = arith.constant 0 : index
    %swap3A_760 = tpu.vector_load %arg16[%swap3A_759] {strides = array<i32>} : memref<80xi32, #tpu.memory_space<vmem>>, vector<16xi32>,
    %swap3A_761 = vector.shape_cast %swap3A_760 : vector<16xi32> to vector<16xi32>
    %swap3A_762 = vector.shape_cast %add3A_758 : vector<16xi32> to vector<16xi32>
    tpu.vector_store %arg16[%swap3A_759], %swap3A_762 {strides = array<i32>} : memref<80xi32, #tpu.memory_space<vmem>>, vector<16xi32>,
    %eq3A_763 = arith.cmpi eq, %get3A_750, %get3A_753 : vector<16xi32>
    %jit3A_764 = arith.constant 10000 : i32
    %broadcast_in_dim3A_765 = vector.broadcast %jit3A_764 : i32 to vector<16xi32>
    %select_n3A_766 = arith.select %eq3A_763, %broadcast_in_dim3A_765, %get3A_753 : vector<16xi1>, vector<16xi32>
    %swap3A_767 = arith.constant 0 : index
    %swap3A_768 = tpu.vector_load %arg19[%swap3A_767] {strides = array<i32>} : memref<80xi32, #tpu.memory_space<vmem>>, vector<16xi32>,
    %swap3A_769 = vector.shape_cast %swap3A_768 : vector<16xi32> to vector<16xi32>
    %swap3A_770 = vector.shape_cast %select_n3A_766 : vector<16xi32> to vector<16xi32>
    tpu.vector_store %arg19[%swap3A_767], %swap3A_770 {strides = array<i32>} : memref<80xi32, #tpu.memory_space<vmem>>, vector<16xi32>,
    %get3A_771 = arith.constant 16 : index
    %get3A_772 = tpu.vector_load %arg10[%get3A_771] {strides = array<i32>} : memref<80xi32, #tpu.memory_space<vmem>>, vector<16xi32>,
    %get3A_773 = vector.shape_cast %get3A_772 : vector<16xi32> to vector<16xi32>
    %get3A_774 = arith.constant 16 : index
    %get3A_775 = tpu.vector_load %arg13[%get3A_774] {strides = array<i32>} : memref<80xi32, #tpu.memory_space<vmem>>, vector<16xi32>,
    %get3A_776 = vector.shape_cast %get3A_775 : vector<16xi32> to vector<16xi32>
    %mul3A_777 = arith.constant 2 : i32
    %mul3A_778 = vector.broadcast %mul3A_777 : i32 to vector<16xi32>
    %mul3A_779 = arith.muli %get3A_773, %mul3A_778 : vector<16xi32>
    %add3A_780 = vector.broadcast %arg0 : i32 to vector<16xi32>
    %add3A_781 = arith.addi %mul3A_779, %add3A_780 : vector<16xi32>
    %swap3A_782 = arith.constant 16 : index
    %swap3A_783 = tpu.vector_load %arg16[%swap3A_782] {strides = array<i32>} : memref<80xi32, #tpu.memory_space<vmem>>, vector<16xi32>,
    %swap3A_784 = vector.shape_cast %swap3A_783 : vector<16xi32> to vector<16xi32>
    %swap3A_785 = vector.shape_cast %add3A_781 : vector<16xi32> to vector<16xi32>
    tpu.vector_store %arg16[%swap3A_782], %swap3A_785 {strides = array<i32>} : memref<80xi32, #tpu.memory_space<vmem>>, vector<16xi32>,
    %eq3A_786 = arith.cmpi eq, %get3A_773, %get3A_776 : vector<16xi32>
    %jit3A_787 = arith.constant 10000 : i32
    %broadcast_in_dim3A_788 = vector.broadcast %jit3A_787 : i32 to vector<16xi32>
    %select_n3A_789 = arith.select %eq3A_786, %broadcast_in_dim3A_788, %get3A_776 : vector<16xi1>, vector<16xi32>
    %swap3A_790 = arith.constant 16 : index
    %swap3A_791 = tpu.vector_load %arg19[%swap3A_790] {strides = array<i32>} : memref<80xi32, #tpu.memory_space<vmem>>, vector<16xi32>,
    %swap3A_792 = vector.shape_cast %swap3A_791 : vector<16xi32> to vector<16xi32>
    %swap3A_793 = vector.shape_cast %select_n3A_789 : vector<16xi32> to vector<16xi32>
    tpu.vector_store %arg19[%swap3A_790], %swap3A_793 {strides = array<i32>} : memref<80xi32, #tpu.memory_space<vmem>>, vector<16xi32>,
    %get3A_794 = arith.constant 32 : index
    %get3A_795 = tpu.vector_load %arg10[%get3A_794] {strides = array<i32>} : memref<80xi32, #tpu.memory_space<vmem>>, vector<16xi32>,
    %get3A_796 = vector.shape_cast %get3A_795 : vector<16xi32> to vector<16xi32>
    %get3A_797 = arith.constant 32 : index
    %get3A_798 = tpu.vector_load %arg13[%get3A_797] {strides = array<i32>} : memref<80xi32, #tpu.memory_space<vmem>>, vector<16xi32>,
    %get3A_799 = vector.shape_cast %get3A_798 : vector<16xi32> to vector<16xi32>
    %mul3A_800 = arith.constant 2 : i32
    %mul3A_801 = vector.broadcast %mul3A_800 : i32 to vector<16xi32>
    %mul3A_802 = arith.muli %get3A_796, %mul3A_801 : vector<16xi32>
    %add3A_803 = vector.broadcast %arg0 : i32 to vector<16xi32>
    %add3A_804 = arith.addi %mul3A_802, %add3A_803 : vector<16xi32>
    %swap3A_805 = arith.constant 32 : index
    %swap3A_806 = tpu.vector_load %arg16[%swap3A_805] {strides = array<i32>} : memref<80xi32, #tpu.memory_space<vmem>>, vector<16xi32>,
    %swap3A_807 = vector.shape_cast %swap3A_806 : vector<16xi32> to vector<16xi32>
    %swap3A_808 = vector.shape_cast %add3A_804 : vector<16xi32> to vector<16xi32>
    tpu.vector_store %arg16[%swap3A_805], %swap3A_808 {strides = array<i32>} : memref<80xi32, #tpu.memory_space<vmem>>, vector<16xi32>,
    %eq3A_809 = arith.cmpi eq, %get3A_796, %get3A_799 : vector<16xi32>
    %jit3A_810 = arith.constant 10000 : i32
    %broadcast_in_dim3A_811 = vector.broadcast %jit3A_810 : i32 to vector<16xi32>
    %select_n3A_812 = arith.select %eq3A_809, %broadcast_in_dim3A_811, %get3A_799 : vector<16xi1>, vector<16xi32>
    %swap3A_813 = arith.constant 32 : index
    %swap3A_814 = tpu.vector_load %arg19[%swap3A_813] {strides = array<i32>} : memref<80xi32, #tpu.memory_space<vmem>>, vector<16xi32>,
    %swap3A_815 = vector.shape_cast %swap3A_814 : vector<16xi32> to vector<16xi32>
    %swap3A_816 = vector.shape_cast %select_n3A_812 : vector<16xi32> to vector<16xi32>
    tpu.vector_store %arg19[%swap3A_813], %swap3A_816 {strides = array<i32>} : memref<80xi32, #tpu.memory_space<vmem>>, vector<16xi32>,
    %get3A_817 = arith.constant 48 : index
    %get3A_818 = tpu.vector_load %arg10[%get3A_817] {strides = array<i32>} : memref<80xi32, #tpu.memory_space<vmem>>, vector<16xi32>,
    %get3A_819 = vector.shape_cast %get3A_818 : vector<16xi32> to vector<16xi32>
    %get3A_820 = arith.constant 48 : index
    %get3A_821 = tpu.vector_load %arg13[%get3A_820] {strides = array<i32>} : memref<80xi32, #tpu.memory_space<vmem>>, vector<16xi32>,
    %get3A_822 = vector.shape_cast %get3A_821 : vector<16xi32> to vector<16xi32>
    %mul3A_823 = arith.constant 2 : i32
    %mul3A_824 = vector.broadcast %mul3A_823 : i32 to vector<16xi32>
    %mul3A_825 = arith.muli %get3A_819, %mul3A_824 : vector<16xi32>
    %add3A_826 = vector.broadcast %arg0 : i32 to vector<16xi32>
    %add3A_827 = arith.addi %mul3A_825, %add3A_826 : vector<16xi32>
    %swap3A_828 = arith.constant 48 : index
    %swap3A_829 = tpu.vector_load %arg16[%swap3A_828] {strides = array<i32>} : memref<80xi32, #tpu.memory_space<vmem>>, vector<16xi32>,
    %swap3A_830 = vector.shape_cast %swap3A_829 : vector<16xi32> to vector<16xi32>
    %swap3A_831 = vector.shape_cast %add3A_827 : vector<16xi32> to vector<16xi32>
    tpu.vector_store %arg16[%swap3A_828], %swap3A_831 {strides = array<i32>} : memref<80xi32, #tpu.memory_space<vmem>>, vector<16xi32>,
    %eq3A_832 = arith.cmpi eq, %get3A_819, %get3A_822 : vector<16xi32>
    %jit3A_833 = arith.constant 10000 : i32
    %broadcast_in_dim3A_834 = vector.broadcast %jit3A_833 : i32 to vector<16xi32>
    %select_n3A_835 = arith.select %eq3A_832, %broadcast_in_dim3A_834, %get3A_822 : vector<16xi1>, vector<16xi32>
    %swap3A_836 = arith.constant 48 : index
    %swap3A_837 = tpu.vector_load %arg19[%swap3A_836] {strides = array<i32>} : memref<80xi32, #tpu.memory_space<vmem>>, vector<16xi32>,
    %swap3A_838 = vector.shape_cast %swap3A_837 : vector<16xi32> to vector<16xi32>
    %swap3A_839 = vector.shape_cast %select_n3A_835 : vector<16xi32> to vector<16xi32>
    tpu.vector_store %arg19[%swap3A_836], %swap3A_839 {strides = array<i32>} : memref<80xi32, #tpu.memory_space<vmem>>, vector<16xi32>,
    %get3A_840 = arith.constant 64 : index
    %get3A_841 = tpu.vector_load %arg10[%get3A_840] {strides = array<i32>} : memref<80xi32, #tpu.memory_space<vmem>>, vector<16xi32>,
    %get3A_842 = vector.shape_cast %get3A_841 : vector<16xi32> to vector<16xi32>
    %get3A_843 = arith.constant 64 : index
    %get3A_844 = tpu.vector_load %arg13[%get3A_843] {strides = array<i32>} : memref<80xi32, #tpu.memory_space<vmem>>, vector<16xi32>,
    %get3A_845 = vector.shape_cast %get3A_844 : vector<16xi32> to vector<16xi32>
    %mul3A_846 = arith.constant 2 : i32
    %mul3A_847 = vector.broadcast %mul3A_846 : i32 to vector<16xi32>
    %mul3A_848 = arith.muli %get3A_842, %mul3A_847 : vector<16xi32>
    %add3A_849 = vector.broadcast %arg0 : i32 to vector<16xi32>
    %add3A_850 = arith.addi %mul3A_848, %add3A_849 : vector<16xi32>
    %swap3A_851 = arith.constant 64 : index
    %swap3A_852 = tpu.vector_load %arg16[%swap3A_851] {strides = array<i32>} : memref<80xi32, #tpu.memory_space<vmem>>, vector<16xi32>,
    %swap3A_853 = vector.shape_cast %swap3A_852 : vector<16xi32> to vector<16xi32>
    %swap3A_854 = vector.shape_cast %add3A_850 : vector<16xi32> to vector<16xi32>
    tpu.vector_store %arg16[%swap3A_851], %swap3A_854 {strides = array<i32>} : memref<80xi32, #tpu.memory_space<vmem>>, vector<16xi32>,
    %eq3A_855 = arith.cmpi eq, %get3A_842, %get3A_845 : vector<16xi32>
    %jit3A_856 = arith.constant 10000 : i32
    %broadcast_in_dim3A_857 = vector.broadcast %jit3A_856 : i32 to vector<16xi32>
    %select_n3A_858 = arith.select %eq3A_855, %broadcast_in_dim3A_857, %get3A_845 : vector<16xi1>, vector<16xi32>
    %swap3A_859 = arith.constant 64 : index
    %swap3A_860 = tpu.vector_load %arg19[%swap3A_859] {strides = array<i32>} : memref<80xi32, #tpu.memory_space<vmem>>, vector<16xi32>,
    %swap3A_861 = vector.shape_cast %swap3A_860 : vector<16xi32> to vector<16xi32>
    %swap3A_862 = vector.shape_cast %select_n3A_858 : vector<16xi32> to vector<16xi32>
    tpu.vector_store %arg19[%swap3A_859], %swap3A_862 {strides = array<i32>} : memref<80xi32, #tpu.memory_space<vmem>>, vector<16xi32>,
    %dma_start3A_863 = arith.constant 0 : i32
    %dma_start3A_864 = arith.constant 0 : i32
    %dma_start3A_865 = tpu.memref_slice %arg2[%dma_start3A_863, %dma_start3A_864] : memref<20000x128xf32, #tpu.memory_space<hbm>> -> memref<20000x128xf32, #tpu.memory_space<hbm>>
    tpu.enqueue_indirect_dma source(%dma_start3A_865 : memref<20000x128xf32, #tpu.memory_space<hbm>>) target(%arg22 : memref<80x128xf32, #tpu.memory_space<vmem>>) offsets(%arg16 : memref<80xi32, #tpu.memory_space<vmem>>) semaphore(%arg32 : memref<!tpu.dma_semaphore, #tpu.memory_space<semaphore_mem>>)
    %dma_wait3A_866 = arith.constant 0 : i32
    %dma_wait3A_867 = arith.constant 0 : i32
    %dma_wait3A_868 = tpu.memref_slice %arg2[%dma_wait3A_866, %dma_wait3A_867] : memref<20000x128xf32, #tpu.memory_space<hbm>> -> memref<20000x128xf32, #tpu.memory_space<hbm>>
    tpu.wait_indirect_dma semaphore(%arg31 : memref<!tpu.dma_semaphore, #tpu.memory_space<semaphore_mem>>) src(%dma_wait3A_868 : memref<20000x128xf32, #tpu.memory_space<hbm>>) dst(%arg21 : memref<80x128xf32, #tpu.memory_space<vmem>>)
    %dma_start3A_869 = arith.constant 0 : i32
    %dma_start3A_870 = arith.constant 0 : i32
    %dma_start3A_871 = tpu.memref_slice %arg26[%dma_start3A_869, %dma_start3A_870] : memref<10008x128xf32, #tpu.memory_space<vmem_shared>> -> memref<10008x128xf32, #tpu.memory_space<vmem_shared>>
    tpu.enqueue_indirect_dma source(%arg21 : memref<80x128xf32, #tpu.memory_space<vmem>>) target(%dma_start3A_871 : memref<10008x128xf32, #tpu.memory_space<vmem_shared>>) offsets(%arg18 : memref<80xi32, #tpu.memory_space<vmem>>) semaphore(%arg34 : memref<!tpu.dma_semaphore, #tpu.memory_space<semaphore_mem>>) {add = true}
    %mul3A_872 = arith.constant 125 : i32
    %mul3A_873 = arith.muli %arg1, %mul3A_872 : i32
    %add3A_874 = arith.constant 123 : i32
    %add3A_875 = arith.addi %mul3A_873, %add3A_874 : i32
    %and3A_876 = arith.constant 1 : i32
    %and3A_877 = arith.andi %add3A_875, %and3A_876 : i32
    %eq3A_878 = arith.cmpi eq, %and3A_877, %arg0 : i32
    %convert_element_type3A_879 = arith.extui %eq3A_878 : i1 to i32
    %cond3A_880 = arith.constant 0 : i32
    %cond3A_881 = arith.cmpi ne, %convert_element_type3A_879, %cond3A_880 : i32
    scf.if %cond3A_881 {
      %dma_start3A_961 = arith.constant 0 : i32
      %dma_start3A_962 = arith.constant 0 : i32
      %dma_start3A_963 = tpu.memref_slice %arg27[%dma_start3A_961, %dma_start3A_962] : memref<10008x16xf32, #tpu.memory_space<vmem_shared>> -> memref<10008x16xf32, #tpu.memory_space<vmem_shared>>
      tpu.enqueue_indirect_dma source(%arg24 : memref<80x16xf32, #tpu.memory_space<vmem>>) target(%dma_start3A_963 : memref<10008x16xf32, #tpu.memory_space<vmem_shared>>) offsets(%arg18 : memref<80xi32, #tpu.memory_space<vmem>>) semaphore(%arg37 : memref<!tpu.dma_semaphore, #tpu.memory_space<semaphore_mem>>) {add = true}
    } else {
    }
    %dma_wait3A_882 = arith.constant 0 : i32
    %dma_wait3A_883 = arith.constant 0 : i32
    %dma_wait3A_884 = tpu.memref_slice %arg2[%dma_wait3A_882, %dma_wait3A_883] : memref<20000x128xf32, #tpu.memory_space<hbm>> -> memref<20000x128xf32, #tpu.memory_space<hbm>>
    tpu.wait_indirect_dma semaphore(%arg32 : memref<!tpu.dma_semaphore, #tpu.memory_space<semaphore_mem>>) src(%dma_wait3A_884 : memref<20000x128xf32, #tpu.memory_space<hbm>>) dst(%arg22 : memref<80x128xf32, #tpu.memory_space<vmem>>)
    %dma_start3A_885 = arith.constant 0 : i32
    %dma_start3A_886 = arith.constant 0 : i32
    %dma_start3A_887 = tpu.memref_slice %arg26[%dma_start3A_885, %dma_start3A_886] : memref<10008x128xf32, #tpu.memory_space<vmem_shared>> -> memref<10008x128xf32, #tpu.memory_space<vmem_shared>>
    tpu.enqueue_indirect_dma source(%arg22 : memref<80x128xf32, #tpu.memory_space<vmem>>) target(%dma_start3A_887 : memref<10008x128xf32, #tpu.memory_space<vmem_shared>>) offsets(%arg19 : memref<80xi32, #tpu.memory_space<vmem>>) semaphore(%arg35 : memref<!tpu.dma_semaphore, #tpu.memory_space<semaphore_mem>>) {add = true}
    %mul3A_888 = arith.constant 125 : i32
    %mul3A_889 = arith.muli %arg1, %mul3A_888 : i32
    %add3A_890 = arith.constant 124 : i32
    %add3A_891 = arith.addi %mul3A_889, %add3A_890 : i32
    %and3A_892 = arith.constant 1 : i32
    %and3A_893 = arith.andi %add3A_891, %and3A_892 : i32
    %eq3A_894 = arith.cmpi eq, %and3A_893, %arg0 : i32
    %convert_element_type3A_895 = arith.extui %eq3A_894 : i1 to i32
    %cond3A_896 = arith.constant 0 : i32
    %cond3A_897 = arith.cmpi ne, %convert_element_type3A_895, %cond3A_896 : i32
    scf.if %cond3A_897 {
      %dma_start3A_961 = arith.constant 0 : i32
      %dma_start3A_962 = arith.constant 0 : i32
      %dma_start3A_963 = tpu.memref_slice %arg27[%dma_start3A_961, %dma_start3A_962] : memref<10008x16xf32, #tpu.memory_space<vmem_shared>> -> memref<10008x16xf32, #tpu.memory_space<vmem_shared>>
      tpu.enqueue_indirect_dma source(%arg24 : memref<80x16xf32, #tpu.memory_space<vmem>>) target(%dma_start3A_963 : memref<10008x16xf32, #tpu.memory_space<vmem_shared>>) offsets(%arg19 : memref<80xi32, #tpu.memory_space<vmem>>) semaphore(%arg38 : memref<!tpu.dma_semaphore, #tpu.memory_space<semaphore_mem>>) {add = true}
    } else {
    }
    %dma_wait3A_898 = arith.constant 0 : i32
    %dma_wait3A_899 = arith.constant 0 : i32
    %dma_wait3A_900 = tpu.memref_slice %arg26[%dma_wait3A_898, %dma_wait3A_899] : memref<10008x128xf32, #tpu.memory_space<vmem_shared>> -> memref<10008x128xf32, #tpu.memory_space<vmem_shared>>
    tpu.wait_indirect_dma semaphore(%arg36 : memref<!tpu.dma_semaphore, #tpu.memory_space<semaphore_mem>>) src(%arg23 : memref<80x128xf32, #tpu.memory_space<vmem>>) dst(%dma_wait3A_900 : memref<10008x128xf32, #tpu.memory_space<vmem_shared>>)
    %mul3A_901 = arith.constant 125 : i32
    %mul3A_902 = arith.muli %arg1, %mul3A_901 : i32
    %add3A_903 = arith.constant 122 : i32
    %add3A_904 = arith.addi %mul3A_902, %add3A_903 : i32
    %and3A_905 = arith.constant 1 : i32
    %and3A_906 = arith.andi %add3A_904, %and3A_905 : i32
    %eq3A_907 = arith.cmpi eq, %and3A_906, %arg0 : i32
    %convert_element_type3A_908 = arith.extui %eq3A_907 : i1 to i32
    %cond3A_909 = arith.constant 0 : i32
    %cond3A_910 = arith.cmpi ne, %convert_element_type3A_908, %cond3A_909 : i32
    scf.if %cond3A_910 {
      %dma_wait3A_961 = arith.constant 0 : i32
      %dma_wait3A_962 = arith.constant 0 : i32
      %dma_wait3A_963 = tpu.memref_slice %arg27[%dma_wait3A_961, %dma_wait3A_962] : memref<10008x16xf32, #tpu.memory_space<vmem_shared>> -> memref<10008x16xf32, #tpu.memory_space<vmem_shared>>
      tpu.wait_indirect_dma semaphore(%arg39 : memref<!tpu.dma_semaphore, #tpu.memory_space<semaphore_mem>>) src(%arg24 : memref<80x16xf32, #tpu.memory_space<vmem>>) dst(%dma_wait3A_963 : memref<10008x16xf32, #tpu.memory_space<vmem_shared>>)
    } else {
    }
    %dma_wait3A_911 = arith.constant 0 : i32
    %dma_wait3A_912 = arith.constant 0 : i32
    %dma_wait3A_913 = tpu.memref_slice %arg26[%dma_wait3A_911, %dma_wait3A_912] : memref<10008x128xf32, #tpu.memory_space<vmem_shared>> -> memref<10008x128xf32, #tpu.memory_space<vmem_shared>>
    tpu.wait_indirect_dma semaphore(%arg34 : memref<!tpu.dma_semaphore, #tpu.memory_space<semaphore_mem>>) src(%arg21 : memref<80x128xf32, #tpu.memory_space<vmem>>) dst(%dma_wait3A_913 : memref<10008x128xf32, #tpu.memory_space<vmem_shared>>)
    %mul3A_914 = arith.constant 125 : i32
    %mul3A_915 = arith.muli %arg1, %mul3A_914 : i32
    %add3A_916 = arith.constant 123 : i32
    %add3A_917 = arith.addi %mul3A_915, %add3A_916 : i32
    %and3A_918 = arith.constant 1 : i32
    %and3A_919 = arith.andi %add3A_917, %and3A_918 : i32
    %eq3A_920 = arith.cmpi eq, %and3A_919, %arg0 : i32
    %convert_element_type3A_921 = arith.extui %eq3A_920 : i1 to i32
    %cond3A_922 = arith.constant 0 : i32
    %cond3A_923 = arith.cmpi ne, %convert_element_type3A_921, %cond3A_922 : i32
    scf.if %cond3A_923 {
      %dma_wait3A_961 = arith.constant 0 : i32
      %dma_wait3A_962 = arith.constant 0 : i32
      %dma_wait3A_963 = tpu.memref_slice %arg27[%dma_wait3A_961, %dma_wait3A_962] : memref<10008x16xf32, #tpu.memory_space<vmem_shared>> -> memref<10008x16xf32, #tpu.memory_space<vmem_shared>>
      tpu.wait_indirect_dma semaphore(%arg37 : memref<!tpu.dma_semaphore, #tpu.memory_space<semaphore_mem>>) src(%arg24 : memref<80x16xf32, #tpu.memory_space<vmem>>) dst(%dma_wait3A_963 : memref<10008x16xf32, #tpu.memory_space<vmem_shared>>)
    } else {
    }
    %dma_wait3A_924 = arith.constant 0 : i32
    %dma_wait3A_925 = arith.constant 0 : i32
    %dma_wait3A_926 = tpu.memref_slice %arg26[%dma_wait3A_924, %dma_wait3A_925] : memref<10008x128xf32, #tpu.memory_space<vmem_shared>> -> memref<10008x128xf32, #tpu.memory_space<vmem_shared>>
    tpu.wait_indirect_dma semaphore(%arg35 : memref<!tpu.dma_semaphore, #tpu.memory_space<semaphore_mem>>) src(%arg22 : memref<80x128xf32, #tpu.memory_space<vmem>>) dst(%dma_wait3A_926 : memref<10008x128xf32, #tpu.memory_space<vmem_shared>>)
    %mul3A_927 = arith.constant 125 : i32
    %mul3A_928 = arith.muli %arg1, %mul3A_927 : i32
    %add3A_929 = arith.constant 124 : i32
    %add3A_930 = arith.addi %mul3A_928, %add3A_929 : i32
    %and3A_931 = arith.constant 1 : i32
    %and3A_932 = arith.andi %add3A_930, %and3A_931 : i32
    %eq3A_933 = arith.cmpi eq, %and3A_932, %arg0 : i32
    %convert_element_type3A_934 = arith.extui %eq3A_933 : i1 to i32
    %cond3A_935 = arith.constant 0 : i32
    %cond3A_936 = arith.cmpi ne, %convert_element_type3A_934, %cond3A_935 : i32
    scf.if %cond3A_936 {
      %dma_wait3A_961 = arith.constant 0 : i32
      %dma_wait3A_962 = arith.constant 0 : i32
      %dma_wait3A_963 = tpu.memref_slice %arg27[%dma_wait3A_961, %dma_wait3A_962] : memref<10008x16xf32, #tpu.memory_space<vmem_shared>> -> memref<10008x16xf32, #tpu.memory_space<vmem_shared>>
      tpu.wait_indirect_dma semaphore(%arg38 : memref<!tpu.dma_semaphore, #tpu.memory_space<semaphore_mem>>) src(%arg24 : memref<80x16xf32, #tpu.memory_space<vmem>>) dst(%dma_wait3A_963 : memref<10008x16xf32, #tpu.memory_space<vmem_shared>>)
    } else {
    }
    %mul3A_937 = arith.constant 125 : i32
    %mul3A_938 = arith.muli %arg1, %mul3A_937 : i32
    %min3A_939 = arith.constant 124 : i32
    %min3A_940 = arith.constant 124 : i32
    %min3A_941 = arith.minsi %min3A_939, %min3A_940 : i32
    %add3A_942 = arith.addi %mul3A_938, %min3A_941 : i32
    %dma_wait3A_943 = arith.constant 0 : i32
    %dma_wait3A_944 = tpu.memref_slice %arg3[%add3A_942, %dma_wait3A_943] : memref<2000x80xi32, #tpu.memory_space<hbm>> -> memref<1x80xi32, #tpu.memory_space<hbm>>
    %dma_wait3A_945 = tpu.memref_squeeze %dma_wait3A_944 : memref<1x80xi32, #tpu.memory_space<hbm>> -> memref<80xi32, #tpu.memory_space<hbm>>
    %dma_wait3A_946 = arith.constant 0 : i32
    %dma_wait3A_947 = tpu.memref_slice %arg3[%add3A_942, %dma_wait3A_946] : memref<2000x80xi32, #tpu.memory_space<hbm>> -> memref<1x80xi32, #tpu.memory_space<hbm>>
    %dma_wait3A_948 = tpu.memref_squeeze %dma_wait3A_947 : memref<1x80xi32, #tpu.memory_space<hbm>> -> memref<80xi32, #tpu.memory_space<hbm>>
    tpu.wait_dma2 semaphore(%arg30 : memref<!tpu.dma_semaphore, #tpu.memory_space<semaphore_mem>>) src(%dma_wait3A_948 : memref<80xi32, #tpu.memory_space<hbm>>) dst(%arg11 : memref<80xi32, #tpu.memory_space<vmem>>)
    %dma_wait3A_949 = arith.constant 0 : i32
    %dma_wait3A_950 = tpu.memref_slice %arg4[%add3A_942, %dma_wait3A_949] : memref<2000x80xi32, #tpu.memory_space<hbm>> -> memref<1x80xi32, #tpu.memory_space<hbm>>
    %dma_wait3A_951 = tpu.memref_squeeze %dma_wait3A_950 : memref<1x80xi32, #tpu.memory_space<hbm>> -> memref<80xi32, #tpu.memory_space<hbm>>
    %dma_wait3A_952 = arith.constant 0 : i32
    %dma_wait3A_953 = tpu.memref_slice %arg4[%add3A_942, %dma_wait3A_952] : memref<2000x80xi32, #tpu.memory_space<hbm>> -> memref<1x80xi32, #tpu.memory_space<hbm>>
    %dma_wait3A_954 = tpu.memref_squeeze %dma_wait3A_953 : memref<1x80xi32, #tpu.memory_space<hbm>> -> memref<80xi32, #tpu.memory_space<hbm>>
    tpu.wait_dma2 semaphore(%arg30 : memref<!tpu.dma_semaphore, #tpu.memory_space<semaphore_mem>>) src(%dma_wait3A_954 : memref<80xi32, #tpu.memory_space<hbm>>) dst(%arg14 : memref<80xi32, #tpu.memory_space<vmem>>)
    %barrier3A_955 = arith.constant 0 : index
    tpu.barrier barrier_id(%barrier3A_955)
    %scan3A_956 = arith.constant 0 : i32
    %scan3A_957 = arith.constant 8 : i32
    %scan3A_958 = arith.addi %scan3A_956, %scan3A_957 : i32
    %scan3A_959 = arith.constant 1 : i32
    scf.for %scan3A_961 = %scan3A_956 to %scan3A_958 step %scan3A_959  : i32 {
      %mul3A_962 = arith.constant 1 : i32
      %mul3A_963 = arith.muli %scan3A_961, %mul3A_962 : i32
      %add3A_964 = arith.constant 0 : i32
      %add3A_965 = arith.addi %add3A_964, %mul3A_963 : i32
      %mul3A_966 = arith.constant 16 : i32
      %mul3A_967 = arith.muli %add3A_965, %mul3A_966 : i32
      %add3A_968 = arith.addi %mul3A_967, %arg1 : i32
      %lt3A = arith.constant 125 : i32
      %lt3A_969 = arith.cmpi slt, %add3A_968, %lt3A : i32
      %convert_element_type3A_970 = arith.extui %lt3A_969 : i1 to i32
      %cond3A_971 = arith.constant 0 : i32
      %cond3A_972 = arith.cmpi ne, %convert_element_type3A_970, %cond3A_971 : i32
      scf.if %cond3A_972 {
        %mul3A_973 = arith.constant 80 : i32
        %mul3A_974 = arith.muli %add3A_968, %mul3A_973 : i32
        "tpu.region"() ({
          %run_scoped3A = tpu.sem_alloc : memref<!tpu.dma_semaphore, #tpu.memory_space<semaphore_mem>>
          %dma_start3A_985 = arith.constant 0 : i32
          %dma_start3A_986 = arith.constant 0 : i32
          %dma_start3A_987 = tpu.memref_slice %arg21[%dma_start3A_985, %dma_start3A_986] : memref<80x128xf32, #tpu.memory_space<vmem>> -> memref<80x128xf32, #tpu.memory_space<vmem>>
          %dma_start3A_988 = arith.constant 0 : i32
          %dma_start3A_989 = tpu.memref_slice %arg26[%mul3A_974, %dma_start3A_988] : memref<10008x128xf32, #tpu.memory_space<vmem_shared>> -> memref<80x128xf32, #tpu.memory_space<vmem_shared>>
          %dma_start3A_990 = arith.constant 0 : i32
          %dma_start3A_991 = arith.constant 0 : i32
          %dma_start3A_992 = tpu.memref_slice %arg21[%dma_start3A_990, %dma_start3A_991] : memref<80x128xf32, #tpu.memory_space<vmem>> -> memref<80x128xf32, #tpu.memory_space<vmem>>
          %dma_start3A_993 = arith.constant 0 : i32
          %dma_start3A_994 = tpu.memref_slice %arg26[%mul3A_974, %dma_start3A_993] : memref<10008x128xf32, #tpu.memory_space<vmem_shared>> -> memref<80x128xf32, #tpu.memory_space<vmem_shared>>
          tpu.enqueue_dma source(%dma_start3A_994 : memref<80x128xf32, #tpu.memory_space<vmem_shared>>) target(%dma_start3A_992 : memref<80x128xf32, #tpu.memory_space<vmem>>) target_semaphore(%run_scoped3A : memref<!tpu.dma_semaphore, #tpu.memory_space<semaphore_mem>>)
          %dma_wait3A_995 = arith.constant 0 : i32
          %dma_wait3A_996 = arith.constant 0 : i32
          %dma_wait3A_997 = tpu.memref_slice %arg21[%dma_wait3A_995, %dma_wait3A_996] : memref<80x128xf32, #tpu.memory_space<vmem>> -> memref<80x128xf32, #tpu.memory_space<vmem>>
          %dma_wait3A_998 = arith.constant 0 : i32
          %dma_wait3A_999 = tpu.memref_slice %arg26[%mul3A_974, %dma_wait3A_998] : memref<10008x128xf32, #tpu.memory_space<vmem_shared>> -> memref<80x128xf32, #tpu.memory_space<vmem_shared>>
          %dma_wait3A_1000 = arith.constant 0 : i32
          %dma_wait3A_1001 = arith.constant 0 : i32
          %dma_wait3A_1002 = tpu.memref_slice %arg21[%dma_wait3A_1000, %dma_wait3A_1001] : memref<80x128xf32, #tpu.memory_space<vmem>> -> memref<80x128xf32, #tpu.memory_space<vmem>>
          %dma_wait3A_1003 = arith.constant 0 : i32
          %dma_wait3A_1004 = tpu.memref_slice %arg26[%mul3A_974, %dma_wait3A_1003] : memref<10008x128xf32, #tpu.memory_space<vmem_shared>> -> memref<80x128xf32, #tpu.memory_space<vmem_shared>>
          tpu.wait_dma2 semaphore(%run_scoped3A : memref<!tpu.dma_semaphore, #tpu.memory_space<semaphore_mem>>) src(%dma_wait3A_1004 : memref<80x128xf32, #tpu.memory_space<vmem_shared>>) dst(%dma_wait3A_1002 : memref<80x128xf32, #tpu.memory_space<vmem>>)
          tpu.yield
        }) : () -> ()
        "tpu.region"() ({
          %run_scoped3A = tpu.sem_alloc : memref<!tpu.dma_semaphore, #tpu.memory_space<semaphore_mem>>
          %dma_start3A_985 = arith.constant 0 : i32
          %dma_start3A_986 = tpu.memref_slice %arg27[%mul3A_974, %dma_start3A_985] : memref<10008x16xf32, #tpu.memory_space<vmem_shared>> -> memref<80x16xf32, #tpu.memory_space<vmem_shared>>
          %dma_start3A_987 = arith.constant 0 : i32
          %dma_start3A_988 = tpu.memref_slice %arg27[%mul3A_974, %dma_start3A_987] : memref<10008x16xf32, #tpu.memory_space<vmem_shared>> -> memref<80x16xf32, #tpu.memory_space<vmem_shared>>
          tpu.enqueue_dma source(%dma_start3A_988 : memref<80x16xf32, #tpu.memory_space<vmem_shared>>) target(%arg25 : memref<80x16xf32, #tpu.memory_space<vmem>>) target_semaphore(%run_scoped3A : memref<!tpu.dma_semaphore, #tpu.memory_space<semaphore_mem>>)
          %dma_wait3A_989 = arith.constant 0 : i32
          %dma_wait3A_990 = tpu.memref_slice %arg27[%mul3A_974, %dma_wait3A_989] : memref<10008x16xf32, #tpu.memory_space<vmem_shared>> -> memref<80x16xf32, #tpu.memory_space<vmem_shared>>
          %dma_wait3A_991 = arith.constant 0 : i32
          %dma_wait3A_992 = tpu.memref_slice %arg27[%mul3A_974, %dma_wait3A_991] : memref<10008x16xf32, #tpu.memory_space<vmem_shared>> -> memref<80x16xf32, #tpu.memory_space<vmem_shared>>
          tpu.wait_dma2 semaphore(%run_scoped3A : memref<!tpu.dma_semaphore, #tpu.memory_space<semaphore_mem>>) src(%dma_wait3A_992 : memref<80x16xf32, #tpu.memory_space<vmem_shared>>) dst(%arg25 : memref<80x16xf32, #tpu.memory_space<vmem>>)
          tpu.yield
        }) : () -> ()
        %eq3A_975 = arith.constant 0 : i32
        %eq3A_976 = arith.cmpi eq, %arg0, %eq3A_975 : i32
        %convert_element_type3A_977 = arith.extui %eq3A_976 : i1 to i32
        %cond3A_978 = arith.constant 0 : i32
        %cond3A_979 = arith.cmpi ne, %convert_element_type3A_977, %cond3A_978 : i32
        scf.if %cond3A_979 {
          "tpu.region"() ({
            %run_scoped3A = tpu.sem_alloc : memref<!tpu.dma_semaphore, #tpu.memory_space<semaphore_mem>>
            %dma_start3A_985 = arith.constant 0 : i32
            %dma_start3A_986 = arith.constant 0 : i32
            %dma_start3A_987 = tpu.memref_slice %arg21[%dma_start3A_985, %dma_start3A_986] : memref<80x128xf32, #tpu.memory_space<vmem>> -> memref<80x128xf32, #tpu.memory_space<vmem>>
            %dma_start3A_988 = arith.constant 0 : i32
            %dma_start3A_989 = tpu.memref_slice %arg5[%mul3A_974, %dma_start3A_988] : memref<10000x128xf32, #tpu.memory_space<hbm>> -> memref<80x128xf32, #tpu.memory_space<hbm>>
            %dma_start3A_990 = arith.constant 0 : i32
            %dma_start3A_991 = tpu.memref_slice %arg5[%mul3A_974, %dma_start3A_990] : memref<10000x128xf32, #tpu.memory_space<hbm>> -> memref<80x128xf32, #tpu.memory_space<hbm>>
            %dma_start3A_992 = arith.constant 0 : i32
            %dma_start3A_993 = arith.constant 0 : i32
            %dma_start3A_994 = tpu.memref_slice %arg21[%dma_start3A_992, %dma_start3A_993] : memref<80x128xf32, #tpu.memory_space<vmem>> -> memref<80x128xf32, #tpu.memory_space<vmem>>
            tpu.enqueue_dma source(%dma_start3A_994 : memref<80x128xf32, #tpu.memory_space<vmem>>) target(%dma_start3A_991 : memref<80x128xf32, #tpu.memory_space<hbm>>) target_semaphore(%run_scoped3A : memref<!tpu.dma_semaphore, #tpu.memory_space<semaphore_mem>>)
            %dma_wait3A_995 = arith.constant 0 : i32
            %dma_wait3A_996 = arith.constant 0 : i32
            %dma_wait3A_997 = tpu.memref_slice %arg21[%dma_wait3A_995, %dma_wait3A_996] : memref<80x128xf32, #tpu.memory_space<vmem>> -> memref<80x128xf32, #tpu.memory_space<vmem>>
            %dma_wait3A_998 = arith.constant 0 : i32
            %dma_wait3A_999 = tpu.memref_slice %arg5[%mul3A_974, %dma_wait3A_998] : memref<10000x128xf32, #tpu.memory_space<hbm>> -> memref<80x128xf32, #tpu.memory_space<hbm>>
            %dma_wait3A_1000 = arith.constant 0 : i32
            %dma_wait3A_1001 = tpu.memref_slice %arg5[%mul3A_974, %dma_wait3A_1000] : memref<10000x128xf32, #tpu.memory_space<hbm>> -> memref<80x128xf32, #tpu.memory_space<hbm>>
            %dma_wait3A_1002 = arith.constant 0 : i32
            %dma_wait3A_1003 = arith.constant 0 : i32
            %dma_wait3A_1004 = tpu.memref_slice %arg21[%dma_wait3A_1002, %dma_wait3A_1003] : memref<80x128xf32, #tpu.memory_space<vmem>> -> memref<80x128xf32, #tpu.memory_space<vmem>>
            tpu.wait_dma2 semaphore(%run_scoped3A : memref<!tpu.dma_semaphore, #tpu.memory_space<semaphore_mem>>) src(%dma_wait3A_1004 : memref<80x128xf32, #tpu.memory_space<vmem>>) dst(%dma_wait3A_1001 : memref<80x128xf32, #tpu.memory_space<hbm>>)
            tpu.yield
          }) : () -> ()
          "tpu.region"() ({
            %run_scoped3A = tpu.sem_alloc : memref<!tpu.dma_semaphore, #tpu.memory_space<semaphore_mem>>
            %dma_start3A_985 = arith.constant 0 : i32
            %dma_start3A_986 = tpu.memref_slice %arg7[%mul3A_974, %dma_start3A_985] : memref<10000x16xf32, #tpu.memory_space<hbm>> -> memref<80x16xf32, #tpu.memory_space<hbm>>
            %dma_start3A_987 = arith.constant 0 : i32
            %dma_start3A_988 = tpu.memref_slice %arg7[%mul3A_974, %dma_start3A_987] : memref<10000x16xf32, #tpu.memory_space<hbm>> -> memref<80x16xf32, #tpu.memory_space<hbm>>
            tpu.enqueue_dma source(%arg25 : memref<80x16xf32, #tpu.memory_space<vmem>>) target(%dma_start3A_988 : memref<80x16xf32, #tpu.memory_space<hbm>>) target_semaphore(%run_scoped3A : memref<!tpu.dma_semaphore, #tpu.memory_space<semaphore_mem>>)
            %dma_wait3A_989 = arith.constant 0 : i32
            %dma_wait3A_990 = tpu.memref_slice %arg7[%mul3A_974, %dma_wait3A_989] : memref<10000x16xf32, #tpu.memory_space<hbm>> -> memref<80x16xf32, #tpu.memory_space<hbm>>
            %dma_wait3A_991 = arith.constant 0 : i32
            %dma_wait3A_992 = tpu.memref_slice %arg7[%mul3A_974, %dma_wait3A_991] : memref<10000x16xf32, #tpu.memory_space<hbm>> -> memref<80x16xf32, #tpu.memory_space<hbm>>
            tpu.wait_dma2 semaphore(%run_scoped3A : memref<!tpu.dma_semaphore, #tpu.memory_space<semaphore_mem>>) src(%arg25 : memref<80x16xf32, #tpu.memory_space<vmem>>) dst(%dma_wait3A_992 : memref<80x16xf32, #tpu.memory_space<hbm>>)
            tpu.yield
          }) : () -> ()
        } else {
        }
        %eq3A_980 = arith.constant 1 : i32
        %eq3A_981 = arith.cmpi eq, %arg0, %eq3A_980 : i32
        %convert_element_type3A_982 = arith.extui %eq3A_981 : i1 to i32
        %cond3A_983 = arith.constant 0 : i32
        %cond3A_984 = arith.cmpi ne, %convert_element_type3A_982, %cond3A_983 : i32
        scf.if %cond3A_984 {
          "tpu.region"() ({
            %run_scoped3A = tpu.sem_alloc : memref<!tpu.dma_semaphore, #tpu.memory_space<semaphore_mem>>
            %dma_start3A_985 = arith.constant 0 : i32
            %dma_start3A_986 = arith.constant 0 : i32
            %dma_start3A_987 = tpu.memref_slice %arg21[%dma_start3A_985, %dma_start3A_986] : memref<80x128xf32, #tpu.memory_space<vmem>> -> memref<80x128xf32, #tpu.memory_space<vmem>>
            %dma_start3A_988 = arith.constant 0 : i32
            %dma_start3A_989 = tpu.memref_slice %arg6[%mul3A_974, %dma_start3A_988] : memref<10000x128xf32, #tpu.memory_space<hbm>> -> memref<80x128xf32, #tpu.memory_space<hbm>>
            %dma_start3A_990 = arith.constant 0 : i32
            %dma_start3A_991 = tpu.memref_slice %arg6[%mul3A_974, %dma_start3A_990] : memref<10000x128xf32, #tpu.memory_space<hbm>> -> memref<80x128xf32, #tpu.memory_space<hbm>>
            %dma_start3A_992 = arith.constant 0 : i32
            %dma_start3A_993 = arith.constant 0 : i32
            %dma_start3A_994 = tpu.memref_slice %arg21[%dma_start3A_992, %dma_start3A_993] : memref<80x128xf32, #tpu.memory_space<vmem>> -> memref<80x128xf32, #tpu.memory_space<vmem>>
            tpu.enqueue_dma source(%dma_start3A_994 : memref<80x128xf32, #tpu.memory_space<vmem>>) target(%dma_start3A_991 : memref<80x128xf32, #tpu.memory_space<hbm>>) target_semaphore(%run_scoped3A : memref<!tpu.dma_semaphore, #tpu.memory_space<semaphore_mem>>)
            %dma_wait3A_995 = arith.constant 0 : i32
            %dma_wait3A_996 = arith.constant 0 : i32
            %dma_wait3A_997 = tpu.memref_slice %arg21[%dma_wait3A_995, %dma_wait3A_996] : memref<80x128xf32, #tpu.memory_space<vmem>> -> memref<80x128xf32, #tpu.memory_space<vmem>>
            %dma_wait3A_998 = arith.constant 0 : i32
            %dma_wait3A_999 = tpu.memref_slice %arg6[%mul3A_974, %dma_wait3A_998] : memref<10000x128xf32, #tpu.memory_space<hbm>> -> memref<80x128xf32, #tpu.memory_space<hbm>>
            %dma_wait3A_1000 = arith.constant 0 : i32
            %dma_wait3A_1001 = tpu.memref_slice %arg6[%mul3A_974, %dma_wait3A_1000] : memref<10000x128xf32, #tpu.memory_space<hbm>> -> memref<80x128xf32, #tpu.memory_space<hbm>>
            %dma_wait3A_1002 = arith.constant 0 : i32
            %dma_wait3A_1003 = arith.constant 0 : i32
            %dma_wait3A_1004 = tpu.memref_slice %arg21[%dma_wait3A_1002, %dma_wait3A_1003] : memref<80x128xf32, #tpu.memory_space<vmem>> -> memref<80x128xf32, #tpu.memory_space<vmem>>
            tpu.wait_dma2 semaphore(%run_scoped3A : memref<!tpu.dma_semaphore, #tpu.memory_space<semaphore_mem>>) src(%dma_wait3A_1004 : memref<80x128xf32, #tpu.memory_space<vmem>>) dst(%dma_wait3A_1001 : memref<80x128xf32, #tpu.memory_space<hbm>>)
            tpu.yield
          }) : () -> ()
          "tpu.region"() ({
            %run_scoped3A = tpu.sem_alloc : memref<!tpu.dma_semaphore, #tpu.memory_space<semaphore_mem>>
            %dma_start3A_985 = arith.constant 0 : i32
            %dma_start3A_986 = tpu.memref_slice %arg8[%mul3A_974, %dma_start3A_985] : memref<10000x16xf32, #tpu.memory_space<hbm>> -> memref<80x16xf32, #tpu.memory_space<hbm>>
            %dma_start3A_987 = arith.constant 0 : i32
            %dma_start3A_988 = tpu.memref_slice %arg8[%mul3A_974, %dma_start3A_987] : memref<10000x16xf32, #tpu.memory_space<hbm>> -> memref<80x16xf32, #tpu.memory_space<hbm>>
            tpu.enqueue_dma source(%arg25 : memref<80x16xf32, #tpu.memory_space<vmem>>) target(%dma_start3A_988 : memref<80x16xf32, #tpu.memory_space<hbm>>) target_semaphore(%run_scoped3A : memref<!tpu.dma_semaphore, #tpu.memory_space<semaphore_mem>>)
            %dma_wait3A_989 = arith.constant 0 : i32
            %dma_wait3A_990 = tpu.memref_slice %arg8[%mul3A_974, %dma_wait3A_989] : memref<10000x16xf32, #tpu.memory_space<hbm>> -> memref<80x16xf32, #tpu.memory_space<hbm>>
            %dma_wait3A_991 = arith.constant 0 : i32
            %dma_wait3A_992 = tpu.memref_slice %arg8[%mul3A_974, %dma_wait3A_991] : memref<10000x16xf32, #tpu.memory_space<hbm>> -> memref<80x16xf32, #tpu.memory_space<hbm>>
            tpu.wait_dma2 semaphore(%run_scoped3A : memref<!tpu.dma_semaphore, #tpu.memory_space<semaphore_mem>>) src(%arg25 : memref<80x16xf32, #tpu.memory_space<vmem>>) dst(%dma_wait3A_992 : memref<80x16xf32, #tpu.memory_space<hbm>>)
            tpu.yield
          }) : () -> ()
        } else {
        }
      } else {
      }
    }
    %scan3A_960 = arith.constant 8 : i32
    return
  }
}

module attributes {stable_mosaic.version = 14 : i64} {
  func.func @_mlp_body(%arg0: i32, %arg1: memref<1000x256xf32, #tpu.memory_space<vmem>>, %arg2: memref<1000x128xf32, #tpu.memory_space<vmem>>, %arg3: memref<1000x128xf32, #tpu.memory_space<vmem>>, %arg4: memref<1000x16xf32, #tpu.memory_space<vmem>>, %arg5: memref<1000x16xf32, #tpu.memory_space<vmem>>, %arg6: memref<256x256xf32, #tpu.memory_space<vmem>>, %arg7: memref<1x256xf32, #tpu.memory_space<vmem>>, %arg8: memref<256x256xf32, #tpu.memory_space<vmem>>, %arg9: memref<1x256xf32, #tpu.memory_space<vmem>>, %arg10: memref<1000x256xf32, #tpu.memory_space<vmem>>) attributes {dimension_semantics = [#tpu.dimension_semantics<arbitrary>], iteration_bounds = array<i64: 10>, scalar_prefetch = 0 : i64, scratch_operands = 0 : i64, tpu.core_type = #tpu.core_type<tc>, window_params = [{transform_indices = @transform_0, window_bounds = array<i64: 1000, 256>}, {transform_indices = @transform_1, window_bounds = array<i64: 1000, 128>}, {transform_indices = @transform_2, window_bounds = array<i64: 1000, 128>}, {transform_indices = @transform_3, window_bounds = array<i64: 1000, 16>}, {transform_indices = @transform_4, window_bounds = array<i64: 1000, 16>}, {pipeline_mode = #tpu.pipeline_mode<synchronous>, transform_indices = @transform_5, window_bounds = array<i64: 256, 256>}, {pipeline_mode = #tpu.pipeline_mode<synchronous>, transform_indices = @transform_6, window_bounds = array<i64: 1, 256>}, {pipeline_mode = #tpu.pipeline_mode<synchronous>, transform_indices = @transform_7, window_bounds = array<i64: 256, 256>}, {pipeline_mode = #tpu.pipeline_mode<synchronous>, transform_indices = @transform_8, window_bounds = array<i64: 1, 256>}, {transform_indices = @transform_9, window_bounds = array<i64: 1000, 256>}]} {
    %get3A = arith.constant 0 : index
    %get3A_0 = arith.constant 0 : index
    %get3A_1 = vector.load %arg4[%get3A, %get3A_0] : memref<1000x16xf32, #tpu.memory_space<vmem>>, vector<1000x1xf32>
    %get3A_2 = arith.constant 0 : index
    %get3A_3 = arith.constant 0 : index
    %get3A_4 = vector.load %arg5[%get3A_2, %get3A_3] : memref<1000x16xf32, #tpu.memory_space<vmem>>, vector<1000x1xf32>
    %add3A = arith.addf %get3A_1, %get3A_4 : vector<1000x1xf32>
    %max3A = arith.constant 1.000000e+00 : f32
    %max3A_5 = vector.broadcast %max3A : f32 to vector<1000x1xf32>
    %max3A_6 = arith.maximumf %add3A, %max3A_5 : vector<1000x1xf32>
    %div3A = arith.constant 1.000000e+00 : f32
    %div3A_7 = vector.broadcast %div3A : f32 to vector<1000x1xf32>
    %div3A_8 = arith.divf %div3A_7, %max3A_6 : vector<1000x1xf32>
    %get3A_9 = arith.constant 0 : index
    %get3A_10 = arith.constant 0 : index
    %get3A_11 = vector.load %arg2[%get3A_9, %get3A_10] : memref<1000x128xf32, #tpu.memory_space<vmem>>, vector<1000x128xf32>
    %get3A_12 = arith.constant 0 : index
    %get3A_13 = arith.constant 0 : index
    %get3A_14 = vector.load %arg3[%get3A_12, %get3A_13] : memref<1000x128xf32, #tpu.memory_space<vmem>>, vector<1000x128xf32>
    %concatenate3A = tpu.concatenate %get3A_11, %get3A_14 in 1 : vector<1000x128xf32>, vector<1000x128xf32> -> vector<1000x256xf32>
    %mul3A = vector.broadcast %div3A_8 : vector<1000x1xf32> to vector<1000x256xf32>
    %mul3A_15 = arith.mulf %concatenate3A, %mul3A : vector<1000x256xf32>
    %get3A_16 = arith.constant 0 : index
    %get3A_17 = arith.constant 0 : index
    %get3A_18 = vector.load %arg1[%get3A_16, %get3A_17] : memref<1000x256xf32, #tpu.memory_space<vmem>>, vector<1000x256xf32>
    %add3A_19 = arith.addf %get3A_18, %mul3A_15 : vector<1000x256xf32>
    %get3A_20 = arith.constant 0 : index
    %get3A_21 = arith.constant 0 : index
    %get3A_22 = vector.load %arg6[%get3A_20, %get3A_21] : memref<256x256xf32, #tpu.memory_space<vmem>>, vector<256x256xf32>
    %dot_general3A = arith.constant dense<0.000000e+00> : vector<1000x256xf32>
    %dot_general3A_23 = tpu.matmul %add3A_19, %get3A_22, %dot_general3A {dimension_numbers = #tpu.dot_dimension_numbers<[1], [0], [0], [1], [0, 0, 1, 1], [], []>, transpose_lhs_hint = false} : vector<1000x256xf32>, vector<256x256xf32>, vector<1000x256xf32> -> vector<1000x256xf32>
    %get3A_24 = arith.constant 0 : index
    %get3A_25 = arith.constant 0 : index
    %get3A_26 = vector.load %arg7[%get3A_24, %get3A_25] : memref<1x256xf32, #tpu.memory_space<vmem>>, vector<1x256xf32>
    %add3A_27 = vector.broadcast %get3A_26 : vector<1x256xf32> to vector<1000x256xf32>
    %add3A_28 = arith.addf %dot_general3A_23, %add3A_27 : vector<1000x256xf32>
    %ge3A = arith.constant 0.000000e+00 : f32
    %ge3A_29 = vector.broadcast %ge3A : f32 to vector<1000x256xf32>
    %ge3A_30 = arith.cmpf oge, %add3A_28, %ge3A_29 : vector<1000x256xf32>
    %mul3A_31 = arith.constant 0.00999999977 : f32
    %mul3A_32 = vector.broadcast %mul3A_31 : f32 to vector<1000x256xf32>
    %mul3A_33 = arith.mulf %mul3A_32, %add3A_28 : vector<1000x256xf32>
    %select_n3A = arith.select %ge3A_30, %add3A_28, %mul3A_33 : vector<1000x256xi1>, vector<1000x256xf32>
    %get3A_34 = arith.constant 0 : index
    %get3A_35 = arith.constant 0 : index
    %get3A_36 = vector.load %arg8[%get3A_34, %get3A_35] : memref<256x256xf32, #tpu.memory_space<vmem>>, vector<256x256xf32>
    %dot_general3A_37 = arith.constant dense<0.000000e+00> : vector<1000x256xf32>
    %dot_general3A_38 = tpu.matmul %select_n3A, %get3A_36, %dot_general3A_37 {dimension_numbers = #tpu.dot_dimension_numbers<[1], [0], [0], [1], [0, 0, 1, 1], [], []>, transpose_lhs_hint = false} : vector<1000x256xf32>, vector<256x256xf32>, vector<1000x256xf32> -> vector<1000x256xf32>
    %get3A_39 = arith.constant 0 : index
    %get3A_40 = arith.constant 0 : index
    %get3A_41 = vector.load %arg9[%get3A_39, %get3A_40] : memref<1x256xf32, #tpu.memory_space<vmem>>, vector<1x256xf32>
    %add3A_42 = vector.broadcast %get3A_41 : vector<1x256xf32> to vector<1000x256xf32>
    %add3A_43 = arith.addf %dot_general3A_38, %add3A_42 : vector<1000x256xf32>
    %ge3A_44 = arith.constant 0.000000e+00 : f32
    %ge3A_45 = vector.broadcast %ge3A_44 : f32 to vector<1000x256xf32>
    %ge3A_46 = arith.cmpf oge, %add3A_43, %ge3A_45 : vector<1000x256xf32>
    %mul3A_47 = arith.constant 0.00999999977 : f32
    %mul3A_48 = vector.broadcast %mul3A_47 : f32 to vector<1000x256xf32>
    %mul3A_49 = arith.mulf %mul3A_48, %add3A_43 : vector<1000x256xf32>
    %select_n3A_50 = arith.select %ge3A_46, %add3A_43, %mul3A_49 : vector<1000x256xi1>, vector<1000x256xf32>
    %swap3A = arith.constant 0 : index
    %swap3A_51 = arith.constant 0 : index
    %swap3A_52 = vector.load %arg10[%swap3A, %swap3A_51] : memref<1000x256xf32, #tpu.memory_space<vmem>>, vector<1000x256xf32>
    tpu.vector_store %arg10[%swap3A, %swap3A_51], %select_n3A_50 {strides = array<i32>} : memref<1000x256xf32, #tpu.memory_space<vmem>>, vector<1000x256xf32>,
    return
  }
  func.func @transform_0(%arg0: i32) -> (i32, i32) {
    %c0_i32 = arith.constant 0 : i32
    %c0_i32_0 = arith.constant 0 : i32
    return %arg0, %c0_i32 : i32, i32
  }
  func.func @transform_1(%arg0: i32) -> (i32, i32) {
    %c0_i32 = arith.constant 0 : i32
    %c0_i32_0 = arith.constant 0 : i32
    return %arg0, %c0_i32 : i32, i32
  }
  func.func @transform_2(%arg0: i32) -> (i32, i32) {
    %c0_i32 = arith.constant 0 : i32
    %c0_i32_0 = arith.constant 0 : i32
    return %arg0, %c0_i32 : i32, i32
  }
  func.func @transform_3(%arg0: i32) -> (i32, i32) {
    %c0_i32 = arith.constant 0 : i32
    %c0_i32_0 = arith.constant 0 : i32
    return %arg0, %c0_i32 : i32, i32
  }
  func.func @transform_4(%arg0: i32) -> (i32, i32) {
    %c0_i32 = arith.constant 0 : i32
    %c0_i32_0 = arith.constant 0 : i32
    return %arg0, %c0_i32 : i32, i32
  }
  func.func @transform_5(%arg0: i32) -> (i32, i32) {
    %c0_i32 = arith.constant 0 : i32
    %c0_i32_0 = arith.constant 0 : i32
    %c0_i32_1 = arith.constant 0 : i32
    return %c0_i32, %c0_i32_0 : i32, i32
  }
  func.func @transform_6(%arg0: i32) -> (i32, i32) {
    %c0_i32 = arith.constant 0 : i32
    %c0_i32_0 = arith.constant 0 : i32
    %c0_i32_1 = arith.constant 0 : i32
    return %c0_i32, %c0_i32_0 : i32, i32
  }
  func.func @transform_7(%arg0: i32) -> (i32, i32) {
    %c0_i32 = arith.constant 0 : i32
    %c0_i32_0 = arith.constant 0 : i32
    %c0_i32_1 = arith.constant 0 : i32
    return %c0_i32, %c0_i32_0 : i32, i32
  }
  func.func @transform_8(%arg0: i32) -> (i32, i32) {
    %c0_i32 = arith.constant 0 : i32
    %c0_i32_0 = arith.constant 0 : i32
    %c0_i32_1 = arith.constant 0 : i32
    return %c0_i32, %c0_i32_0 : i32, i32
  }
  func.func @transform_9(%arg0: i32) -> (i32, i32) {
    %c0_i32 = arith.constant 0 : i32
    %c0_i32_0 = arith.constant 0 : i32
    return %arg0, %c0_i32 : i32, i32
  }
}

</mosaic_0001>

<sc_bundles>
// kernel: kernel.4.cloned.1.call-start
scs
__scs_entry_jumppad:
0x0: {  	(pc) =	sbr.rel $0x88, $3  }
0x1: {  	(tag) =	ssettag $0x0;
	lr =	simm.s32 $0x1  }
0x2: {  	[smem:$0x3F9B] =	sst lr;
	_ =	strace $0xD0000000  }
0x3: {  	_ = 	snop  }
0x4: {  	_ = 	snop  }
0x5: {  	_ = 	snop  }
0x6: {  	_ = 	snop  }
0x7: {  	_ = 	snop  }
__scs_overlays_trampoline_lowered:
0x8: {  	[smem:$0x3FAA] =	sst s0  }
0x9: {  	[smem:$0x3FAB] =	sst s1  }
0xa: {  	[smem:$0x3FAC] =	sst s2  }
0xb: {  	[smem:$0x3FAD] =	sst s3  }
0xc: {  	[smem:$0x3FAE] =	sst s4  }
0xd: {  	[smem:$0x3FAF] =	sst s5  }
0xe: {  	[smem:$0x3FB0] =	sst s6  }
0xf: {  	[smem:$0x3FB1] =	sst s7  }
0x10: {  	[smem:$0x3FB2] =	sst s8  }
0x11: {  	[smem:$0x3FB3] =	sst s9;
	s0 =	simm.s32 @!p0 $0x0  }
0x12: {  	s1 =	sld [smem:$0x3F99];
	s0 =	simm.s32 @p0 $0x1  }
0x13: {  	[smem:$0x3FB4] =	sst s0;
	s0 =	simm.s32 @!p1 $0x0  }
0x14: {  	s2 =	sld [smem:$0x3F98];
	s0 =	simm.s32 @p1 $0x1  }
0x15: {  	[smem:$0x3FB5] =	sst s0;
	s0 =	simm.s32 @!p2 $0x0  }
0x16: {  	s3 =	sld [smem:$0x3FDB];
	s0 =	simm.s32 @p2 $0x1  }
0x17: {  	s4 =	simm.s32 $0x1BF5;
	[smem:$0x3FB7] =	sst s0  }
0x18: {  	s0 =	sld [smem:$0x3F9A];
	_ =	swait.ge [sflag:s4], $0x0  }
0x19: {  	s7 =	sld [smem:$0x3F9B]  }
0x1a: {  	s8 =	sadd.s32 $0xFFFFE003, lr  }
0x1b: {  	s9 =	sadd.s32 $0xFFFFFEF7, lr;
	s5 =	simm.s32 $0xFFFFFFFF;
	p2 =	slt.u32 s8, $0xFFFFF086  }
0x1c: {  	p1 =	slt.u32 s9, $0xF7A;
	s5 =	simm.s32 @!p2 $0x0  }
0x1d: {  	s5 =	simm.s32 @p1 $0x1;
	p0 =	seq.s32 s7, s2  }
0x1e: {  	s7 =	smul.u32 @!p0 $0xF7A, s2;
	p2 =	seq.s32 @!p0 s5, $0x0  }
0x1f: {  	s9 =	smul.u32 $0xF7A, s1;
	s8 =	simm.s32 @!p0 $0x1BF5;
	p2 =	por !p2, p0  }
0x20: {  	[sflag:s8] =	ssyncset.s32 @!p0 $0xFFFFF086;
	s6 =	sadd.s32 @!p0 s3, s7;
	s7 =	simm.s32 @!p0 $0x108  }
0x21: {  	s3 =	sadd.s32 s3, s9;
	s6 =	sadd.s32 @!p0 $0x88, s6;
	s7 =	simm.s32 @p2 $0x1082  }
0x22: {  	[simem:s7], [sflag:s8] =	dma.local @!p0 [hbm:s6], $0xF7A  }
0x23: {  	s9 =	sor.u32 $0xD0000000, s2;
	s6 =	simm.s32 $0x108;
	_ =	swait.ge @!p0 [sflag:s8], $0x0  }
0x24: {  	s3 =	sadd.s32 $0x88, s3;
	s6 =	simm.s32 @!p1 $0x1082;
	[sflag:s4] =	ssyncset.s32 $0xFFFFF086  }
0x25: {  	[simem:s6], [sflag:s4] =	dma.local [hbm:s3], $0xF7A  }
0x26: {  	[smem:$0x3F9B] =	sst s1;
	(tag) =	ssettag s2;
	_ =	strace s9  }
0x27: {  	s1 =	sld [smem:$0x3FAB]  }
0x28: {  	s2 =	sld [smem:$0x3FAC]  }
0x29: {  	s4 =	sld [smem:$0x3FAE]  }
0x2a: {  	p0 =	seq.s32 s5, $0x0;
	s5 =	sld [smem:$0x3FAF]  }
0x2b: {  	s6 =	sld [smem:$0x3FB0]  }
0x2c: {  	s7 =	sld [smem:$0x3FB1]  }
0x2d: {  	s3 =	simm.s32 $0x108;
	s8 =	sld [smem:$0x3FB2]  }
0x2e: {  	s3 =	simm.s32 @!p0 $0x1082;
	s9 =	sld [smem:$0x3FB3]  }
0x2f: {  	lr =	sadd.s32 s0, s3;
	s0 =	sld [smem:$0x3FAA]  }
0x30: {  	s3 =	sld [smem:$0x3FAD]  }
0x31: {  	[smem:$0x3FB6] =	sst s10  }
0x32: {  	s10 =	sld [smem:$0x3FB4];
	_ =	sdelay $0x3  }
0x33: {  	p0 =	seq.s32 s10, $0x1;
	s10 =	sld [smem:$0x3FB6];
	_ =	sdelay $0x3  }
0x34: {  	[smem:$0x3FB6] =	sst s10  }
0x35: {  	s10 =	sld [smem:$0x3FB5];
	_ =	sdelay $0x3  }
0x36: {  	p1 =	seq.s32 s10, $0x1;
	s10 =	sld [smem:$0x3FB6];
	_ =	sdelay $0x3  }
0x37: {  	[smem:$0x3FB6] =	sst s10  }
0x38: {  	s10 =	sld [smem:$0x3FB7]  }
0x39: {  	_ = 	snop;
	(pc) =	sbr.ind lr, $3  }
0x3a: {  	_ = 	snop  }
0x3b: {  	_ = 	snop  }
0x3c: {  	p2 =	seq.s32 s10, $0x1;
	s10 =	sld [smem:$0x3FB6]  }
0x3d: {  	_ =	shalt  }
0x3e: {  	_ =	shalt  }
0x3f: {  	_ =	shalt  }
0x40: {  	_ =	shalt  }
0x41: {  	_ =	shalt  }
0x42: {  	_ =	shalt  }
0x43: {  	_ =	shalt  }
0x44: {  	_ =	shalt  }
0x45: {  	_ =	shalt  }
0x46: {  	_ =	shalt  }
0x47: {  	_ =	shalt  }
0x48: {  	_ =	shalt  }
0x49: {  	_ =	shalt  }
0x4a: {  	_ =	shalt  }
0x4b: {  	_ =	shalt  }
0x4c: {  	_ =	shalt  }
0x4d: {  	_ =	shalt  }
0x4e: {  	_ =	shalt  }
0x4f: {  	_ =	shalt  }
0x50: {  	_ =	shalt  }
0x51: {  	_ =	shalt  }
0x52: {  	_ =	shalt  }
0x53: {  	_ =	shalt  }
0x54: {  	_ =	shalt  }
0x55: {  	_ =	shalt  }
0x56: {  	_ =	shalt  }
0x57: {  	_ =	shalt  }
0x58: {  	_ =	shalt  }
0x59: {  	_ =	shalt  }
0x5a: {  	_ =	shalt  }
0x5b: {  	_ =	shalt  }
0x5c: {  	_ =	shalt  }
0x5d: {  	_ =	shalt  }
0x5e: {  	_ =	shalt  }
0x5f: {  	_ =	shalt  }
0x60: {  	_ =	shalt  }
0x61: {  	_ =	shalt  }
0x62: {  	_ =	shalt  }
0x63: {  	_ =	shalt  }
0x64: {  	_ =	shalt  }
0x65: {  	_ =	shalt  }
0x66: {  	_ =	shalt  }
0x67: {  	_ =	shalt  }
0x68: {  	_ =	shalt  }
0x69: {  	_ =	shalt  }
0x6a: {  	_ =	shalt  }
0x6b: {  	_ =	shalt  }
0x6c: {  	_ =	shalt  }
0x6d: {  	_ =	shalt  }
0x6e: {  	_ =	shalt  }
0x6f: {  	_ =	shalt  }
0x70: {  	_ =	shalt  }
0x71: {  	_ =	shalt  }
0x72: {  	_ =	shalt  }
0x73: {  	_ =	shalt  }
0x74: {  	_ =	shalt  }
0x75: {  	_ =	shalt  }
0x76: {  	_ =	shalt  }
0x77: {  	_ =	shalt  }
0x78: {  	_ =	shalt  }
0x79: {  	_ =	shalt  }
0x7a: {  	_ =	shalt  }
0x7b: {  	_ =	shalt  }
0x7c: {  	_ =	shalt  }
0x7d: {  	_ =	shalt  }
0x7e: {  	_ =	shalt  }
0x7f: {  	_ =	shalt  }
0x80: {  	_ =	shalt  }
0x81: {  	_ =	shalt  }
0x82: {  	_ =	shalt  }
0x83: {  	_ =	shalt  }
0x84: {  	_ =	shalt  }
0x85: {  	_ =	shalt  }
0x86: {  	_ =	shalt  }
0x87: {  	_ =	shalt  }
.Lfunc_end0:
.L_simem_size_0:
called_computation_lowered:
.L_overlay_start_0:
0x88: {  	s2 =	sld [smem:$0x3FD9]  }
0x89: {  	s3 =	sld [smem:$0x3FFE];
	_ =	sdelay $0x1  }
0x8a: {  	s1 =	srdreg.scid  }
0x8b: {  	s0 =	sand.u32 $0x1, s1  }
0x8c: {  	s17 =	sshll.u32 s0, $0xA;
	s2 =	sadd.s32 s3, s2  }
0x8d: {  	s2 =	sadd.s32 s2, s17  }
0x8e: {  	[smem:$0x3FC2] =	sst s2  }
0x8f: {  	_ = 	snop  }
0x90: {  	s2 =	sld [smem:$0x3FD0];
	(tm) =	ssettm $0x1  }
0x91: {  	s18 =	sld [smem:$0x3FFB];
	_ =	sdelay $0x3  }
0x92: {  	_ =	strace s18  }
0x93: {  	s3 =	sld [smem:$0x3FFC];
	_ =	sdelay $0x3  }
0x94: {  	_ =	strace s3  }
0x95: {  	s3 =	sld [smem:$0x3FFD];
	_ =	sdelay $0x3  }
0x96: {  	_ =	strace s3  }
0x97: {  	_ =	strace $0x8FFFFFFF  }
0x98: {  	s19 =	sld [smem:$0x3FDB];
	_ =	sdelay $0x1  }
0x99: {  	s4 =	simm.s32 $_scs_section_size  }
0x9a: {  	s5 =	simm.s32 $_size__tile_overlayer_lowered;
	s6 =	simm.s32 $_tile_overlayer_lowered  }
0x9b: {  	s22 =	simm.s32 $0x1BFF;
	s21 =	sshll.u32 s6, $0x1;
	s3 =	sadd.s32 s4, s19  }
0x9c: {  	s7 =	simm.s32 $0x0;
	s20 =	sshll.u32 s5, $0x1;
	s5 =	sadd.s32 s21, s3  }
0x9d: {  	[timem:s7], [sflag:s22] =	dma.local [hbm:s5], s20  }
0x9e: {  	_ =	swait.ge [sflag:s22], s20  }
0x9f: {  	s4 =	ssub.s32 $0x0, s20;
	[sflag:s22] =	ssyncset.done $0x0  }
0xa0: {  	[sflag:s22] =	ssyncadd.s32 s4;
	_ =	sdelay $0x1  }
0xa1: {  	s23 =	simm.s32 $0x1B8B  }
0xa2: {  	_ =	swait.ge [sflag:s23], $0x1  }
0xa3: {  	[sflag:s23] =	ssyncset.done $0x0  }
0xa4: {  	s25 =	simm.s32 $0x1B8E;
	s24 =	sld [smem:$0x3FFE];
	[sflag:s23] =	ssyncadd.s32 $0xFFFFFFFF  }
0xa5: {  	s26 =	simm.s32 $execute0_lowered;
	[smem:$0x3FD2] =	sst s25  }
0xa6: {  	s5 =	sshll.u32 s26, $0x1;
	_ =	strace $0x80000046;
	[dreg:$0x1] =	wrdreg $0xFFFFFFFF  }
0xa7: {  	s28 =	simm.s32 $_size_execute0_lowered;
	s3 =	sadd.s32 s3, s5;
	[dreg:$0x0] =	wrdreg $0x0  }
0xa8: {  	s5 =	sshll.u32 s28, $0x1;
	[dreg:$0x2] =	wrdreg s3  }
0xa9: {  	[dreg:$0x3] =	wrdreg s5  }
0xaa: {  	[dreg:$0x4] =	wrdreg $0xC0  }
0xab: {  	_ =	task [dreg:s7], $0x5FFFF  }
0xac: {  	[dreg:$0x1] =	wrdreg $0xFFFFFFFF  }
0xad: {  	[dreg:$0x0] =	wrdreg $0x60  }
0xae: {  	[dreg:$0x2] =	wrdreg s2  }
0xaf: {  	[dreg:$0x3] =	wrdreg s24  }
0xb0: {  	[dreg:$0x4] =	wrdreg $0x85C00  }
0xb1: {  	[dreg:$0x5] =	wrdreg $0x1BE800  }
0xb2: {  	[dreg:$0x6] =	wrdreg $0x9  }
0xb3: {  	_ =	task.clear_ibuf [dreg:s7], $0x7FFFF;
	_ =	strace $0x90000046  }
0xb4: {  	s29 =	simm.s32 $0x9;
	_ =	strace $0x80000048  }
0xb5: {  	_ =	swait.ge [sflag:s29], $0x1  }
0xb6: {  	[sflag:s29] =	ssyncadd.s32 $0xFFFFFFFF  }
0xb7: {  	_ =	strace $0x90000048  }
0xb8: {  	_ =	sfence  }
0xb9: {  	s30 =	sld [smem:$0x0];
	_ =	sdelay $0x2  }
0xba: {  	s31 =	sshll.u32 s1, $0xD;
	s1 =	sshrl.u32 s1, $0x2  }
0xbb: {  	s3 =	sand.u32 $0x4000, s31;
	s1 =	sadd.s32 s1, s30  }
0xbc: {  	s0 =	sor.u32 s3, s0;
	s1 =	sshll.u32 s1, $0x11  }
0xbd: {  	s0 =	sor.u32 s1, s0  }
0xbe: {  	s0 =	sadd.s32 $0x8F2B, s0  }
0xbf: {  	[sflag:s0] =	ssyncadd.remote.s32 $0x1  }
0xc0: {  	_ =	sfence.sel $0xFFFF  }
0xc1: {  	[dreg:$0x0] =	wrdreg $0xFFFFFFFF;
	(pc) =	sbr.abs _section_cstart, $3  }
0xc2: {  	[dreg:$0x1] =	wrdreg $0xFFFFFFFF  }
0xc3: {  	_ =	task.clear_ibuf [dreg:s7], $0x2FFFF;
	_ =	strace $0x9FFFFFFF  }
0xc4: {  	(tm) =	ssettm $0x7FFFFFFF  }
0xc5: {  	_ =	shalt  }
tec
execute0_lowered:
.L_overlay_start_1:
0x0: {  	(tag) =	ssettag $0x1  }
0x1: {  	s21 =	rddreg [dreg:$0x0]  }
0x2: {  	s0 =	rddreg [dreg:$0x1]  }
0x3: {  	s2 =	rddreg [dreg:$0x2]  }
0x4: {  	s3 =	rddreg [dreg:$0x3];
	s4 =	simm.s32 $0x0  }
0x5: {  	s5 =	stileid.u32;
	s14 =	srdreg.scid;
	s29 =	simm.s32 $0x2D0  }
0x6: {  	s31 =	simm.s32 $0x280;
	s30 =	simm.s32 $0x53C0;
	[smem:$0x7FF] =	sst s4  }
0x7: {  	s28 =	sadd.s32 $0x5E00, s0;
	s1 =	sadd.s32 $0xE00, s0;
	s7 =	smul.u32 $0x7D, s5  }
0x8: {  	s12 =	sadd.s32 $0x14E00, s0;
	s13 =	sadd.s32 $0x3C000, s0;
	s11 =	smul.u32 $0x4E2, s5  }
0x9: {  	s15 =	sadd.s32 $0xAE00, s0;
	s9 =	sand.u32 $0x1, s14;
	s17 =	smul.u32 $0x2710, s5  }
0xa: {  	s0 =	sadd.s32 $0xFE00, s0;
	_ =	strace $0x80000047;
	[dreg:$0x7] =	wrdreg s1  }
0xb: {  	s10 =	ssub.s32 $0x2, s9;
	p0 =	seq.s32 s9, $0x1;
	[dreg:$0x6] =	wrdreg s28  }
0xc: {  	[smem:$0x7FD] =	sst s9;
	s16 =	sadd.s32 $0x1, s7;
	s18 =	sshrl.u32 s10, $0x1  }
0xd: {  	s6 =	sadd.s32 s28, s11;
	s17 =	sshrl.u32 s17, $0x3;
	s26 =	sadd.s32 $0x8, s7  }
0xe: {  	s12 =	smov.u32 @p0 s13;
	s19 =	smul.u32 $0xA, s16;
	[dreg:$0x9] =	wrdreg s6  }
0xf: {  	s6 =	sadd.s32 s1, s11;
	s20 =	sadd.s32 $0x14, s17;
	[dreg:$0x5] =	wrdreg s26  }
0x10: {  	s18 =	ssub.s32 s10, s18;
	s25 =	sadd.s32 s28, s20;
	[dreg:$0xa] =	wrdreg s6  }
0x11: {  	s10 =	sadd.s32 $0x1E, s17;
	s8 =	sadd.s32 s1, s20;
	[dreg:$0xd] =	wrdreg s25  }
0x12: {  	s26 =	sadd.s32 $0x28, s17;
	s22 =	sadd.s32 s28, s10;
	[dreg:$0xe] =	wrdreg s8  }
0x13: {  	s15 =	smov.u32 @p0 s0;
	s13 =	sadd.s32 s1, s26;
	[dreg:$0xf] =	wrdreg s22  }
0x14: {  	s14 =	sxor.u32 s14, s7;
	s23 =	sadd.s32 s28, s19;
	[dreg:$0x14] =	wrdreg s13  }
0x15: {  	s20 =	smul.u32 $0x500, s5;
	s24 =	sadd.s32 s1, s19;
	[dreg:$0xb] =	wrdreg s23  }
0x16: {  	s8 =	sadd.s32 s28, s26;
	s26 =	smax.u32 s18, $0x1;
	[dreg:$0xc] =	wrdreg s24  }
0x17: {  	s23 =	smul.u32 $0xA0, s5;
	s24 =	sadd.s32 s1, s10;
	[dreg:$0x13] =	wrdreg s8  }
0x18: {  	s25 =	sadd.s32 s20, s12;
	s10 =	sand.u32 $0x1, s16;
	[dreg:$0x17] =	wrdreg s26  }
0x19: {  	s16 =	sadd.s32 $0x32, s17;
	s12 =	sand.u32 $0x1, s14;
	[dreg:$0x10] =	wrdreg s24  }
0x1a: {  	s17 =	smul.u32 $0xA000, s5;
	[dreg:$0x11] =	wrdreg s25;
	p1 =	sne.s32 s10, s9  }
0x1b: {  	s19 =	sadd.s32 s28, s16;
	s20 =	sadd.s32 s1, s16;
	s24 =	sor.u32 $0x10, s5  }
0x1c: {  	s16 =	sor.u32 $0x30, s5;
	s0 =	sadd.s32 s23, s15;
	s23 =	smul.u32 $0x1400, s5  }
0x1d: {  	s28 =	simm.s32 $0x5;
	[dreg:$0x15] =	wrdreg s19;
	s1 =	smul.u32 $0xA000, s24  }
0x1e: {  	s15 =	sand.u32 $0x1, s7;
	[dreg:$0x16] =	wrdreg s20;
	s13 =	smul.u32 $0x1400, s24  }
0x1f: {  	s22 =	sshrl.u32 s17, $0x2;
	s17 =	smul.u32 $0xA000, s16;
	[dreg:$0x12] =	wrdreg s0  }
0x20: {  	s0 =	simm.s32 @!p1 $0x0;
	p3 =	sne.s32 s15, s9;
	p4 =	seq.s32 s15, s9  }
0x21: {  	s25 =	sadd.s32 s22, s2;
	s22 =	smul.u32 $0x1400, s16;
	s0 =	simm.s32 @p1 $0x1  }
0x22: {  	p1 =	seq.s32 s12, $0x0;
	s12 =	sshrl.u32 s23, $0x2;
	s13 =	sshrl.u32 s13, $0x2  }
0x23: {  	s20 =	sshrl.u32 s17, $0x2;
	s23 =	sor.u32 $0x40, s5;
	[dreg:$0x18] =	wrdreg s25  }
0x24: {  	s17 =	sor.u32 $0x60, s5;
	[smem:$0x7F2] =	sst s0;
	s8 =	simm.s32 @!p1 $0x0  }
0x25: {  	s10 =	sadd.s32 s12, s3;
	s0 =	sshrl.u32 s1, $0x2;
	s18 =	sadd.s32 s13, s3  }
0x26: {  	s24 =	sadd.s32 s20, s2;
	s26 =	smul.u32 $0xA000, s23;
	s1 =	sshrl.u32 s22, $0x2  }
0x27: {  	s20 =	smul.u32 $0x1400, s17;
	[dreg:$0x19] =	wrdreg s10;
	s10 =	sor.u32 $0x50, s5  }
0x28: {  	s22 =	sor.u32 $0x70, s5;
	s8 =	simm.s32 @p1 $0x1;
	s16 =	smul.u32 $0xA000, s10  }
0x29: {  	[smem:$0x7F3] =	sst s8;
	s8 =	sor.u32 $0x20, s5;
	s14 =	smul.u32 $0x1400, s10  }
0x2a: {  	s0 =	sadd.s32 s0, s2;
	[dreg:$0x1b] =	wrdreg s18;
	s11 =	smul.u32 $0xA000, s8  }
0x2b: {  	[dreg:$0x1e] =	wrdreg s24;
	p5 =	sgt.u32 s22, $0x7C;
	s15 =	smul.u32 $0x1400, s8  }
0x2c: {  	[dreg:$0x1a] =	wrdreg s0;
	s8 =	smul.u32 $0x1400, s23;
	s24 =	sshrl.u32 s14, $0x2  }
0x2d: {  	s14 =	smov.u32 s7;
	s12 =	sshrl.u32 s11, $0x2;
	s0 =	sshrl.u32 s15, $0x2  }
0x2e: {  	s15 =	sadd.s32 s1, s3;
	s13 =	sshrl.u32 s8, $0x2;
	s1 =	sadd.s32 s24, s3  }
0x2f: {  	s8 =	sshrl.u32 s20, $0x2;
	s20 =	simm.s32 $0x140;
	[dreg:$0x8] =	wrdreg s14  }
0x30: {  	s24 =	simm.s32 $0x230;
	s19 =	sadd.s32 s12, s2;
	[dreg:$0x1f] =	wrdreg s15  }
0x31: {  	s0 =	sadd.s32 s0, s3;
	s18 =	sadd.s32 s13, s3;
	[smem:$0x7F7] =	sst s1  }
0x32: {  	s12 =	sshrl.u32 s16, $0x2;
	s15 =	smul.u32 $0x1400, s22;
	[dreg:$0x1c] =	wrdreg s19  }
0x33: {  	s1 =	simm.s32 $0x3C0;
	s16 =	simm.s32 $0xF0;
	[dreg:$0x1d] =	wrdreg s0  }
0x34: {  	s0 =	sshrl.u32 s26, $0x2;
	[smem:$0x7F5] =	sst s18;
	s19 =	smul.u32 $0xA000, s17  }
0x35: {  	s23 =	sadd.s32 s12, s2;
	s26 =	smul.u32 $0xA000, s22;
	s17 =	simm.s32 $0x2  }
0x36: {  	s22 =	simm.s32 $0x4;
	s18 =	simm.s32 $0x3;
	s0 =	sadd.s32 s0, s2  }
0x37: {  	[smem:$0x7F6] =	sst s23;
	s11 =	sshrl.u32 s15, $0x2;
	s15 =	simm.s32 $0x1  }
0x38: {  	s23 =	simm.s32 $0x1E0;
	[smem:$0x7F4] =	sst s0;
	s0 =	sshrl.u32 s19, $0x2  }
0x39: {  	s10 =	sshrl.u32 s26, $0x2;
	s13 =	sadd.s32 s11, s3;
	s26 =	sadd.s32 $0xFFFFFFFF, s7  }
0x3a: {  	s7 =	simm.s32 $0xA0;
	s19 =	simm.s32 $0x320;
	[smem:$0x7FB] =	sst s13  }
0x3b: {  	s11 =	simm.s32 $0x0;
	s0 =	sadd.s32 s0, s2;
	[smem:$0x7FC] =	sst s26  }
0x3c: {  	s26 =	simm.s32 $0x5;
	[smem:$0x7F8] =	sst s0;
	s0 =	sadd.s32 s8, s3  }
0x3d: {  	s8 =	simm.s32 $0x190;
	[smem:$0x7F9] =	sst s0;
	s0 =	sadd.s32 s10, s2  }
0x3e: {  	v1 =	vimm.f32 $0.0e+00;
	v2 =	vimm.f32 $1.000000000e+00;
	v0 =	vmov s9;
	s10 =	simm.s32 $0x2BC0;
	[smem:$0x7FA] =	sst s0;
	s0 =	simm.s32 $0x50  }
.LBB2_1:
0x3f: {  	s12 =	simm.s32 $0x400  }
0x40: {  	[tilespmem:s12+$0x20] =	vst v1  }
0x41: {  	[tilespmem:s12+$0x10] =	vst v1  }
0x42: {  	[tilespmem:s12+$0x0] =	vst v1  }
0x43: {  	[tilespmem:s12+$0xFFFFFFF0] =	vst v1  }
0x44: {  	[tilespmem:s12+$0xFFFFFFE0] =	vst v1  }
0x45: {  	[tilespmem:s12+$0xFFFFFFD0] =	vst v1  }
0x46: {  	[tilespmem:s12+$0xFFFFFFC0] =	vst v1  }
0x47: {  	[smem:$0x7F1] =	sst s11;
	s14 =	simm.s32 $0x0;
	s13 =	simm.s32 $0x40;
	[tilespmem:s12+$0x30] =	vst v1  }
.LBB2_2:
0x48: {  	p1 =	sne.s32 s13, $0x13C0;
	[tilespmem:s14+$0x80C0] =	vst v1  }
0x49: {  	s12 =	sadd.s32 $0x80, s12;
	[tilespmem:s14+$0x7BC0] =	vst v2  }
0x4a: {  	[tilespmem:s12+$0x20] =	vst v1  }
0x4b: {  	[tilespmem:s12+$0x10] =	vst v1  }
0x4c: {  	[tilespmem:s12+$0x0] =	vst v1  }
.Ltmp0:
0x4d: {  	[tilespmem:s12+$0xFFFFFFF0] =	vst v1;
	(pc) =	sbr.rel @p1 .LBB2_2-.Ltmp0, $4  }
0x4e: {  	[tilespmem:s12+$0xFFFFFFE0] =	vst v1  }
0x4f: {  	[tilespmem:s12+$0xFFFFFFD0] =	vst v1  }
0x50: {  	[tilespmem:s12+$0xFFFFFFC0] =	vst v1  }
0x51: {  	s14 =	sshra.s32 s13, $0x2;
	s13 =	sadd.s32 $0x40, s13;
	[tilespmem:s12+$0x30] =	vst v1  }
0x52: {  	[tilespmem:s14+$0x80C0] =	vst v1  }
0x53: {  	[tilespmem:s14+$0x7BC0] =	vst v2;
	s12 =	simm.s32 $0xE  }
0x54: {  	[spmem:s25] =	stream.linear.scatter [tilespmem:s1], [sflag:$0xE], $0x2800, $0x38;
	[tilespmem:$0x1E598] =	vst v63  }
0x55: {  	_ =	swait.ge [sflag:s12], $0x2800  }
0x56: {  	s13 =	simm.s32 $0x80C0;
	[sflag:s12] =	ssyncset.done $0x0  }
0x57: {  	s14 =	simm.s32 $0xD;
	s11 =	rddreg [dreg:$0x19];
	[sflag:s12] =	ssyncadd.s32 $0xFFFFD800  }
0x58: {  	[spmem:s11] =	stream.linear.scatter [tilespmem:s13], [sflag:$0xD], $0x500, $0x38;
	[tilespmem:$0x1E598] =	vst v63  }
0x59: {  	_ =	swait.ge [sflag:s14], $0x500  }
0x5a: {  	[sflag:s14] =	ssyncset.done $0x0  }
0x5b: {  	s9 =	rddreg [dreg:$0x1a];
	[sflag:s14] =	ssyncadd.s32 $0xFFFFFB00  }
0x5c: {  	[spmem:s9] =	stream.linear.scatter [tilespmem:s1], [sflag:$0xE], $0x2800, $0x38;
	[tilespmem:$0x1E598] =	vst v63  }
0x5d: {  	_ =	swait.ge [sflag:s12], $0x2800  }
0x5e: {  	[sflag:s12] =	ssyncset.done $0x0  }
0x5f: {  	s25 =	rddreg [dreg:$0x1b];
	[sflag:s12] =	ssyncadd.s32 $0xFFFFD800  }
0x60: {  	[spmem:s25] =	stream.linear.scatter [tilespmem:s13], [sflag:$0xD], $0x500, $0x38;
	[tilespmem:$0x1E598] =	vst v63  }
0x61: {  	_ =	swait.ge [sflag:s14], $0x500  }
0x62: {  	[sflag:s14] =	ssyncset.done $0x0  }
0x63: {  	s9 =	rddreg [dreg:$0x1c];
	[sflag:s14] =	ssyncadd.s32 $0xFFFFFB00  }
0x64: {  	[spmem:s9] =	stream.linear.scatter [tilespmem:s1], [sflag:$0xE], $0x2800, $0x38;
	[tilespmem:$0x1E598] =	vst v63  }
0x65: {  	_ =	swait.ge [sflag:s12], $0x2800  }
0x66: {  	[sflag:s12] =	ssyncset.done $0x0  }
0x67: {  	s25 =	rddreg [dreg:$0x1d];
	[sflag:s12] =	ssyncadd.s32 $0xFFFFD800  }
0x68: {  	[spmem:s25] =	stream.linear.scatter [tilespmem:s13], [sflag:$0xD], $0x500, $0x38;
	[tilespmem:$0x1E598] =	vst v63  }
0x69: {  	_ =	swait.ge [sflag:s14], $0x500  }
0x6a: {  	[sflag:s14] =	ssyncset.done $0x0  }
0x6b: {  	s9 =	rddreg [dreg:$0x1e];
	[sflag:s14] =	ssyncadd.s32 $0xFFFFFB00  }
0x6c: {  	[spmem:s9] =	stream.linear.scatter [tilespmem:s1], [sflag:$0xE], $0x2800, $0x38;
	[tilespmem:$0x1E598] =	vst v63  }
0x6d: {  	_ =	swait.ge [sflag:s12], $0x2800  }
0x6e: {  	[sflag:s12] =	ssyncset.done $0x0  }
0x6f: {  	s25 =	rddreg [dreg:$0x1f];
	[sflag:s12] =	ssyncadd.s32 $0xFFFFD800  }
0x70: {  	[spmem:s25] =	stream.linear.scatter [tilespmem:s13], [sflag:$0xD], $0x500, $0x38;
	[tilespmem:$0x1E598] =	vst v63  }
0x71: {  	_ =	swait.ge [sflag:s14], $0x500  }
0x72: {  	s9 =	sld [smem:$0x7F4]  }
0x73: {  	[sflag:s14] =	ssyncset.done $0x0  }
0x74: {  	[sflag:s14] =	ssyncadd.s32 $0xFFFFFB00  }
0x75: {  	[spmem:s9] =	stream.linear.scatter [tilespmem:s1], [sflag:$0xE], $0x2800, $0x38;
	[tilespmem:$0x1E598] =	vst v63  }
0x76: {  	_ =	swait.ge [sflag:s12], $0x2800  }
0x77: {  	s25 =	sld [smem:$0x7F5]  }
0x78: {  	[sflag:s12] =	ssyncset.done $0x0  }
0x79: {  	[sflag:s12] =	ssyncadd.s32 $0xFFFFD800  }
0x7a: {  	[spmem:s25] =	stream.linear.scatter [tilespmem:s13], [sflag:$0xD], $0x500, $0x38;
	[tilespmem:$0x1E598] =	vst v63  }
0x7b: {  	_ =	swait.ge [sflag:s14], $0x500  }
0x7c: {  	s9 =	sld [smem:$0x7F6]  }
0x7d: {  	[sflag:s14] =	ssyncset.done $0x0  }
0x7e: {  	[sflag:s14] =	ssyncadd.s32 $0xFFFFFB00  }
0x7f: {  	[spmem:s9] =	stream.linear.scatter [tilespmem:s1], [sflag:$0xE], $0x2800, $0x38;
	[tilespmem:$0x1E598] =	vst v63  }
0x80: {  	_ =	swait.ge [sflag:s12], $0x2800  }
0x81: {  	s25 =	sld [smem:$0x7F7]  }
0x82: {  	[sflag:s12] =	ssyncset.done $0x0  }
0x83: {  	[sflag:s12] =	ssyncadd.s32 $0xFFFFD800  }
0x84: {  	[spmem:s25] =	stream.linear.scatter [tilespmem:s13], [sflag:$0xD], $0x500, $0x38;
	[tilespmem:$0x1E598] =	vst v63  }
0x85: {  	_ =	swait.ge [sflag:s14], $0x500  }
0x86: {  	s9 =	sld [smem:$0x7F8]  }
0x87: {  	[sflag:s14] =	ssyncset.done $0x0  }
0x88: {  	[sflag:s14] =	ssyncadd.s32 $0xFFFFFB00  }
0x89: {  	[spmem:s9] =	stream.linear.scatter [tilespmem:s1], [sflag:$0xE], $0x2800, $0x38;
	[tilespmem:$0x1E598] =	vst v63  }
0x8a: {  	_ =	swait.ge [sflag:s12], $0x2800  }
0x8b: {  	[sflag:s12] =	ssyncset.done $0x0  }
0x8c: {  	[sflag:s12] =	ssyncadd.s32 $0xFFFFD800;
	s12 =	sld [smem:$0x7F9];
	_ =	sdelay $0x2  }
0x8d: {  	[spmem:s12] =	stream.linear.scatter [tilespmem:s13], [sflag:$0xD], $0x500, $0x38;
	[tilespmem:$0x1E598] =	vst v63  }
0x8e: {  	_ =	swait.ge [sflag:s14], $0x500  }
0x8f: {  	s11 =	sld [smem:$0x7FA]  }
0x90: {  	[sflag:s14] =	ssyncset.done $0x0  }
0x91: {  	s12 =	simm.s32 @!p5 $0x3C0;
	[sflag:s14] =	ssyncadd.s32 $0xFFFFFB00  }
0x92: {  	[spmem:s11] =	stream.linear.scatter @!p5 [tilespmem:s12], [sflag:$0xE], $0x2800, $0x38;
	[tilespmem:$0x1E598] =	vst v63  }
0x93: {  	s12 =	simm.s32 @!p5 $0xE  }
0x94: {  	_ =	swait.ge @!p5 [sflag:s12], $0x2800  }
0x95: {  	s11 =	sld [smem:$0x7FB]  }
0x96: {  	[sflag:s12] =	ssyncset.done @!p5 $0x0  }
0x97: {  	[sflag:s12] =	ssyncadd.s32 @!p5 $0xFFFFD800;
	s12 =	simm.s32 @!p5 $0x80C0  }
0x98: {  	[spmem:s11] =	stream.linear.scatter @!p5 [tilespmem:s12], [sflag:$0xD], $0x500, $0x38;
	[tilespmem:$0x1E598] =	vst v63  }
0x99: {  	s12 =	simm.s32 @!p5 $0xD  }
0x9a: {  	_ =	swait.ge @!p5 [sflag:s12], $0x500  }
0x9b: {  	[sflag:s12] =	ssyncset.done @!p5 $0x0  }
0x9c: {  	[sflag:s12] =	ssyncadd.s32 @!p5 $0xFFFFFB00  }
0x9d: {  	[bflag:$0x0] =	sbarrier.arrive $0xFFFF  }
0x9e: {  	s9 =	rddreg [dreg:$0x9]  }
0x9f: {  	[tilespmem:s4], [sflag:$0x1] =	stream.linear.gather [hbm4b:s9+s4], $0x50, $0x38;
	[tilespmem:$0x1E598] =	vst v63  }
0xa0: {  	_ = 	snop  }
0xa1: {  	[tilespmem:s16], [sflag:$0x1] =	stream.linear.gather [hbm4b:s6+s4], $0x50, $0x38;
	[tilespmem:$0x1E598] =	vst v63  }
0xa2: {  	s13 =	rddreg [dreg:$0xb]  }
0xa3: {  	[tilespmem:s0], [sflag:$0x2] =	stream.linear.gather [hbm4b:s13+s4], $0x50, $0x38;
	[tilespmem:$0x1E598] =	vst v63  }
0xa4: {  	s14 =	rddreg [dreg:$0xc]  }
0xa5: {  	[tilespmem:s20], [sflag:$0x2] =	stream.linear.gather [hbm4b:s14+s4], $0x50, $0x38;
	[tilespmem:$0x1E598] =	vst v63  }
0xa6: {  	s25 =	rddreg [dreg:$0xd]  }
0xa7: {  	[tilespmem:s7], [sflag:$0x3] =	stream.linear.gather [hbm4b:s25+s4], $0x50, $0x38;
	[tilespmem:$0x1E598] =	vst v63  }
0xa8: {  	s9 =	rddreg [dreg:$0xe]  }
0xa9: {  	[tilespmem:s8], [sflag:$0x3] =	stream.linear.gather [hbm4b:s9+s4], $0x50, $0x38;
	[tilespmem:$0x1E598] =	vst v63  }
0xaa: {  	_ =	swait.ge [sflag:s15], $0x50  }
0xab: {  	[sflag:s15] =	ssyncset.done $0x0  }
0xac: {  	[sflag:s15] =	ssyncadd.s32 $0xFFFFFFB0  }
0xad: {  	_ =	swait.ge [sflag:s15], $0x50  }
0xae: {  	[sflag:s15] =	ssyncset.done $0x0  }
0xaf: {  	[sflag:s15] =	ssyncadd.s32 $0xFFFFFFB0  }
0xb0: {  	v3 =	vld [tilespmem:$0x0]  }
0xb1: {  	v4 =	vld [tilespmem:$0xF0]  }
0xb2: {  	v5 =	vld [tilespmem:$0x10]  }
0xb3: {  	v6 =	vld [tilespmem:$0x100]  }
0xb4: {  	v7 =	vld [tilespmem:$0x20]  }
0xb5: {  	v9 =	vld [tilespmem:$0x110];
	v8 =	vshll.u32 v3, $0x1  }
0xb6: {  	vm0 =	veq.s32 v3, v4;
	v3 =	vld [tilespmem:$0x30];
	v8 =	vor.u32 v0, v8  }
0xb7: {  	v10 =	vld [tilespmem:$0x120];
	v18 =	vshll.u32 v5, $0x1;
	v4 =	vsel vm0, $0x2710, v4;
	[tilespmem:$0x1E0] =	vst v8  }
0xb8: {  	v20 =	vld [tilespmem:$0x40];
	vm14 =	veq.s32 v5, v6;
	v19 =	vor.u32 v0, v18;
	[tilespmem:$0x2D0] =	vst v4  }
0xb9: {  	v23 =	vld [tilespmem:$0x130];
	v22 =	vshll.u32 v7, $0x1;
	v21 =	vsel vm14, $0x2710, v6;
	[tilespmem:$0x1F0] =	vst v19  }
0xba: {  	vm15 =	veq.s32 v7, v9;
	v24 =	vor.u32 v0, v22;
	[tilespmem:$0x2E0] =	vst v21  }
0xbb: {  	v25 =	vsel vm15, $0x2710, v9;
	[tilespmem:$0x200] =	vst v24;
	v26 =	vshll.u32 v3, $0x1  }
0xbc: {  	[tilespmem:$0x2F0] =	vst v25;
	vm4 =	veq.s32 v3, v10;
	v27 =	vor.u32 v0, v26  }
0xbd: {  	v28 =	vshll.u32 v20, $0x1;
	v3 =	vsel vm4, $0x2710, v10;
	[tilespmem:$0x210] =	vst v27  }
0xbe: {  	vm5 =	veq.s32 v20, v23;
	[tilespmem:$0x300] =	vst v3;
	v3 =	vor.u32 v0, v28  }
0xbf: {  	[tilespmem:$0x220] =	vst v3;
	v3 =	vsel vm5, $0x2710, v23  }
0xc0: {  	[tilespmem:$0x310] =	vst v3  }
0xc1: {  	[tilespmem:s1], [sflag:$0x4] =	stream.indirect.gather [hbm4b:s21+s0], $0x80, s23, s0, $0xb8;
	[tilespmem:$0x1E598] =	vst v63  }
0xc2: {  	s11 =	rddreg [dreg:$0xf]  }
0xc3: {  	[tilespmem:s4], [sflag:$0x1] =	stream.linear.gather [hbm4b:s11+s4], $0x50, $0x38;
	[tilespmem:$0x1E598] =	vst v63  }
0xc4: {  	s13 =	rddreg [dreg:$0x10]  }
0xc5: {  	[tilespmem:s16], [sflag:$0x1] =	stream.linear.gather [hbm4b:s13+s4], $0x50, $0x38;
	[tilespmem:$0x1E598] =	vst v63  }
0xc6: {  	_ =	swait.ge [sflag:s17], $0x50  }
0xc7: {  	[sflag:s17] =	ssyncset.done $0x0  }
0xc8: {  	[sflag:s17] =	ssyncadd.s32 $0xFFFFFFB0  }
0xc9: {  	_ =	swait.ge [sflag:s17], $0x50  }
0xca: {  	[sflag:s17] =	ssyncset.done $0x0  }
0xcb: {  	[sflag:s17] =	ssyncadd.s32 $0xFFFFFFB0  }
0xcc: {  	v3 =	vld [tilespmem:$0x50]  }
0xcd: {  	v29 =	vld [tilespmem:$0x140]  }
0xce: {  	v30 =	vld [tilespmem:$0x60]  }
0xcf: {  	v31 =	vld [tilespmem:$0x150]  }
0xd0: {  	v32 =	vld [tilespmem:$0x70]  }
0xd1: {  	v34 =	vld [tilespmem:$0x160];
	v33 =	vshll.u32 v3, $0x1  }
0xd2: {  	vm6 =	veq.s32 v3, v29;
	v3 =	vld [tilespmem:$0x80];
	v8 =	vor.u32 v0, v33  }
0xd3: {  	v36 =	vld [tilespmem:$0x170];
	v35 =	vshll.u32 v30, $0x1;
	v4 =	vsel vm6, $0x2710, v29;
	[tilespmem:$0x230] =	vst v8  }
0xd4: {  	v38 =	vld [tilespmem:$0x90];
	vm7 =	veq.s32 v30, v31;
	v37 =	vor.u32 v0, v35;
	[tilespmem:$0x320] =	vst v4  }
0xd5: {  	v41 =	vld [tilespmem:$0x180];
	v40 =	vshll.u32 v32, $0x1;
	v39 =	vsel vm7, $0x2710, v31;
	[tilespmem:$0x240] =	vst v37  }
0xd6: {  	vm8 =	veq.s32 v32, v34;
	v42 =	vor.u32 v0, v40;
	[tilespmem:$0x330] =	vst v39  }
0xd7: {  	v43 =	vsel vm8, $0x2710, v34;
	[tilespmem:$0x250] =	vst v42;
	v44 =	vshll.u32 v3, $0x1  }
0xd8: {  	[tilespmem:$0x340] =	vst v43;
	vm9 =	veq.s32 v3, v36;
	v45 =	vor.u32 v0, v44  }
0xd9: {  	v46 =	vshll.u32 v38, $0x1;
	v3 =	vsel vm9, $0x2710, v36;
	[tilespmem:$0x260] =	vst v45  }
0xda: {  	vm10 =	veq.s32 v38, v41;
	[tilespmem:$0x350] =	vst v3;
	v3 =	vor.u32 v0, v46  }
0xdb: {  	[tilespmem:$0x270] =	vst v3;
	v3 =	vsel vm10, $0x2710, v41  }
0xdc: {  	[tilespmem:$0x360] =	vst v3  }
0xdd: {  	[tilespmem:s10], [sflag:$0x5] =	stream.indirect.gather [hbm4b:s21+s0], $0x80, s24, s0, $0xb8;
	[tilespmem:$0x1E598] =	vst v63  }
0xde: {  	s14 =	rddreg [dreg:$0x13]  }
0xdf: {  	[tilespmem:s0], [sflag:$0x2] =	stream.linear.gather [hbm4b:s14+s4], $0x50, $0x38;
	[tilespmem:$0x1E598] =	vst v63  }
0xe0: {  	s16 =	rddreg [dreg:$0x14]  }
0xe1: {  	[tilespmem:s20], [sflag:$0x2] =	stream.linear.gather [hbm4b:s16+s4], $0x50, $0x38;
	[tilespmem:$0x1E598] =	vst v63  }
0xe2: {  	_ =	swait.ge [sflag:s22], $0x2800  }
0xe3: {  	[sflag:s22] =	ssyncset.done $0x0  }
0xe4: {  	[sflag:s22] =	ssyncadd.s32 $0xFFFFD800  }
0xe5: {  	[spmem:s2] =	stream.indirect.scatter.add.f32 [tilespmem:s1], [sflag:$0x7], $0x80, s29, s0, $0xb8;
	[tilespmem:$0x1E598] =	vst v63  }
0xe6: {  	s12 =	simm.s32 @!p3 $0x50;
	s13 =	simm.s32 @!p3 $0x2D0;
	s14 =	simm.s32 @!p3 $0x7BC0  }
0xe7: {  	[spmem:s3] =	stream.indirect.scatter.add.f32 @!p3 [tilespmem:s14], [sflag:$0xA], $0x10, s13, s12, $0xb8;
	[tilespmem:$0x1E598] =	vst v63  }
0xe8: {  	_ =	swait.ge [sflag:s18], $0x50  }
0xe9: {  	[sflag:s18] =	ssyncset.done $0x0  }
0xea: {  	[sflag:s18] =	ssyncadd.s32 $0xFFFFFFB0  }
0xeb: {  	_ =	swait.ge [sflag:s18], $0x50  }
0xec: {  	[sflag:s18] =	ssyncset.done $0x0  }
0xed: {  	[sflag:s18] =	ssyncadd.s32 $0xFFFFFFB0  }
0xee: {  	v3 =	vld [tilespmem:$0xA0]  }
0xef: {  	v47 =	vld [tilespmem:$0x190]  }
0xf0: {  	v48 =	vld [tilespmem:$0xB0]  }
0xf1: {  	v49 =	vld [tilespmem:$0x1A0]  }
0xf2: {  	v50 =	vld [tilespmem:$0xC0]  }
0xf3: {  	v52 =	vld [tilespmem:$0x1B0];
	v51 =	vshll.u32 v3, $0x1  }
0xf4: {  	vm11 =	veq.s32 v3, v47;
	v3 =	vld [tilespmem:$0xD0];
	v8 =	vor.u32 v0, v51  }
0xf5: {  	v54 =	vld [tilespmem:$0x1C0];
	v53 =	vshll.u32 v48, $0x1;
	v4 =	vsel vm11, $0x2710, v47;
	[tilespmem:$0x280] =	vst v8  }
0xf6: {  	v56 =	vld [tilespmem:$0xE0];
	vm12 =	veq.s32 v48, v49;
	v55 =	vor.u32 v0, v53;
	[tilespmem:$0x370] =	vst v4  }
0xf7: {  	v59 =	vld [tilespmem:$0x1D0];
	v58 =	vshll.u32 v50, $0x1;
	v57 =	vsel vm12, $0x2710, v49;
	[tilespmem:$0x290] =	vst v55  }
0xf8: {  	vm13 =	veq.s32 v50, v52;
	v60 =	vor.u32 v0, v58;
	[tilespmem:$0x380] =	vst v57  }
0xf9: {  	v61 =	vsel vm13, $0x2710, v52;
	[tilespmem:$0x2A0] =	vst v60;
	v62 =	vshll.u32 v3, $0x1  }
0xfa: {  	[tilespmem:$0x390] =	vst v61;
	vm14 =	veq.s32 v3, v54;
	v3 =	vor.u32 v0, v62  }
0xfb: {  	v63 =	vshll.u32 v56, $0x1;
	[tilespmem:$0x2B0] =	vst v3;
	v3 =	vsel vm14, $0x2710, v54  }
0xfc: {  	vm15 =	veq.s32 v56, v59;
	[tilespmem:$0x3A0] =	vst v3;
	v3 =	vor.u32 v0, v63  }
0xfd: {  	[tilespmem:$0x2C0] =	vst v3;
	v3 =	vsel vm15, $0x2710, v59  }
0xfe: {  	[tilespmem:$0x3B0] =	vst v3  }
0xff: {  	[tilespmem:s30], [sflag:$0x6] =	stream.indirect.gather [hbm4b:s21+s0], $0x80, s31, s0, $0xb8;
	[tilespmem:$0x1E598] =	vst v63  }
0x100: {  	s24 =	rddreg [dreg:$0x15]  }
0x101: {  	[tilespmem:s7], [sflag:$0x3] =	stream.linear.gather [hbm4b:s24+s4], $0x50, $0x38;
	[tilespmem:$0x1E598] =	vst v63  }
0x102: {  	s25 =	rddreg [dreg:$0x16]  }
0x103: {  	[tilespmem:s8], [sflag:$0x3] =	stream.linear.gather [hbm4b:s25+s4], $0x50, $0x38;
	[tilespmem:$0x1E598] =	vst v63  }
0x104: {  	_ =	swait.ge [sflag:s26], $0x2800  }
0x105: {  	s9 =	simm.s32 $0x6;
	s29 =	sld [smem:$0x7F2]  }
0x106: {  	s22 =	simm.s32 $0x53C0;
	s1 =	simm.s32 $0x3C0;
	s7 =	sld [smem:$0x7FD]  }
0x107: {  	s31 =	simm.s32 $0x2BC0;
	s24 =	simm.s32 $0x8;
	s30 =	rddreg [dreg:$0x6]  }
0x108: {  	s25 =	smov.u32 s6;
	[sflag:s26] =	ssyncset.done $0x0;
	s8 =	rddreg [dreg:$0x7]  }
0x109: {  	s11 =	rddreg [dreg:$0x8];
	[sflag:s26] =	ssyncadd.s32 $0xFFFFD800;
	s26 =	simm.s32 $0x4  }
0x10a: {  	[spmem:s2] =	stream.indirect.scatter.add.f32 [tilespmem:s10], [sflag:$0x8], $0x80, s19, s0, $0xb8;
	[tilespmem:$0x1E598] =	vst v63  }
0x10b: {  	s19 =	simm.s32 $0x7;
	s10 =	simm.s32 $0x9;
	p1 =	seq.s32 s29, $0x1  }
0x10c: {  	s12 =	simm.s32 @!p1 $0x50;
	s13 =	simm.s32 @!p1 $0x320;
	s14 =	simm.s32 @!p1 $0x7BC0  }
0x10d: {  	[spmem:s3] =	stream.indirect.scatter.add.f32 @!p1 [tilespmem:s14], [sflag:$0xB], $0x10, s13, s12, $0xb8;
	[tilespmem:$0x1E598] =	vst v63  }
0x10e: {  	s12 =	simm.s32 $0x0;
	s13 =	sld [smem:$0x7FC];
	s14 =	simm.s32 $0x0  }
.LBB2_4:
0x10f: {  	s16 =	sadd.s32 s12, s11  }
0x110: {  	_ =	swait.ge [sflag:s19], $0x2800;
	s16 =	sand.u32 $0x1, s16  }
0x111: {  	[sflag:s19] =	ssyncset.done $0x0;
	p6 =	sne.s32 s16, s7  }
0x112: {  	[sflag:s19] =	ssyncadd.s32 $0xFFFFD800;
	s16 =	simm.s32 @!p6 $0xA  }
0x113: {  	_ =	swait.ge @!p6 [sflag:s16], $0x500  }
0x114: {  	[sflag:s16] =	ssyncset.done @!p6 $0x0  }
0x115: {  	[sflag:s16] =	ssyncadd.s32 @!p6 $0xFFFFFB00  }
0x116: {  	_ =	swait.ge [sflag:s15], $0x50  }
0x117: {  	[sflag:s15] =	ssyncset.done $0x0  }
0x118: {  	[sflag:s15] =	ssyncadd.s32 $0xFFFFFFB0  }
0x119: {  	_ =	swait.ge [sflag:s15], $0x50  }
0x11a: {  	[sflag:s15] =	ssyncset.done $0x0  }
0x11b: {  	[sflag:s15] =	ssyncadd.s32 $0xFFFFFFB0  }
0x11c: {  	v3 =	vld [tilespmem:$0x0]  }
0x11d: {  	v4 =	vld [tilespmem:$0xF0]  }
0x11e: {  	v5 =	vld [tilespmem:$0x10]  }
0x11f: {  	v6 =	vld [tilespmem:$0x100]  }
0x120: {  	v7 =	vld [tilespmem:$0x20]  }
0x121: {  	v9 =	vld [tilespmem:$0x110];
	v8 =	vshll.u32 v3, $0x1  }
0x122: {  	vm0 =	veq.s32 v3, v4;
	v3 =	vld [tilespmem:$0x30];
	v8 =	vor.u32 v0, v8  }
0x123: {  	v10 =	vld [tilespmem:$0x120];
	v18 =	vshll.u32 v5, $0x1;
	v4 =	vsel vm0, $0x2710, v4;
	[tilespmem:$0x1E0] =	vst v8  }
0x124: {  	v20 =	vld [tilespmem:$0x40];
	vm14 =	veq.s32 v5, v6;
	v19 =	vor.u32 v0, v18;
	[tilespmem:$0x2D0] =	vst v4  }
0x125: {  	v23 =	vld [tilespmem:$0x130];
	v22 =	vshll.u32 v7, $0x1;
	v21 =	vsel vm14, $0x2710, v6;
	[tilespmem:$0x1F0] =	vst v19  }
0x126: {  	vm15 =	veq.s32 v7, v9;
	v24 =	vor.u32 v0, v22;
	[tilespmem:$0x2E0] =	vst v21  }
0x127: {  	v25 =	vsel vm15, $0x2710, v9;
	[tilespmem:$0x200] =	vst v24;
	v26 =	vshll.u32 v3, $0x1  }
0x128: {  	[tilespmem:$0x2F0] =	vst v25;
	vm4 =	veq.s32 v3, v10;
	v27 =	vor.u32 v0, v26  }
0x129: {  	v28 =	vshll.u32 v20, $0x1;
	v3 =	vsel vm4, $0x2710, v10;
	[tilespmem:$0x210] =	vst v27  }
0x12a: {  	vm5 =	veq.s32 v20, v23;
	[tilespmem:$0x300] =	vst v3;
	v3 =	vor.u32 v0, v28  }
0x12b: {  	[tilespmem:$0x220] =	vst v3;
	v3 =	vsel vm5, $0x2710, v23  }
0x12c: {  	s6 =	rddreg [dreg:$0x9];
	[tilespmem:$0x310] =	vst v3  }
0x12d: {  	[tilespmem:s1], [sflag:$0x4] =	stream.indirect.gather [hbm4b:s21+s0], $0x80, s23, s0, $0xb8;
	[tilespmem:$0x1E598] =	vst v63  }
0x12e: {  	s23 =	sadd.s32 s14, s6  }
0x12f: {  	s29 =	sadd.s32 $0x3C, s23  }
0x130: {  	[tilespmem:s4], [sflag:$0x1] =	stream.linear.gather [hbm4b:s29+s4], $0x50, $0x38;
	[tilespmem:$0x1E598] =	vst v63  }
0x131: {  	s29 =	sadd.s32 s14, s25  }
0x132: {  	s20 =	simm.s32 $0xF0;
	s6 =	sadd.s32 $0x3C, s29  }
0x133: {  	[tilespmem:s20], [sflag:$0x1] =	stream.linear.gather [hbm4b:s6+s4], $0x50, $0x38;
	[tilespmem:$0x1E598] =	vst v63  }
0x134: {  	_ =	swait.ge [sflag:s9], $0x2800  }
0x135: {  	[sflag:s9] =	ssyncset.done $0x0  }
0x136: {  	s20 =	simm.s32 $0x370;
	[sflag:s9] =	ssyncadd.s32 $0xFFFFD800  }
0x137: {  	[spmem:s2] =	stream.indirect.scatter.add.f32 [tilespmem:s22], [sflag:$0x9], $0x80, s20, s0, $0xb8;
	[tilespmem:$0x1E598] =	vst v63  }
0x138: {  	s16 =	simm.s32 @!p6 $0x50;
	s6 =	simm.s32 @!p6 $0x370;
	s20 =	simm.s32 @!p6 $0x7BC0  }
0x139: {  	[spmem:s3] =	stream.indirect.scatter.add.f32 @!p6 [tilespmem:s20], [sflag:$0xC], $0x10, s6, s16, $0xb8;
	[tilespmem:$0x1E598] =	vst v63  }
0x13a: {  	s6 =	sand.u32 $0x1, s13;
	_ =	swait.ge [sflag:s24], $0x2800  }
0x13b: {  	p1 =	sne.s32 s6, s7;
	[sflag:s24] =	ssyncset.done $0x0  }
0x13c: {  	s6 =	simm.s32 @!p1 $0xB;
	[sflag:s24] =	ssyncadd.s32 $0xFFFFD800  }
0x13d: {  	_ =	swait.ge @!p1 [sflag:s6], $0x500  }
0x13e: {  	[sflag:s6] =	ssyncset.done @!p1 $0x0  }
0x13f: {  	[sflag:s6] =	ssyncadd.s32 @!p1 $0xFFFFFB00  }
0x140: {  	_ =	swait.ge [sflag:s17], $0x50  }
0x141: {  	[sflag:s17] =	ssyncset.done $0x0  }
0x142: {  	[sflag:s17] =	ssyncadd.s32 $0xFFFFFFB0  }
0x143: {  	_ =	swait.ge [sflag:s17], $0x50  }
0x144: {  	[sflag:s17] =	ssyncset.done $0x0  }
0x145: {  	[sflag:s17] =	ssyncadd.s32 $0xFFFFFFB0  }
0x146: {  	v3 =	vld [tilespmem:$0x50]  }
0x147: {  	v29 =	vld [tilespmem:$0x140]  }
0x148: {  	v30 =	vld [tilespmem:$0x60]  }
0x149: {  	v31 =	vld [tilespmem:$0x150]  }
0x14a: {  	v32 =	vld [tilespmem:$0x70]  }
0x14b: {  	v34 =	vld [tilespmem:$0x160];
	v33 =	vshll.u32 v3, $0x1  }
0x14c: {  	vm6 =	veq.s32 v3, v29;
	v3 =	vld [tilespmem:$0x80];
	v8 =	vor.u32 v0, v33  }
0x14d: {  	v36 =	vld [tilespmem:$0x170];
	v35 =	vshll.u32 v30, $0x1;
	v4 =	vsel vm6, $0x2710, v29;
	[tilespmem:$0x230] =	vst v8  }
0x14e: {  	v38 =	vld [tilespmem:$0x90];
	vm7 =	veq.s32 v30, v31;
	v37 =	vor.u32 v0, v35;
	[tilespmem:$0x320] =	vst v4  }
0x14f: {  	v41 =	vld [tilespmem:$0x180];
	v40 =	vshll.u32 v32, $0x1;
	v39 =	vsel vm7, $0x2710, v31;
	[tilespmem:$0x240] =	vst v37  }
0x150: {  	vm8 =	veq.s32 v32, v34;
	v42 =	vor.u32 v0, v40;
	[tilespmem:$0x330] =	vst v39  }
0x151: {  	v43 =	vsel vm8, $0x2710, v34;
	[tilespmem:$0x250] =	vst v42;
	v44 =	vshll.u32 v3, $0x1  }
0x152: {  	[tilespmem:$0x340] =	vst v43;
	vm9 =	veq.s32 v3, v36;
	v45 =	vor.u32 v0, v44  }
0x153: {  	v46 =	vshll.u32 v38, $0x1;
	v3 =	vsel vm9, $0x2710, v36;
	[tilespmem:$0x260] =	vst v45  }
0x154: {  	vm10 =	veq.s32 v38, v41;
	[tilespmem:$0x350] =	vst v3;
	v3 =	vor.u32 v0, v46  }
0x155: {  	[tilespmem:$0x270] =	vst v3;
	v3 =	vsel vm10, $0x2710, v41  }
0x156: {  	s6 =	simm.s32 $0x230;
	[tilespmem:$0x360] =	vst v3  }
0x157: {  	[tilespmem:s31], [sflag:$0x5] =	stream.indirect.gather [hbm4b:s21+s0], $0x80, s6, s0, $0xb8;
	[tilespmem:$0x1E598] =	vst v63  }
0x158: {  	s23 =	sadd.s32 $0x46, s23  }
0x159: {  	[tilespmem:s0], [sflag:$0x2] =	stream.linear.gather [hbm4b:s23+s4], $0x50, $0x38;
	[tilespmem:$0x1E598] =	vst v63  }
0x15a: {  	s23 =	sadd.s32 $0x46, s29;
	s29 =	simm.s32 $0x140  }
0x15b: {  	[tilespmem:s29], [sflag:$0x2] =	stream.linear.gather [hbm4b:s23+s4], $0x50, $0x38;
	[tilespmem:$0x1E598] =	vst v63  }
0x15c: {  	_ =	swait.ge [sflag:s26], $0x2800  }
0x15d: {  	[sflag:s26] =	ssyncset.done $0x0  }
0x15e: {  	s29 =	simm.s32 $0x2D0;
	[sflag:s26] =	ssyncadd.s32 $0xFFFFD800  }
0x15f: {  	[spmem:s2] =	stream.indirect.scatter.add.f32 [tilespmem:s1], [sflag:$0x7], $0x80, s29, s0, $0xb8;
	[tilespmem:$0x1E598] =	vst v63  }
0x160: {  	s6 =	simm.s32 @!p1 $0x50;
	s23 =	simm.s32 @!p1 $0x2D0;
	s29 =	simm.s32 @!p1 $0x7BC0  }
0x161: {  	[spmem:s3] =	stream.indirect.scatter.add.f32 @!p1 [tilespmem:s29], [sflag:$0xA], $0x10, s23, s6, $0xb8;
	[tilespmem:$0x1E598] =	vst v63  }
0x162: {  	_ =	swait.ge [sflag:s10], $0x2800  }
0x163: {  	[sflag:s10] =	ssyncset.done $0x0  }
0x164: {  	s6 =	simm.s32 @!p6 $0xC;
	[sflag:s10] =	ssyncadd.s32 $0xFFFFD800  }
0x165: {  	_ =	swait.ge @!p6 [sflag:s6], $0x500  }
0x166: {  	[sflag:s6] =	ssyncset.done @!p6 $0x0  }
0x167: {  	[sflag:s6] =	ssyncadd.s32 @!p6 $0xFFFFFB00  }
0x168: {  	_ =	swait.ge [sflag:s18], $0x50  }
0x169: {  	[sflag:s18] =	ssyncset.done $0x0  }
0x16a: {  	[sflag:s18] =	ssyncadd.s32 $0xFFFFFFB0  }
0x16b: {  	_ =	swait.ge [sflag:s18], $0x50  }
0x16c: {  	[sflag:s18] =	ssyncset.done $0x0  }
0x16d: {  	[sflag:s18] =	ssyncadd.s32 $0xFFFFFFB0  }
0x16e: {  	v3 =	vld [tilespmem:$0xA0]  }
0x16f: {  	v47 =	vld [tilespmem:$0x190]  }
0x170: {  	v48 =	vld [tilespmem:$0xB0]  }
0x171: {  	v49 =	vld [tilespmem:$0x1A0]  }
0x172: {  	v50 =	vld [tilespmem:$0xC0]  }
0x173: {  	v52 =	vld [tilespmem:$0x1B0];
	v51 =	vshll.u32 v3, $0x1  }
0x174: {  	vm11 =	veq.s32 v3, v47;
	v3 =	vld [tilespmem:$0xD0];
	v8 =	vor.u32 v0, v51  }
0x175: {  	v54 =	vld [tilespmem:$0x1C0];
	v53 =	vshll.u32 v48, $0x1;
	v4 =	vsel vm11, $0x2710, v47;
	[tilespmem:$0x280] =	vst v8  }
0x176: {  	v56 =	vld [tilespmem:$0xE0];
	vm12 =	veq.s32 v48, v49;
	v55 =	vor.u32 v0, v53;
	[tilespmem:$0x370] =	vst v4  }
0x177: {  	v59 =	vld [tilespmem:$0x1D0];
	v58 =	vshll.u32 v50, $0x1;
	v57 =	vsel vm12, $0x2710, v49;
	[tilespmem:$0x290] =	vst v55  }
0x178: {  	vm13 =	veq.s32 v50, v52;
	v60 =	vor.u32 v0, v58;
	[tilespmem:$0x380] =	vst v57  }
0x179: {  	v61 =	vsel vm13, $0x2710, v52;
	[tilespmem:$0x2A0] =	vst v60;
	v62 =	vshll.u32 v3, $0x1  }
0x17a: {  	[tilespmem:$0x390] =	vst v61;
	vm14 =	veq.s32 v3, v54;
	v3 =	vor.u32 v0, v62  }
0x17b: {  	v63 =	vshll.u32 v56, $0x1;
	[tilespmem:$0x2B0] =	vst v3;
	v3 =	vsel vm14, $0x2710, v54  }
0x17c: {  	s29 =	smin.u32 s12, $0x74;
	s23 =	rddreg [dreg:$0x5];
	vm15 =	veq.s32 v56, v59;
	[tilespmem:$0x3A0] =	vst v3;
	v3 =	vor.u32 v0, v63  }
0x17d: {  	s6 =	sadd.s32 s29, s23;
	[tilespmem:$0x2C0] =	vst v3;
	v3 =	vsel vm15, $0x2710, v59  }
0x17e: {  	s29 =	simm.s32 $0x280;
	s6 =	smul.u32 $0xA, s6;
	[tilespmem:$0x3B0] =	vst v3  }
0x17f: {  	[tilespmem:s22], [sflag:$0x6] =	stream.indirect.gather [hbm4b:s21+s0], $0x80, s29, s0, $0xb8;
	[tilespmem:$0x1E598] =	vst v63  }
0x180: {  	s23 =	sadd.s32 s30, s6;
	s29 =	simm.s32 $0xA0  }
0x181: {  	[tilespmem:s29], [sflag:$0x3] =	stream.linear.gather [hbm4b:s23+s4], $0x50, $0x38;
	[tilespmem:$0x1E598] =	vst v63  }
0x182: {  	s14 =	sadd.s32 $0x1E, s14;
	s6 =	sadd.s32 s8, s6;
	s29 =	simm.s32 $0x190  }
0x183: {  	[tilespmem:s29], [sflag:$0x3] =	stream.linear.gather [hbm4b:s6+s4], $0x50, $0x38;
	[tilespmem:$0x1E598] =	vst v63  }
0x184: {  	p1 =	sne.s32 s14, $0x4B0;
	_ =	swait.ge [sflag:s28], $0x2800  }
.Ltmp1:
0x185: {  	[sflag:s28] =	ssyncset.done $0x0;
	(pc) =	sbr.rel @p1 .LBB2_4-.Ltmp1, $4  }
0x186: {  	s13 =	sadd.s32 $0xFFFFFFFD, s13;
	s29 =	simm.s32 $0x320;
	[sflag:s28] =	ssyncadd.s32 $0xFFFFD800  }
0x187: {  	[spmem:s2] =	stream.indirect.scatter.add.f32 [tilespmem:s31], [sflag:$0x8], $0x80, s29, s0, $0xb8;
	[tilespmem:$0x1E598] =	vst v63  }
0x188: {  	s12 =	sadd.s32 $0x3, s12;
	s23 =	simm.s32 $0x1E0;
	s6 =	simm.s32 @!p6 $0x320  }
0x189: {  	[spmem:s3] =	stream.indirect.scatter.add.f32 @!p6 [tilespmem:s20], [sflag:$0xB], $0x10, s6, s16, $0xb8;
	[tilespmem:$0x1E598] =	vst v63  }
0x18a: {  	_ =	swait.ge [sflag:s19], $0x2800  }
0x18b: {  	[sflag:s19] =	ssyncset.done $0x0  }
0x18c: {  	s6 =	simm.s32 @!p3 $0xA;
	[sflag:s19] =	ssyncadd.s32 $0xFFFFD800  }
0x18d: {  	_ =	swait.ge @!p3 [sflag:s6], $0x500  }
0x18e: {  	[sflag:s6] =	ssyncset.done @!p3 $0x0  }
0x18f: {  	[sflag:s6] =	ssyncadd.s32 @!p3 $0xFFFFFB00  }
0x190: {  	_ =	swait.ge [sflag:s15], $0x50  }
0x191: {  	[sflag:s15] =	ssyncset.done $0x0  }
0x192: {  	[sflag:s15] =	ssyncadd.s32 $0xFFFFFFB0  }
0x193: {  	_ =	swait.ge [sflag:s15], $0x50  }
0x194: {  	[sflag:s15] =	ssyncset.done $0x0  }
0x195: {  	[sflag:s15] =	ssyncadd.s32 $0xFFFFFFB0  }
0x196: {  	v3 =	vld [tilespmem:$0x0]  }
0x197: {  	v4 =	vld [tilespmem:$0xF0]  }
0x198: {  	v5 =	vld [tilespmem:$0x10]  }
0x199: {  	v6 =	vld [tilespmem:$0x100]  }
0x19a: {  	v7 =	vld [tilespmem:$0x20]  }
0x19b: {  	v9 =	vld [tilespmem:$0x110];
	v8 =	vshll.u32 v3, $0x1  }
0x19c: {  	vm0 =	veq.s32 v3, v4;
	v3 =	vld [tilespmem:$0x30];
	v8 =	vor.u32 v0, v8  }
0x19d: {  	v10 =	vld [tilespmem:$0x120];
	v36 =	vshll.u32 v5, $0x1;
	v4 =	vsel vm0, $0x2710, v4;
	[tilespmem:$0x1E0] =	vst v8  }
0x19e: {  	v38 =	vld [tilespmem:$0x40];
	vm7 =	veq.s32 v5, v6;
	v37 =	vor.u32 v0, v36;
	[tilespmem:$0x2D0] =	vst v4  }
0x19f: {  	v41 =	vld [tilespmem:$0x130];
	v40 =	vshll.u32 v7, $0x1;
	v39 =	vsel vm7, $0x2710, v6;
	[tilespmem:$0x1F0] =	vst v37  }
0x1a0: {  	vm8 =	veq.s32 v7, v9;
	v42 =	vor.u32 v0, v40;
	[tilespmem:$0x2E0] =	vst v39  }
0x1a1: {  	v43 =	vsel vm8, $0x2710, v9;
	[tilespmem:$0x200] =	vst v42;
	v44 =	vshll.u32 v3, $0x1  }
0x1a2: {  	[tilespmem:$0x2F0] =	vst v43;
	vm9 =	veq.s32 v3, v10;
	v45 =	vor.u32 v0, v44  }
0x1a3: {  	v46 =	vshll.u32 v38, $0x1;
	v3 =	vsel vm9, $0x2710, v10;
	[tilespmem:$0x210] =	vst v45  }
0x1a4: {  	vm10 =	veq.s32 v38, v41;
	[tilespmem:$0x300] =	vst v3;
	v3 =	vor.u32 v0, v46  }
0x1a5: {  	[tilespmem:$0x220] =	vst v3;
	v3 =	vsel vm10, $0x2710, v41  }
0x1a6: {  	[tilespmem:$0x310] =	vst v3  }
0x1a7: {  	[tilespmem:s1], [sflag:$0x4] =	stream.indirect.gather [hbm4b:s21+s0], $0x80, s23, s0, $0xb8;
	[tilespmem:$0x1E598] =	vst v63  }
0x1a8: {  	_ =	swait.ge [sflag:s9], $0x2800  }
0x1a9: {  	[sflag:s9] =	ssyncset.done $0x0  }
0x1aa: {  	s20 =	simm.s32 $0x370;
	[sflag:s9] =	ssyncadd.s32 $0xFFFFD800  }
0x1ab: {  	[spmem:s2] =	stream.indirect.scatter.add.f32 [tilespmem:s22], [sflag:$0x9], $0x80, s20, s0, $0xb8;
	[tilespmem:$0x1E598] =	vst v63  }
0x1ac: {  	s12 =	simm.s32 @!p3 $0x370;
	s13 =	simm.s32 @!p3 $0x7BC0;
	s6 =	simm.s32 @!p3 $0x50  }
0x1ad: {  	[spmem:s3] =	stream.indirect.scatter.add.f32 @!p3 [tilespmem:s13], [sflag:$0xC], $0x10, s12, s6, $0xb8;
	[tilespmem:$0x1E598] =	vst v63  }
0x1ae: {  	_ =	swait.ge [sflag:s24], $0x2800  }
0x1af: {  	s22 =	sld [smem:$0x7F3];
	_ =	sdelay $0x2  }
0x1b0: {  	[sflag:s24] =	ssyncset.done $0x0;
	p1 =	seq.s32 s22, $0x1  }
0x1b1: {  	[sflag:s24] =	ssyncadd.s32 $0xFFFFD800;
	s6 =	simm.s32 @!p1 $0xB  }
0x1b2: {  	_ =	swait.ge @!p1 [sflag:s6], $0x500  }
0x1b3: {  	[sflag:s6] =	ssyncset.done @!p1 $0x0  }
0x1b4: {  	[sflag:s6] =	ssyncadd.s32 @!p1 $0xFFFFFB00  }
0x1b5: {  	_ =	swait.ge [sflag:s17], $0x50  }
0x1b6: {  	[sflag:s17] =	ssyncset.done $0x0  }
0x1b7: {  	[sflag:s17] =	ssyncadd.s32 $0xFFFFFFB0  }
0x1b8: {  	_ =	swait.ge [sflag:s17], $0x50  }
0x1b9: {  	[sflag:s17] =	ssyncset.done $0x0  }
0x1ba: {  	[sflag:s17] =	ssyncadd.s32 $0xFFFFFFB0  }
0x1bb: {  	v3 =	vld [tilespmem:$0x50]  }
0x1bc: {  	v47 =	vld [tilespmem:$0x140]  }
0x1bd: {  	v48 =	vld [tilespmem:$0x60]  }
0x1be: {  	v49 =	vld [tilespmem:$0x150]  }
0x1bf: {  	v50 =	vld [tilespmem:$0x70]  }
0x1c0: {  	v52 =	vld [tilespmem:$0x160];
	v51 =	vshll.u32 v3, $0x1  }
0x1c1: {  	vm11 =	veq.s32 v3, v47;
	v3 =	vld [tilespmem:$0x80];
	v8 =	vor.u32 v0, v51  }
0x1c2: {  	v54 =	vld [tilespmem:$0x170];
	v53 =	vshll.u32 v48, $0x1;
	v4 =	vsel vm11, $0x2710, v47;
	[tilespmem:$0x230] =	vst v8  }
0x1c3: {  	v56 =	vld [tilespmem:$0x90];
	vm12 =	veq.s32 v48, v49;
	v55 =	vor.u32 v0, v53;
	[tilespmem:$0x320] =	vst v4  }
0x1c4: {  	v59 =	vld [tilespmem:$0x180];
	v58 =	vshll.u32 v50, $0x1;
	v57 =	vsel vm12, $0x2710, v49;
	[tilespmem:$0x240] =	vst v55  }
0x1c5: {  	vm13 =	veq.s32 v50, v52;
	v60 =	vor.u32 v0, v58;
	[tilespmem:$0x330] =	vst v57  }
0x1c6: {  	v61 =	vsel vm13, $0x2710, v52;
	[tilespmem:$0x250] =	vst v60;
	v62 =	vshll.u32 v3, $0x1  }
0x1c7: {  	[tilespmem:$0x340] =	vst v61;
	vm14 =	veq.s32 v3, v54;
	v3 =	vor.u32 v0, v62  }
0x1c8: {  	v63 =	vshll.u32 v56, $0x1;
	[tilespmem:$0x260] =	vst v3;
	v3 =	vsel vm14, $0x2710, v54  }
0x1c9: {  	vm15 =	veq.s32 v56, v59;
	[tilespmem:$0x350] =	vst v3;
	v3 =	vor.u32 v0, v63  }
0x1ca: {  	[tilespmem:$0x270] =	vst v3;
	v3 =	vsel vm15, $0x2710, v59  }
0x1cb: {  	s23 =	simm.s32 $0x230;
	[tilespmem:$0x360] =	vst v3  }
0x1cc: {  	[tilespmem:s31], [sflag:$0x5] =	stream.indirect.gather [hbm4b:s21+s0], $0x80, s23, s0, $0xb8;
	[tilespmem:$0x1E598] =	vst v63  }
0x1cd: {  	_ =	swait.ge [sflag:s26], $0x2800  }
0x1ce: {  	[sflag:s26] =	ssyncset.done $0x0  }
0x1cf: {  	s25 =	simm.s32 $0x2D0;
	[sflag:s26] =	ssyncadd.s32 $0xFFFFD800  }
0x1d0: {  	[spmem:s2] =	stream.indirect.scatter.add.f32 [tilespmem:s1], [sflag:$0x7], $0x80, s25, s0, $0xb8;
	[tilespmem:$0x1E598] =	vst v63  }
0x1d1: {  	s12 =	simm.s32 @!p1 $0x2D0;
	s13 =	simm.s32 @!p1 $0x7BC0;
	s6 =	simm.s32 @!p1 $0x50  }
0x1d2: {  	[spmem:s3] =	stream.indirect.scatter.add.f32 @!p1 [tilespmem:s13], [sflag:$0xA], $0x10, s12, s6, $0xb8;
	[tilespmem:$0x1E598] =	vst v63  }
0x1d3: {  	_ =	swait.ge [sflag:s28], $0x2800  }
0x1d4: {  	[sflag:s28] =	ssyncset.done $0x0  }
0x1d5: {  	s26 =	simm.s32 $0x320;
	[sflag:s28] =	ssyncadd.s32 $0xFFFFD800  }
0x1d6: {  	[spmem:s2] =	stream.indirect.scatter.add.f32 [tilespmem:s31], [sflag:$0x8], $0x80, s26, s0, $0xb8;
	[tilespmem:$0x1E598] =	vst v63  }
0x1d7: {  	s6 =	simm.s32 @p4 $0x50;
	s12 =	simm.s32 @p4 $0x320;
	s13 =	simm.s32 @p4 $0x7BC0  }
0x1d8: {  	[spmem:s3] =	stream.indirect.scatter.add.f32 @p4 [tilespmem:s13], [sflag:$0xB], $0x10, s12, s6, $0xb8;
	[tilespmem:$0x1E598] =	vst v63  }
0x1d9: {  	s6 =	simm.s32 @p4 $0x9  }
0x1da: {  	_ =	swait.ge @p4 [sflag:s6], $0x2800  }
0x1db: {  	[sflag:s6] =	ssyncset.done @p4 $0x0  }
0x1dc: {  	[sflag:s6] =	ssyncadd.s32 @p4 $0xFFFFD800;
	s6 =	simm.s32 @p4 $0xC  }
0x1dd: {  	_ =	swait.ge @p4 [sflag:s6], $0x500  }
0x1de: {  	[sflag:s6] =	ssyncset.done @p4 $0x0  }
0x1df: {  	[sflag:s6] =	ssyncadd.s32 @p4 $0xFFFFFB00;
	s6 =	simm.s32 @!p4 $0x9  }
0x1e0: {  	_ =	swait.ge @!p4 [sflag:s6], $0x2800  }
0x1e1: {  	[sflag:s6] =	ssyncset.done @!p4 $0x0  }
0x1e2: {  	[sflag:s6] =	ssyncadd.s32 @!p4 $0xFFFFD800  }
0x1e3: {  	_ =	swait.ge [sflag:s19], $0x2800  }
0x1e4: {  	[sflag:s19] =	ssyncset.done $0x0  }
0x1e5: {  	s6 =	simm.s32 @!p1 $0xA;
	[sflag:s19] =	ssyncadd.s32 $0xFFFFD800  }
0x1e6: {  	_ =	swait.ge @!p1 [sflag:s6], $0x500  }
0x1e7: {  	[sflag:s6] =	ssyncset.done @!p1 $0x0  }
0x1e8: {  	[sflag:s6] =	ssyncadd.s32 @!p1 $0xFFFFFB00  }
0x1e9: {  	_ =	swait.ge [sflag:s24], $0x2800  }
0x1ea: {  	[sflag:s24] =	ssyncset.done $0x0  }
0x1eb: {  	s6 =	simm.s32 @!p3 $0xB;
	[sflag:s24] =	ssyncadd.s32 $0xFFFFD800  }
0x1ec: {  	_ =	swait.ge @!p3 [sflag:s6], $0x500  }
0x1ed: {  	[sflag:s6] =	ssyncset.done @!p3 $0x0  }
0x1ee: {  	[sflag:s6] =	ssyncadd.s32 @!p3 $0xFFFFFB00  }
0x1ef: {  	_ =	swait.ge [sflag:s18], $0x50  }
0x1f0: {  	[sflag:s18] =	ssyncset.done $0x0  }
0x1f1: {  	[sflag:s18] =	ssyncadd.s32 $0xFFFFFFB0  }
0x1f2: {  	_ =	swait.ge [sflag:s18], $0x50  }
0x1f3: {  	[sflag:s18] =	ssyncset.done $0x0  }
0x1f4: {  	s29 =	sadd.s32 $0x0, s5;
	[sflag:s18] =	ssyncadd.s32 $0xFFFFFFB0  }
0x1f5: {  	p1 =	sgt.u32 s29, $0x7C;
	[bflag:$0x0] =	sbarrier.arrive $0xFFFF  }
0x1f6: {  	s12 =	simm.s32 @!p1 $0xE;
	s6 =	simm.s32 @!p1 $0x3C0;
	s25 =	rddreg [dreg:$0x18]  }
0x1f7: {  	[tilespmem:s6], [sflag:$0xE] =	stream.linear.gather @!p1 [spmem:s25], $0x2800, $0x38;
	[tilespmem:$0x1E598] =	vst v63  }
0x1f8: {  	s16 =	simm.s32 $0x20;
	s30 =	simm.s32 $0x53C0;
	_ =	swait.ge @!p1 [sflag:s12], $0x2800  }
0x1f9: {  	s22 =	simm.s32 $0x4;
	s14 =	simm.s32 @!p1 $0x80C0;
	[sflag:s12] =	ssyncset.done @!p1 $0x0  }
0x1fa: {  	p6 =	por p1, p1;
	s8 =	rddreg [dreg:$0x19];
	[sflag:s12] =	ssyncadd.s32 @!p1 $0xFFFFD800  }
0x1fb: {  	[tilespmem:s14], [sflag:$0xE] =	stream.linear.gather @!p6 [spmem:s8], $0x500, $0x38;
	[tilespmem:$0x1E598] =	vst v63  }
0x1fc: {  	s1 =	simm.s32 $0x3C0;
	s31 =	sadd.s32 $0x10, s5;
	_ =	swait.ge @!p6 [sflag:s12], $0x500  }
0x1fd: {  	s26 =	simm.s32 $0x5;
	p2 =	sgt.u32 s31, $0x7C;
	[sflag:s12] =	ssyncset.done @!p6 $0x0  }
0x1fe: {  	s20 =	simm.s32 @!p6 $0x0;
	s7 =	rddreg [dreg:$0x11];
	[sflag:s12] =	ssyncadd.s32 @!p6 $0xFFFFFB00  }
0x1ff: {  	[hbm4b:s7+s20] =	stream.linear.scatter @!p6 [tilespmem:s6], [sflag:$0xE], $0x2800, $0x38;
	[tilespmem:$0x1E598] =	vst v63  }
0x200: {  	s19 =	simm.s32 $0x320;
	s23 =	simm.s32 @!p6 $0xD;
	_ =	swait.ge @!p6 [sflag:s12], $0x2800  }
0x201: {  	s24 =	simm.s32 $0x230;
	p1 =	por !p0, p6;
	[sflag:s12] =	ssyncset.done @!p6 $0x0  }
0x202: {  	s23 =	simm.s32 @p1 $0xE;
	s6 =	rddreg [dreg:$0x12];
	[sflag:s12] =	ssyncadd.s32 @!p6 $0xFFFFD800  }
0x203: {  	[hbm4b:s6+s20] =	stream.linear.scatter @!p6 [tilespmem:s14], [sflag:s23], $0x500, $0x38;
	[tilespmem:$0x1E598] =	vst v63  }
0x204: {  	s13 =	sadd.s32 $0x5000, s8;
	s12 =	sadd.s32 $0xA00, s6;
	_ =	swait.ge @!p6 [sflag:s23], $0x500  }
0x205: {  	s20 =	sadd.s32 $0x28000, s25;
	s14 =	sadd.s32 $0x5000, s7;
	[sflag:s23] =	ssyncset.done @!p6 $0x0  }
.LBB2_6:
0x206: {  	s6 =	simm.s32 @!p2 $0x3C0;
	s29 =	simm.s32 @!p2 $0xE;
	[sflag:s23] =	ssyncadd.s32 @!p6 $0xFFFFFB00  }
0x207: {  	[tilespmem:s6], [sflag:$0xE] =	stream.linear.gather @!p2 [spmem:s20], $0x2800, $0x38;
	[tilespmem:$0x1E598] =	vst v63  }
0x208: {  	s7 =	smov.u32 s16;
	s16 =	sadd.s32 $0x10, s16;
	_ =	swait.ge @!p2 [sflag:s29], $0x2800  }
0x209: {  	s8 =	smov.u32 s12;
	p1 =	sne.s32 s16, $0x80;
	[sflag:s29] =	ssyncset.done @!p2 $0x0  }
0x20a: {  	s10 =	simm.s32 @!p2 $0x80C0;
	p6 =	por p2, p2;
	[sflag:s29] =	ssyncadd.s32 @!p2 $0xFFFFD800  }
0x20b: {  	[tilespmem:s10], [sflag:$0xE] =	stream.linear.gather @!p6 [spmem:s13], $0x500, $0x38;
	[tilespmem:$0x1E598] =	vst v63  }
0x20c: {  	_ =	swait.ge @!p6 [sflag:s29], $0x500  }
0x20d: {  	[sflag:s29] =	ssyncset.done @!p6 $0x0  }
0x20e: {  	s11 =	simm.s32 @!p6 $0x0;
	[sflag:s29] =	ssyncadd.s32 @!p6 $0xFFFFFB00  }
0x20f: {  	[hbm4b:s14+s11] =	stream.linear.scatter @!p6 [tilespmem:s6], [sflag:$0xE], $0x2800, $0x38;
	[tilespmem:$0x1E598] =	vst v63  }
0x210: {  	p2 =	por !p0, p6;
	s13 =	sadd.s32 $0x5000, s13;
	_ =	swait.ge @!p6 [sflag:s29], $0x2800  }
.Ltmp2:
0x211: {  	s23 =	simm.s32 @!p6 $0xD;
	[sflag:s29] =	ssyncset.done @!p6 $0x0;
	(pc) =	sbr.rel @p1 .LBB2_6-.Ltmp2, $4  }
0x212: {  	s12 =	sadd.s32 $0xA00, s12;
	s23 =	simm.s32 @p2 $0xE;
	[sflag:s29] =	ssyncadd.s32 @!p6 $0xFFFFD800  }
0x213: {  	[hbm4b:s8+s11] =	stream.linear.scatter @!p6 [tilespmem:s10], [sflag:s23], $0x500, $0x38;
	[tilespmem:$0x1E598] =	vst v63  }
0x214: {  	s20 =	sadd.s32 $0x28000, s20;
	s6 =	sadd.s32 s7, s5;
	_ =	swait.ge @!p6 [sflag:s23], $0x500  }
0x215: {  	s14 =	sadd.s32 $0x5000, s14;
	p2 =	sgt.u32 s6, $0x7C;
	[sflag:s23] =	ssyncset.done @!p6 $0x0  }
0x216: {  	s6 =	simm.s32 @!p2 $0x3C0;
	s7 =	simm.s32 @!p2 $0xE;
	[sflag:s23] =	ssyncadd.s32 @!p6 $0xFFFFFB00  }
0x217: {  	[tilespmem:s6], [sflag:$0xE] =	stream.linear.gather @!p2 [spmem:s20], $0x2800, $0x38;
	[tilespmem:$0x1E598] =	vst v63  }
0x218: {  	_ =	swait.ge @!p2 [sflag:s7], $0x2800  }
0x219: {  	[sflag:s7] =	ssyncset.done @!p2 $0x0  }
0x21a: {  	s8 =	simm.s32 @!p2 $0x80C0;
	p1 =	por p2, p2;
	[sflag:s7] =	ssyncadd.s32 @!p2 $0xFFFFD800  }
0x21b: {  	[tilespmem:s8], [sflag:$0xE] =	stream.linear.gather @!p1 [spmem:s13], $0x500, $0x38;
	[tilespmem:$0x1E598] =	vst v63  }
0x21c: {  	_ =	swait.ge @!p1 [sflag:s7], $0x500  }
0x21d: {  	[sflag:s7] =	ssyncset.done @!p1 $0x0  }
0x21e: {  	s10 =	simm.s32 @!p1 $0x0;
	[sflag:s7] =	ssyncadd.s32 @!p1 $0xFFFFFB00  }
0x21f: {  	[hbm4b:s14+s10] =	stream.linear.scatter @!p1 [tilespmem:s6], [sflag:$0xE], $0x2800, $0x38;
	[tilespmem:$0x1E598] =	vst v63  }
0x220: {  	_ =	swait.ge @!p1 [sflag:s7], $0x2800  }
0x221: {  	p2 =	por !p0, p1;
	s6 =	simm.s32 @!p1 $0xD;
	[sflag:s7] =	ssyncset.done @!p1 $0x0  }
0x222: {  	s6 =	simm.s32 @p2 $0xE;
	[sflag:s7] =	ssyncadd.s32 @!p1 $0xFFFFD800  }
0x223: {  	[hbm4b:s12+s10] =	stream.linear.scatter @!p1 [tilespmem:s8], [sflag:s6], $0x500, $0x38;
	[tilespmem:$0x1E598] =	vst v63  }
0x224: {  	_ =	swait.ge @!p1 [sflag:s6], $0x500  }
0x225: {  	s11 =	sld [smem:$0x7F1];
	_ =	sdelay $0x2  }
0x226: {  	s23 =	rddreg [dreg:$0x17];
	s11 =	sadd.s32 $0x1, s11  }
0x227: {  	p2 =	sne.s32 s11, s23  }
.Ltmp3:
0x228: {  	_ = 	snop;
	(pc) =	sbr.rel @p2 .LBB2_1-.Ltmp3, $4  }
0x229: {  	s16 =	simm.s32 $0xF0;
	s29 =	simm.s32 $0x2D0  }
0x22a: {  	s31 =	simm.s32 $0x280;
	s20 =	simm.s32 $0x140;
	s7 =	simm.s32 $0xA0  }
0x22b: {  	s8 =	simm.s32 $0x190;
	s10 =	simm.s32 $0x2BC0;
	[sflag:s6] =	ssyncset.done @!p1 $0x0  }
0x22c: {  	[sflag:s6] =	ssyncadd.s32 @!p1 $0xFFFFFB00;
	s6 =	rddreg [dreg:$0xa];
	s23 =	simm.s32 $0x1E0  }
0x22d: {  	_ =	sfence.sel $0x180000  }
0x22e: {  	[bflag:$0x0] =	sbarrier.arrive $0xFFFF  }
0x22f: {  	_ =	strace $0x90000047  }
0x230: {  	[bflag:$0x2] =	sbarrier.arrive $0xFFFF  }
0x231: {  	p0 =	sne.s32 s5, $0x0;
	s0 =	rddreg [dreg:$0x4]  }
0x232: {  	s0 =	sadd.s32 @!p0 $0x100000, s0  }
0x233: {  	[sflag:s0] =	ssyncadd.tile.s32 @!p0 $0x1;
	_ =	shalt  }
.Lfunc_end2:
_tile_overlayer_lowered:
.L_overlay_start_2:
0x234: {  	(tag) =	ssettag $0x2  }
0x235: {  	s0 =	rddreg [dreg:$0x0];
	s2 =	stileid.u32  }
0x236: {  	s1 =	rddreg [dreg:$0x1];
	p0 =	sne.s32 s2, $0x0  }
0x237: {  	s3 =	rddreg [dreg:$0x2];
	[bflag:$0x3] =	sbarrier.arrive $0xFFFF;
	s2 =	simm.s32 @!p0 $0x1C0D  }
0x238: {  	[timem:s3], [sflag:s2] =	dma.local @!p0 [hbm:s0], s1  }
0x239: {  	s0 =	simm.s32 @!p0 $0xD  }
0x23a: {  	_ =	swait.ge @!p0 [sflag:s0], s1  }
0x23b: {  	s1 =	ssub.s32 @!p0 $0x0, s1;
	[sflag:s0] =	ssyncset.done @!p0 $0x0  }
0x23c: {  	[sflag:s0] =	ssyncadd.s32 @!p0 s1  }
0x23d: {  	[bflag:$0x3] =	sbarrier.arrive $0xFFFF  }
0x23e: {  	_ =	shalt  }

</sc_bundles>
